<compile_context>
chip_gen: v7x
topology: tpu7x:2x2x1
jax: 0.10.2.dev20260603
libtpu: 0.0.44.dev20260713+nightly
codegen_flags: <defaults>
</compile_context>

<pallas_src>
import dataclasses
import functools

import numpy as np

import jax
import jax.numpy as jnp
from jax import lax
from jax.experimental import pallas as pl
from jax.experimental.pallas import tpu as pltpu
from jax.experimental.pallas import tpu_sc as plsc

N_NODES = 10000
N_EDGES = 320000

NUM_CORES = 2
NUM_SUBCORES = 16
NUM_WORKERS = NUM_CORES * NUM_SUBCORES
LANES = 16

CHUNK = 128
ROWS_PAD = 2560
N_DUMMY = ROWS_PAD * CHUNK - N_EDGES
FEAT = 64

N_PAD = 10240
NODE_ROWS_PER_SUBCORE = N_PAD // NUM_SUBCORES
EDGE_ROWS_PER_TASK = ROWS_PAD // NUM_WORKERS
FEAT_ROWS_PER_TASK = ROWS_PAD // NUM_SUBCORES


_mesh = lambda: plsc.VectorSubcoreMesh(core_axis_name="c", subcore_axis_name="s")


def _sc_params():
    cp = pltpu.CompilerParams()
    if "needs_layout_passes" in pltpu.CompilerParams.__dataclass_fields__:
        cp = dataclasses.replace(cp, needs_layout_passes=False)
    cp = dataclasses.replace(cp, use_tc_tiling_on_sc=False)
    return cp


def _deg_partials(dst_rows):

    @functools.partial(
        pl.kernel,
        out_type=jax.ShapeDtypeStruct((NUM_WORKERS * N_NODES,), jnp.float32),
        mesh=_mesh(),
        compiler_params=_sc_params(),
        scratch_types=[
            pltpu.VMEM((EDGE_ROWS_PER_TASK, CHUNK), jnp.int32),
            pltpu.VMEM((N_PAD,), jnp.float32),
        ],
    )
    def deg_kernel(dst_hbm, out_hbm, idx_v, deg_v):
        c = lax.axis_index("c")
        s = lax.axis_index("s")
        wid = c * NUM_SUBCORES + s
        row0 = wid * EDGE_ROWS_PER_TASK
        pltpu.sync_copy(dst_hbm.at[pl.ds(row0, EDGE_ROWS_PER_TASK)], idx_v)

        zeros = jnp.zeros((LANES,), jnp.float32)

        @pl.loop(0, N_PAD // LANES)
        def _(k):
            deg_v[pl.ds(k * LANES, LANES)] = zeros

        ones = jnp.ones((LANES,), jnp.float32)

        @pl.loop(0, EDGE_ROWS_PER_TASK)
        def _(i):
            for j in range(CHUNK // LANES):
                idx = idx_v[i, pl.ds(j * LANES, LANES)]
                plsc.addupdate_scatter(deg_v, [idx], ones)

        pltpu.sync_copy(deg_v.at[pl.ds(0, N_NODES)],
                        out_hbm.at[pl.ds(wid * N_NODES, N_NODES)])

    return deg_kernel(dst_rows)


def _make_agg(mode):
    feat_mode = mode == "feat"
    rows_buf = FEAT_ROWS_PER_TASK if feat_mode else EDGE_ROWS_PER_TASK
    nrows = rows_buf

    kern = functools.partial(
        pl.kernel,
        out_type=jax.ShapeDtypeStruct((NUM_CORES * N_PAD, FEAT), jnp.float32),
        mesh=_mesh(),
        compiler_params=_sc_params(),
        scratch_types=[
            pltpu.VMEM((rows_buf, CHUNK), jnp.int32),
            pltpu.VMEM((rows_buf, CHUNK), jnp.int32),
            pltpu.VMEM((CHUNK, FEAT), jnp.float32),
            pltpu.VMEM((CHUNK, FEAT), jnp.float32),
            pltpu.VMEM((CHUNK, FEAT), jnp.float32),
            pltpu.VMEM((CHUNK, FEAT), jnp.float32),
            pltpu.VMEM_SHARED((N_PAD, FEAT), jnp.float32),
            pltpu.SemaphoreType.DMA,
            pltpu.SemaphoreType.DMA,
            pltpu.SemaphoreType.DMA,
            pltpu.SemaphoreType.DMA,
            pltpu.SemaphoreType.DMA,
            pltpu.SemaphoreType.DMA,
            pltpu.SemaphoreType.DMA,
            pltpu.SemaphoreType.DMA,
        ],
    )

    def agg_body(tabs, src_hbm, dst_hbm, out_hbm, src_v, dst_v,
                 b0, b1, b2, b3, acc,
                 g0, g1, g2, g3, s0, s1, s2, s3):
        bufs = (b0, b1, b2, b3)
        gsem = (g0, g1, g2, g3)
        ssem = (s0, s1, s2, s3)
        c = lax.axis_index("c")
        s = lax.axis_index("s")
        tid = s if feat_mode else c * NUM_SUBCORES + s
        row0 = tid * rows_buf
        pltpu.sync_copy(src_hbm.at[pl.ds(row0, rows_buf)], src_v)
        pltpu.sync_copy(dst_hbm.at[pl.ds(row0, rows_buf)], dst_v)

        zeros = jnp.zeros((LANES,), jnp.float32)

        @pl.loop(0, CHUNK)
        def _(r):
            for cc in range(FEAT // LANES):
                b0[r, pl.ds(cc * LANES, LANES)] = zeros

        base = s * NODE_ROWS_PER_SUBCORE
        for k in range(NODE_ROWS_PER_SUBCORE // CHUNK):
            pltpu.sync_copy(b0, acc.at[pl.ds(base + k * CHUNK, CHUNK)])
        plsc.subcore_barrier()

        def pipeline(g_hbm):
            def g_issue(i, k):
                pltpu.async_copy(g_hbm.at[src_v.at[i]], bufs[k], gsem[k])

            def g_wait(i, k):
                pltpu.make_async_copy(
                    g_hbm.at[src_v.at[i]], bufs[k], gsem[k]).wait()

            def s_issue(i, k):
                pltpu.async_copy(bufs[k], acc.at[dst_v.at[i]], ssem[k],
                                 add=True)

            def s_wait(i, k):
                pltpu.make_async_copy(
                    bufs[k], acc.at[dst_v.at[i]], ssem[k]).wait()

            g_issue(0, 0)
            g_issue(1, 1)
            for i in (0, 1):
                g_wait(i, i)
                s_issue(i, i)
                g_issue(i + 2, i + 2)

            @pl.loop(0, (nrows - 4) // 4)
            def _(j):
                ib = 2 + 4 * j
                for t in range(4):
                    i = ib + t
                    k = (2 + t) % 4
                    g_wait(i, k)
                    s_issue(i, k)
                    s_wait(i - 2, t)
                    g_issue(i + 2, t)

            for t, i in ((2, nrows - 2), (3, nrows - 1)):
                g_wait(i, t)
                s_issue(i, t)
            s_wait(nrows - 4, 0)
            s_wait(nrows - 3, 1)
            s_wait(nrows - 2, 2)
            s_wait(nrows - 1, 3)

        if feat_mode:
            @pl.when(c == 0)
            def _():
                pipeline(tabs[0])

            @pl.when(c == 1)
            def _():
                pipeline(tabs[1])
        else:
            pipeline(tabs[0])

        plsc.subcore_barrier()
        pltpu.sync_copy(
            acc.at[pl.ds(base, NODE_ROWS_PER_SUBCORE)],
            out_hbm.at[pl.ds(c * N_PAD + base, NODE_ROWS_PER_SUBCORE)],
        )

    if feat_mode:
        @kern
        def agg_kernel(ga, gb, src_hbm, dst_hbm, out_hbm, *rest):
            agg_body((ga, gb), src_hbm, dst_hbm, out_hbm, *rest)
    else:
        @kern
        def agg_kernel(g, src_hbm, dst_hbm, out_hbm, *rest):
            agg_body((g,), src_hbm, dst_hbm, out_hbm, *rest)

    return agg_kernel


_agg_feat = _make_agg("feat")
_agg_edge = _make_agg("edge")


_BR = 1000
_NB = N_NODES // _BR


def _dinv_body(parts_ref, o_ref):
    deg = 1.0 + jnp.sum(parts_ref[...], axis=0, keepdims=True)
    o_ref[...] = jnp.transpose(lax.rsqrt(deg))


def _dinv_col(parts):
    return pl.pallas_call(
        _dinv_body,
        out_shape=jax.ShapeDtypeStruct((N_NODES, 1), jnp.float32),
    )(parts)


def _mm1_scale_body(x_ref, w_ref, d_ref, oa_ref, ob_ref):
    h = jnp.dot(x_ref[...], w_ref[...],
                preferred_element_type=jnp.float32) * d_ref[...]
    oa_ref[...] = h[:, :FEAT]
    ob_ref[...] = h[:, FEAT:]


def _mm1_scale(x, w1, dcol):
    n, kin = x.shape
    out = jax.ShapeDtypeStruct((n, FEAT), jnp.float32)
    return pl.pallas_call(
        _mm1_scale_body,
        grid=(_NB,),
        in_specs=[
            pl.BlockSpec((_BR, kin), lambda i: (i, 0)),
            pl.BlockSpec((kin, 2 * FEAT), lambda i: (0, 0)),
            pl.BlockSpec((_BR, 1), lambda i: (i, 0)),
        ],
        out_specs=[
            pl.BlockSpec((_BR, FEAT), lambda i: (i, 0)),
            pl.BlockSpec((_BR, FEAT), lambda i: (i, 0)),
        ],
        out_shape=[out, out],
    )(x, w1, dcol)


def _mm2_body(p0_ref, p1_ref, ga_ref, gb_ref, d_ref, b_ref, w_ref, o_ref):
    d = d_ref[...]
    b = b_ref[...]
    w = w_ref[...]
    x1a = jnp.maximum(d * (p0_ref[...] + ga_ref[...]) + b[:, :FEAT], 0.0)
    x1b = jnp.maximum(d * (p1_ref[...] + gb_ref[...]) + b[:, FEAT:], 0.0)
    acc = jnp.dot(x1a, w[:FEAT, :], preferred_element_type=jnp.float32)
    acc += jnp.dot(x1b, w[FEAT:, :], preferred_element_type=jnp.float32)
    o_ref[...] = acc * d


def _mm2(p0, p1, ga, gb, dcol, brow, w2):
    n = p0.shape[0]
    kout = w2.shape[1]
    blk = pl.BlockSpec((_BR, FEAT), lambda i: (i, 0))
    return pl.pallas_call(
        _mm2_body,
        grid=(n // _BR,),
        in_specs=[
            blk, blk, blk, blk,
            pl.BlockSpec((_BR, 1), lambda i: (i, 0)),
            pl.BlockSpec((1, 2 * FEAT), lambda i: (0, 0)),
            pl.BlockSpec((2 * FEAT, kout), lambda i: (0, 0)),
        ],
        out_specs=pl.BlockSpec((_BR, kout), lambda i: (i, 0)),
        out_shape=jax.ShapeDtypeStruct((n, kout), jnp.float32),
    )(p0, p1, ga, gb, dcol, brow, w2)


def _final_body(q0_ref, q1_ref, g_ref, d_ref, b_ref, o_ref):
    z = d_ref[...] * (q0_ref[...] + q1_ref[...] + g_ref[...]) + b_ref[...]
    m = jnp.max(z, axis=-1, keepdims=True)
    e = z - m
    o_ref[...] = e - jnp.log(jnp.sum(jnp.exp(e), axis=-1, keepdims=True))


def _final(q0, q1, g2, dcol, brow):
    n, f = g2.shape
    blk = pl.BlockSpec((_BR, f), lambda i: (i, 0))
    return pl.pallas_call(
        _final_body,
        grid=(n // _BR,),
        in_specs=[
            blk, blk, blk,
            pl.BlockSpec((_BR, 1), lambda i: (i, 0)),
            pl.BlockSpec((1, f), lambda i: (0, 0)),
        ],
        out_specs=blk,
        out_shape=jax.ShapeDtypeStruct((n, f), jnp.float32),
    )(q0, q1, g2, dcol, brow)


def kernel(x, edge_index, W1, b1, W2, b2):
    n = x.shape[0]
    ei = edge_index.astype(jnp.int32)
    pad_np = np.arange(N_DUMMY, dtype=np.int32)
    src_pad = jnp.asarray(pad_np % N_NODES)
    dst_pad = jnp.asarray(N_NODES + pad_np % (N_PAD - N_NODES))
    src_rows = jnp.concatenate([ei[0], src_pad]).reshape(ROWS_PAD, CHUNK)
    dst_rows = jnp.concatenate([ei[1], dst_pad]).reshape(ROWS_PAD, CHUNK)

    deg_parts = _deg_partials(dst_rows).reshape(NUM_WORKERS, N_NODES)
    dinv_col = _dinv_col(deg_parts)
    tab_a, tab_b = _mm1_scale(x, W1, dinv_col)

    p = _agg_feat(tab_a, tab_b, src_rows, dst_rows)
    g2 = _mm2(p[:n], p[N_PAD:N_PAD + n], tab_a, tab_b, dinv_col,
              b1.reshape(1, -1), W2)

    q = _agg_edge(g2, src_rows, dst_rows)
    out = _final(q[:n], q[N_PAD:N_PAD + n], g2, dinv_col, b2.reshape(1, -1))
    return out

# --- scband reference (transcript-rebuilt; emitter-appended) ---
"""Pipeline reference for scband-debug-gcn-19275813224660 (READ-ONLY COPY).

The authoritative reference and input builder live on the scoring server;
editing this copy changes nothing except your own understanding.
"""

import jax, jax.numpy as jnp
import numpy as np

N_NODES = 10000
N_EDGES = 320000
IN_FEATS = 128
HIDDEN = 128
NUM_CLASSES = 64


def setup_inputs(seed: int = 0) -> dict:
    key = jax.random.key(seed)
    k_x, k_ei, k_w1, k_b1, k_w2, k_b2 = jax.random.split(key, 6)
    x = jax.random.normal(k_x, (N_NODES, IN_FEATS), dtype=jnp.float32)
    edge_index = jax.random.randint(k_ei, (2, N_EDGES), 0, N_NODES, dtype=jnp.int64)
    # Glorot-style init like PyG GCNConv
    s1 = (6.0 / (IN_FEATS + HIDDEN)) ** 0.5
    W1 = jax.random.uniform(k_w1, (IN_FEATS, HIDDEN), dtype=jnp.float32, minval=-s1, maxval=s1)
    b1 = jnp.zeros((HIDDEN,), dtype=jnp.float32)
    s2 = (6.0 / (HIDDEN + NUM_CLASSES)) ** 0.5
    W2 = jax.random.uniform(k_w2, (HIDDEN, NUM_CLASSES), dtype=jnp.float32, minval=-s2, maxval=s2)
    b2 = jnp.zeros((NUM_CLASSES,), dtype=jnp.float32)
    return {"x": x, "edge_index": edge_index, "W1": W1, "b1": b1, "W2": W2, "b2": b2}


def gcn_conv(x, edge_index, W, b, num_nodes):
    # PyG GCNConv semantics: add self-loops, symmetric normalization D^-1/2 A D^-1/2
    src = edge_index[0]
    dst = edge_index[1]
    loop = jnp.arange(num_nodes, dtype=src.dtype)
    src = jnp.concatenate([src, loop])
    dst = jnp.concatenate([dst, loop])
    ones = jnp.ones(src.shape[0], dtype=x.dtype)
    deg = jax.ops.segment_sum(ones, dst, num_segments=num_nodes)
    deg_inv_sqrt = jnp.where(deg > 0, 1.0 / jnp.sqrt(deg), 0.0)
    norm = deg_inv_sqrt[src] * deg_inv_sqrt[dst]
    h = x @ W
    msg = h[src] * norm[:, None]
    out = jax.ops.segment_sum(msg, dst, num_segments=num_nodes)
    return out + b


def reference(x, edge_index, W1, b1, W2, b2):
    # DebugGCN forward (eval mode: dropout is identity; print statements are side-effect only)
    x1 = gcn_conv(x, edge_index, W1, b1, N_NODES)
    x1 = jax.nn.relu(x1)
    # F.dropout(..., training=False) is a no-op
    x2 = gcn_conv(x1, edge_index, W2, b2, N_NODES)
    out = jax.nn.log_softmax(x2, axis=-1)
    return out

if __name__ == "__main__":
    import jax
    _d = setup_inputs()
    print(jax.jit(kernel)(*tuple(_d.values())))

</pallas_src>

<mosaic_0001>
#map = affine_map<(d0, d1) -> (0, 0)>
#map1 = affine_map<(d0, d1) -> (0)>
module attributes {stable_mosaic.version = 14 : i64} {
  func.func @deg_kernel(%arg0: i32, %arg1: i32, %arg2: memref<2560x128xi32, #tpu.memory_space<hbm>>, %arg3: memref<320000xf32, #tpu.memory_space<hbm>>, %arg4: memref<80x128xi32, #tpu.memory_space<vmem>>, %arg5: memref<10240xf32, #tpu.memory_space<vmem>>) attributes {dimension_semantics = [#tpu.dimension_semantics<core_parallel>, #tpu.dimension_semantics<subcore_parallel>], iteration_bounds = array<i64: 2, 16>, scalar_prefetch = 0 : i64, scratch_operands = 2 : i64, tpu.core_type = #tpu.core_type<sc_vector_subcore>, window_params = [{transform_indices = #map}, {transform_indices = #map1}]} {
    %mul3A = arith.constant 16 : i32
    %mul3A_0 = arith.muli %arg0, %mul3A : i32
    %add3A = arith.addi %mul3A_0, %arg1 : i32
    %mul3A_1 = arith.constant 80 : i32
    %mul3A_2 = arith.muli %add3A, %mul3A_1 : i32
    "tpu.region"() ({
      %run_scoped3A = tpu.sem_alloc : memref<!tpu.dma_semaphore, #tpu.memory_space<semaphore_mem>>
      %dma_start3A = arith.constant 0 : i32
      %dma_start3A_17 = tpu.memref_slice %arg2[%mul3A_2, %dma_start3A] : memref<2560x128xi32, #tpu.memory_space<hbm>> -> memref<80x128xi32, #tpu.memory_space<hbm>>
      %dma_start3A_18 = arith.constant 0 : i32
      %dma_start3A_19 = tpu.memref_slice %arg2[%mul3A_2, %dma_start3A_18] : memref<2560x128xi32, #tpu.memory_space<hbm>> -> memref<80x128xi32, #tpu.memory_space<hbm>>
      tpu.enqueue_dma source(%dma_start3A_19 : memref<80x128xi32, #tpu.memory_space<hbm>>) target(%arg4 : memref<80x128xi32, #tpu.memory_space<vmem>>) target_semaphore(%run_scoped3A : memref<!tpu.dma_semaphore, #tpu.memory_space<semaphore_mem>>)
      %dma_wait3A = arith.constant 0 : i32
      %dma_wait3A_20 = tpu.memref_slice %arg2[%mul3A_2, %dma_wait3A] : memref<2560x128xi32, #tpu.memory_space<hbm>> -> memref<80x128xi32, #tpu.memory_space<hbm>>
      %dma_wait3A_21 = arith.constant 0 : i32
      %dma_wait3A_22 = tpu.memref_slice %arg2[%mul3A_2, %dma_wait3A_21] : memref<2560x128xi32, #tpu.memory_space<hbm>> -> memref<80x128xi32, #tpu.memory_space<hbm>>
      tpu.wait_dma2 semaphore(%run_scoped3A : memref<!tpu.dma_semaphore, #tpu.memory_space<semaphore_mem>>) src(%dma_wait3A_22 : memref<80x128xi32, #tpu.memory_space<hbm>>) dst(%arg4 : memref<80x128xi32, #tpu.memory_space<vmem>>)
      tpu.yield
    }) : () -> ()
    %broadcast_in_dim3A = arith.constant 0.000000e+00 : f32
    %broadcast_in_dim3A_3 = vector.broadcast %broadcast_in_dim3A : f32 to vector<16xf32>
    %scan3A = arith.constant 0 : i32
    %scan3A_4 = arith.constant 640 : i32
    %scan3A_5 = arith.addi %scan3A, %scan3A_4 : i32
    %scan3A_6 = arith.constant 1 : i32
    scf.for %scan3A_17 = %scan3A to %scan3A_5 step %scan3A_6  : i32 {
      %mul3A_18 = arith.constant 1 : i32
      %mul3A_19 = arith.muli %scan3A_17, %mul3A_18 : i32
      %add3A_20 = arith.constant 0 : i32
      %add3A_21 = arith.addi %add3A_20, %mul3A_19 : i32
      %mul3A_22 = arith.constant 16 : i32
      %mul3A_23 = arith.muli %add3A_21, %mul3A_22 : i32
      %swap3A = arith.index_cast %mul3A_23 : i32 to index
      %swap3A_24 = tpu.vector_load %arg5[%swap3A] {strides = array<i32>} : memref<10240xf32, #tpu.memory_space<vmem>>, vector<16xf32>,
      tpu.vector_store %arg5[%swap3A], %broadcast_in_dim3A_3 {strides = array<i32>} : memref<10240xf32, #tpu.memory_space<vmem>>, vector<16xf32>,
    }
    %scan3A_7 = arith.constant 640 : i32
    %broadcast_in_dim3A_8 = arith.constant 1.000000e+00 : f32
    %broadcast_in_dim3A_9 = vector.broadcast %broadcast_in_dim3A_8 : f32 to vector<16xf32>
    %scan3A_10 = arith.constant 0 : i32
    %scan3A_11 = arith.constant 80 : i32
    %scan3A_12 = arith.addi %scan3A_10, %scan3A_11 : i32
    %scan3A_13 = arith.constant 1 : i32
    scf.for %scan3A_17 = %scan3A_10 to %scan3A_12 step %scan3A_13  : i32 {
      %mul3A_18 = arith.constant 1 : i32
      %mul3A_19 = arith.muli %scan3A_17, %mul3A_18 : i32
      %add3A_20 = arith.constant 0 : i32
      %add3A_21 = arith.addi %add3A_20, %mul3A_19 : i32
      %get3A = arith.index_cast %add3A_21 : i32 to index
      %get3A_22 = arith.constant 0 : index
      %get3A_23 = tpu.vector_load %arg4[%get3A, %get3A_22] {strides = array<i32>} : memref<80x128xi32, #tpu.memory_space<vmem>>, vector<16xi32>,
      tpu.vector_store_idx %arg5[%get3A_23], %broadcast_in_dim3A_9 {add = true} : memref<10240xf32, #tpu.memory_space<vmem>>[vector<16xi32>], vector<16xf32>,
      %get3A_24 = arith.index_cast %add3A_21 : i32 to index
      %get3A_25 = arith.constant 16 : index
      %get3A_26 = tpu.vector_load %arg4[%get3A_24, %get3A_25] {strides = array<i32>} : memref<80x128xi32, #tpu.memory_space<vmem>>, vector<16xi32>,
      tpu.vector_store_idx %arg5[%get3A_26], %broadcast_in_dim3A_9 {add = true} : memref<10240xf32, #tpu.memory_space<vmem>>[vector<16xi32>], vector<16xf32>,
      %get3A_27 = arith.index_cast %add3A_21 : i32 to index
      %get3A_28 = arith.constant 32 : index
      %get3A_29 = tpu.vector_load %arg4[%get3A_27, %get3A_28] {strides = array<i32>} : memref<80x128xi32, #tpu.memory_space<vmem>>, vector<16xi32>,
      tpu.vector_store_idx %arg5[%get3A_29], %broadcast_in_dim3A_9 {add = true} : memref<10240xf32, #tpu.memory_space<vmem>>[vector<16xi32>], vector<16xf32>,
      %get3A_30 = arith.index_cast %add3A_21 : i32 to index
      %get3A_31 = arith.constant 48 : index
      %get3A_32 = tpu.vector_load %arg4[%get3A_30, %get3A_31] {strides = array<i32>} : memref<80x128xi32, #tpu.memory_space<vmem>>, vector<16xi32>,
      tpu.vector_store_idx %arg5[%get3A_32], %broadcast_in_dim3A_9 {add = true} : memref<10240xf32, #tpu.memory_space<vmem>>[vector<16xi32>], vector<16xf32>,
      %get3A_33 = arith.index_cast %add3A_21 : i32 to index
      %get3A_34 = arith.constant 64 : index
      %get3A_35 = tpu.vector_load %arg4[%get3A_33, %get3A_34] {strides = array<i32>} : memref<80x128xi32, #tpu.memory_space<vmem>>, vector<16xi32>,
      tpu.vector_store_idx %arg5[%get3A_35], %broadcast_in_dim3A_9 {add = true} : memref<10240xf32, #tpu.memory_space<vmem>>[vector<16xi32>], vector<16xf32>,
      %get3A_36 = arith.index_cast %add3A_21 : i32 to index
      %get3A_37 = arith.constant 80 : index
      %get3A_38 = tpu.vector_load %arg4[%get3A_36, %get3A_37] {strides = array<i32>} : memref<80x128xi32, #tpu.memory_space<vmem>>, vector<16xi32>,
      tpu.vector_store_idx %arg5[%get3A_38], %broadcast_in_dim3A_9 {add = true} : memref<10240xf32, #tpu.memory_space<vmem>>[vector<16xi32>], vector<16xf32>,
      %get3A_39 = arith.index_cast %add3A_21 : i32 to index
      %get3A_40 = arith.constant 96 : index
      %get3A_41 = tpu.vector_load %arg4[%get3A_39, %get3A_40] {strides = array<i32>} : memref<80x128xi32, #tpu.memory_space<vmem>>, vector<16xi32>,
      tpu.vector_store_idx %arg5[%get3A_41], %broadcast_in_dim3A_9 {add = true} : memref<10240xf32, #tpu.memory_space<vmem>>[vector<16xi32>], vector<16xf32>,
      %get3A_42 = arith.index_cast %add3A_21 : i32 to index
      %get3A_43 = arith.constant 112 : index
      %get3A_44 = tpu.vector_load %arg4[%get3A_42, %get3A_43] {strides = array<i32>} : memref<80x128xi32, #tpu.memory_space<vmem>>, vector<16xi32>,
      tpu.vector_store_idx %arg5[%get3A_44], %broadcast_in_dim3A_9 {add = true} : memref<10240xf32, #tpu.memory_space<vmem>>[vector<16xi32>], vector<16xf32>,
    }
    %scan3A_14 = arith.constant 80 : i32
    %mul3A_15 = arith.constant 10000 : i32
    %mul3A_16 = arith.muli %add3A, %mul3A_15 : i32
    "tpu.region"() ({
      %run_scoped3A = tpu.sem_alloc : memref<!tpu.dma_semaphore, #tpu.memory_space<semaphore_mem>>
      %dma_start3A = arith.constant 0 : i32
      %dma_start3A_17 = tpu.memref_slice %arg5[%dma_start3A] : memref<10240xf32, #tpu.memory_space<vmem>> -> memref<10000xf32, #tpu.memory_space<vmem>>
      %dma_start3A_18 = tpu.memref_slice %arg3[%mul3A_16] : memref<320000xf32, #tpu.memory_space<hbm>> -> memref<10000xf32, #tpu.memory_space<hbm>>
      %dma_start3A_19 = tpu.memref_slice %arg3[%mul3A_16] : memref<320000xf32, #tpu.memory_space<hbm>> -> memref<10000xf32, #tpu.memory_space<hbm>>
      %dma_start3A_20 = arith.constant 0 : i32
      %dma_start3A_21 = tpu.memref_slice %arg5[%dma_start3A_20] : memref<10240xf32, #tpu.memory_space<vmem>> -> memref<10000xf32, #tpu.memory_space<vmem>>
      tpu.enqueue_dma source(%dma_start3A_21 : memref<10000xf32, #tpu.memory_space<vmem>>) target(%dma_start3A_19 : memref<10000xf32, #tpu.memory_space<hbm>>) target_semaphore(%run_scoped3A : memref<!tpu.dma_semaphore, #tpu.memory_space<semaphore_mem>>)
      %dma_wait3A = arith.constant 0 : i32
      %dma_wait3A_22 = tpu.memref_slice %arg5[%dma_wait3A] : memref<10240xf32, #tpu.memory_space<vmem>> -> memref<10000xf32, #tpu.memory_space<vmem>>
      %dma_wait3A_23 = tpu.memref_slice %arg3[%mul3A_16] : memref<320000xf32, #tpu.memory_space<hbm>> -> memref<10000xf32, #tpu.memory_space<hbm>>
      %dma_wait3A_24 = tpu.memref_slice %arg3[%mul3A_16] : memref<320000xf32, #tpu.memory_space<hbm>> -> memref<10000xf32, #tpu.memory_space<hbm>>
      %dma_wait3A_25 = arith.constant 0 : i32
      %dma_wait3A_26 = tpu.memref_slice %arg5[%dma_wait3A_25] : memref<10240xf32, #tpu.memory_space<vmem>> -> memref<10000xf32, #tpu.memory_space<vmem>>
      tpu.wait_dma2 semaphore(%run_scoped3A : memref<!tpu.dma_semaphore, #tpu.memory_space<semaphore_mem>>) src(%dma_wait3A_26 : memref<10000xf32, #tpu.memory_space<vmem>>) dst(%dma_wait3A_24 : memref<10000xf32, #tpu.memory_space<hbm>>)
      tpu.yield
    }) : () -> ()
    return
  }
}

#map = affine_map<(d0, d1) -> (0, 0)>
module attributes {stable_mosaic.version = 14 : i64} {
  func.func @agg_kernel(%arg0: i32, %arg1: i32, %arg2: memref<10000x64xf32, #tpu.memory_space<hbm>>, %arg3: memref<10000x64xf32, #tpu.memory_space<hbm>>, %arg4: memref<2560x128xi32, #tpu.memory_space<hbm>>, %arg5: memref<2560x128xi32, #tpu.memory_space<hbm>>, %arg6: memref<20480x64xf32, #tpu.memory_space<hbm>>, %arg7: memref<160x128xi32, #tpu.memory_space<vmem>>, %arg8: memref<160x128xi32, #tpu.memory_space<vmem>>, %arg9: memref<128x64xf32, #tpu.memory_space<vmem>>, %arg10: memref<128x64xf32, #tpu.memory_space<vmem>>, %arg11: memref<128x64xf32, #tpu.memory_space<vmem>>, %arg12: memref<128x64xf32, #tpu.memory_space<vmem>>, %arg13: memref<10240x64xf32, #tpu.memory_space<vmem_shared>>, %arg14: memref<!tpu.dma_semaphore, #tpu.memory_space<semaphore_mem>>, %arg15: memref<!tpu.dma_semaphore, #tpu.memory_space<semaphore_mem>>, %arg16: memref<!tpu.dma_semaphore, #tpu.memory_space<semaphore_mem>>, %arg17: memref<!tpu.dma_semaphore, #tpu.memory_space<semaphore_mem>>, %arg18: memref<!tpu.dma_semaphore, #tpu.memory_space<semaphore_mem>>, %arg19: memref<!tpu.dma_semaphore, #tpu.memory_space<semaphore_mem>>, %arg20: memref<!tpu.dma_semaphore, #tpu.memory_space<semaphore_mem>>, %arg21: memref<!tpu.dma_semaphore, #tpu.memory_space<semaphore_mem>>) attributes {dimension_semantics = [#tpu.dimension_semantics<core_parallel>, #tpu.dimension_semantics<subcore_parallel>], iteration_bounds = array<i64: 2, 16>, scalar_prefetch = 0 : i64, scratch_operands = 15 : i64, tpu.core_type = #tpu.core_type<sc_vector_subcore>, window_params = [{transform_indices = #map}, {transform_indices = #map}, {transform_indices = #map}, {transform_indices = #map}, {transform_indices = #map}]} {
    %mul3A = arith.constant 160 : i32
    %mul3A_0 = arith.muli %arg1, %mul3A : i32
    "tpu.region"() ({
      %run_scoped3A = tpu.sem_alloc : memref<!tpu.dma_semaphore, #tpu.memory_space<semaphore_mem>>
      %dma_start3A = arith.constant 0 : i32
      %dma_start3A_28 = tpu.memref_slice %arg4[%mul3A_0, %dma_start3A] : memref<2560x128xi32, #tpu.memory_space<hbm>> -> memref<160x128xi32, #tpu.memory_space<hbm>>
      %dma_start3A_29 = arith.constant 0 : i32
      %dma_start3A_30 = tpu.memref_slice %arg4[%mul3A_0, %dma_start3A_29] : memref<2560x128xi32, #tpu.memory_space<hbm>> -> memref<160x128xi32, #tpu.memory_space<hbm>>
      tpu.enqueue_dma source(%dma_start3A_30 : memref<160x128xi32, #tpu.memory_space<hbm>>) target(%arg7 : memref<160x128xi32, #tpu.memory_space<vmem>>) target_semaphore(%run_scoped3A : memref<!tpu.dma_semaphore, #tpu.memory_space<semaphore_mem>>)
      %dma_wait3A = arith.constant 0 : i32
      %dma_wait3A_31 = tpu.memref_slice %arg4[%mul3A_0, %dma_wait3A] : memref<2560x128xi32, #tpu.memory_space<hbm>> -> memref<160x128xi32, #tpu.memory_space<hbm>>
      %dma_wait3A_32 = arith.constant 0 : i32
      %dma_wait3A_33 = tpu.memref_slice %arg4[%mul3A_0, %dma_wait3A_32] : memref<2560x128xi32, #tpu.memory_space<hbm>> -> memref<160x128xi32, #tpu.memory_space<hbm>>
      tpu.wait_dma2 semaphore(%run_scoped3A : memref<!tpu.dma_semaphore, #tpu.memory_space<semaphore_mem>>) src(%dma_wait3A_33 : memref<160x128xi32, #tpu.memory_space<hbm>>) dst(%arg7 : memref<160x128xi32, #tpu.memory_space<vmem>>)
      tpu.yield
    }) : () -> ()
    "tpu.region"() ({
      %run_scoped3A = tpu.sem_alloc : memref<!tpu.dma_semaphore, #tpu.memory_space<semaphore_mem>>
      %dma_start3A = arith.constant 0 : i32
      %dma_start3A_28 = tpu.memref_slice %arg5[%mul3A_0, %dma_start3A] : memref<2560x128xi32, #tpu.memory_space<hbm>> -> memref<160x128xi32, #tpu.memory_space<hbm>>
      %dma_start3A_29 = arith.constant 0 : i32
      %dma_start3A_30 = tpu.memref_slice %arg5[%mul3A_0, %dma_start3A_29] : memref<2560x128xi32, #tpu.memory_space<hbm>> -> memref<160x128xi32, #tpu.memory_space<hbm>>
      tpu.enqueue_dma source(%dma_start3A_30 : memref<160x128xi32, #tpu.memory_space<hbm>>) target(%arg8 : memref<160x128xi32, #tpu.memory_space<vmem>>) target_semaphore(%run_scoped3A : memref<!tpu.dma_semaphore, #tpu.memory_space<semaphore_mem>>)
      %dma_wait3A = arith.constant 0 : i32
      %dma_wait3A_31 = tpu.memref_slice %arg5[%mul3A_0, %dma_wait3A] : memref<2560x128xi32, #tpu.memory_space<hbm>> -> memref<160x128xi32, #tpu.memory_space<hbm>>
      %dma_wait3A_32 = arith.constant 0 : i32
      %dma_wait3A_33 = tpu.memref_slice %arg5[%mul3A_0, %dma_wait3A_32] : memref<2560x128xi32, #tpu.memory_space<hbm>> -> memref<160x128xi32, #tpu.memory_space<hbm>>
      tpu.wait_dma2 semaphore(%run_scoped3A : memref<!tpu.dma_semaphore, #tpu.memory_space<semaphore_mem>>) src(%dma_wait3A_33 : memref<160x128xi32, #tpu.memory_space<hbm>>) dst(%arg8 : memref<160x128xi32, #tpu.memory_space<vmem>>)
      tpu.yield
    }) : () -> ()
    %broadcast_in_dim3A = arith.constant 0.000000e+00 : f32
    %broadcast_in_dim3A_1 = vector.broadcast %broadcast_in_dim3A : f32 to vector<16xf32>
    %scan3A = arith.constant 0 : i32
    %scan3A_2 = arith.constant 128 : i32
    %scan3A_3 = arith.addi %scan3A, %scan3A_2 : i32
    %scan3A_4 = arith.constant 1 : i32
    scf.for %scan3A_28 = %scan3A to %scan3A_3 step %scan3A_4  : i32 {
      %mul3A_29 = arith.constant 1 : i32
      %mul3A_30 = arith.muli %scan3A_28, %mul3A_29 : i32
      %add3A_31 = arith.constant 0 : i32
      %add3A_32 = arith.addi %add3A_31, %mul3A_30 : i32
      %swap3A = arith.index_cast %add3A_32 : i32 to index
      %swap3A_33 = arith.constant 0 : index
      %swap3A_34 = tpu.vector_load %arg9[%swap3A, %swap3A_33] {strides = array<i32>} : memref<128x64xf32, #tpu.memory_space<vmem>>, vector<16xf32>,
      tpu.vector_store %arg9[%swap3A, %swap3A_33], %broadcast_in_dim3A_1 {strides = array<i32>} : memref<128x64xf32, #tpu.memory_space<vmem>>, vector<16xf32>,
      %swap3A_35 = arith.index_cast %add3A_32 : i32 to index
      %swap3A_36 = arith.constant 16 : index
      %swap3A_37 = tpu.vector_load %arg9[%swap3A_35, %swap3A_36] {strides = array<i32>} : memref<128x64xf32, #tpu.memory_space<vmem>>, vector<16xf32>,
      tpu.vector_store %arg9[%swap3A_35, %swap3A_36], %broadcast_in_dim3A_1 {strides = array<i32>} : memref<128x64xf32, #tpu.memory_space<vmem>>, vector<16xf32>,
      %swap3A_38 = arith.index_cast %add3A_32 : i32 to index
      %swap3A_39 = arith.constant 32 : index
      %swap3A_40 = tpu.vector_load %arg9[%swap3A_38, %swap3A_39] {strides = array<i32>} : memref<128x64xf32, #tpu.memory_space<vmem>>, vector<16xf32>,
      tpu.vector_store %arg9[%swap3A_38, %swap3A_39], %broadcast_in_dim3A_1 {strides = array<i32>} : memref<128x64xf32, #tpu.memory_space<vmem>>, vector<16xf32>,
      %swap3A_41 = arith.index_cast %add3A_32 : i32 to index
      %swap3A_42 = arith.constant 48 : index
      %swap3A_43 = tpu.vector_load %arg9[%swap3A_41, %swap3A_42] {strides = array<i32>} : memref<128x64xf32, #tpu.memory_space<vmem>>, vector<16xf32>,
      tpu.vector_store %arg9[%swap3A_41, %swap3A_42], %broadcast_in_dim3A_1 {strides = array<i32>} : memref<128x64xf32, #tpu.memory_space<vmem>>, vector<16xf32>,
    }
    %scan3A_5 = arith.constant 128 : i32
    %mul3A_6 = arith.constant 640 : i32
    %mul3A_7 = arith.muli %arg1, %mul3A_6 : i32
    %add3A = arith.constant 0 : i32
    %add3A_8 = arith.addi %mul3A_7, %add3A : i32
    "tpu.region"() ({
      %run_scoped3A = tpu.sem_alloc : memref<!tpu.dma_semaphore, #tpu.memory_space<semaphore_mem>>
      %dma_start3A = arith.constant 0 : i32
      %dma_start3A_28 = tpu.memref_slice %arg13[%add3A_8, %dma_start3A] : memref<10240x64xf32, #tpu.memory_space<vmem_shared>> -> memref<128x64xf32, #tpu.memory_space<vmem_shared>>
      %dma_start3A_29 = arith.constant 0 : i32
      %dma_start3A_30 = tpu.memref_slice %arg13[%add3A_8, %dma_start3A_29] : memref<10240x64xf32, #tpu.memory_space<vmem_shared>> -> memref<128x64xf32, #tpu.memory_space<vmem_shared>>
      tpu.enqueue_dma source(%arg9 : memref<128x64xf32, #tpu.memory_space<vmem>>) target(%dma_start3A_30 : memref<128x64xf32, #tpu.memory_space<vmem_shared>>) target_semaphore(%run_scoped3A : memref<!tpu.dma_semaphore, #tpu.memory_space<semaphore_mem>>)
      %dma_wait3A = arith.constant 0 : i32
      %dma_wait3A_31 = tpu.memref_slice %arg13[%add3A_8, %dma_wait3A] : memref<10240x64xf32, #tpu.memory_space<vmem_shared>> -> memref<128x64xf32, #tpu.memory_space<vmem_shared>>
      %dma_wait3A_32 = arith.constant 0 : i32
      %dma_wait3A_33 = tpu.memref_slice %arg13[%add3A_8, %dma_wait3A_32] : memref<10240x64xf32, #tpu.memory_space<vmem_shared>> -> memref<128x64xf32, #tpu.memory_space<vmem_shared>>
      tpu.wait_dma2 semaphore(%run_scoped3A : memref<!tpu.dma_semaphore, #tpu.memory_space<semaphore_mem>>) src(%arg9 : memref<128x64xf32, #tpu.memory_space<vmem>>) dst(%dma_wait3A_33 : memref<128x64xf32, #tpu.memory_space<vmem_shared>>)
      tpu.yield
    }) : () -> ()
    %add3A_9 = arith.constant 128 : i32
    %add3A_10 = arith.addi %mul3A_7, %add3A_9 : i32
    "tpu.region"() ({
      %run_scoped3A = tpu.sem_alloc : memref<!tpu.dma_semaphore, #tpu.memory_space<semaphore_mem>>
      %dma_start3A = arith.constant 0 : i32
      %dma_start3A_28 = tpu.memref_slice %arg13[%add3A_10, %dma_start3A] : memref<10240x64xf32, #tpu.memory_space<vmem_shared>> -> memref<128x64xf32, #tpu.memory_space<vmem_shared>>
      %dma_start3A_29 = arith.constant 0 : i32
      %dma_start3A_30 = tpu.memref_slice %arg13[%add3A_10, %dma_start3A_29] : memref<10240x64xf32, #tpu.memory_space<vmem_shared>> -> memref<128x64xf32, #tpu.memory_space<vmem_shared>>
      tpu.enqueue_dma source(%arg9 : memref<128x64xf32, #tpu.memory_space<vmem>>) target(%dma_start3A_30 : memref<128x64xf32, #tpu.memory_space<vmem_shared>>) target_semaphore(%run_scoped3A : memref<!tpu.dma_semaphore, #tpu.memory_space<semaphore_mem>>)
      %dma_wait3A = arith.constant 0 : i32
      %dma_wait3A_31 = tpu.memref_slice %arg13[%add3A_10, %dma_wait3A] : memref<10240x64xf32, #tpu.memory_space<vmem_shared>> -> memref<128x64xf32, #tpu.memory_space<vmem_shared>>
      %dma_wait3A_32 = arith.constant 0 : i32
      %dma_wait3A_33 = tpu.memref_slice %arg13[%add3A_10, %dma_wait3A_32] : memref<10240x64xf32, #tpu.memory_space<vmem_shared>> -> memref<128x64xf32, #tpu.memory_space<vmem_shared>>
      tpu.wait_dma2 semaphore(%run_scoped3A : memref<!tpu.dma_semaphore, #tpu.memory_space<semaphore_mem>>) src(%arg9 : memref<128x64xf32, #tpu.memory_space<vmem>>) dst(%dma_wait3A_33 : memref<128x64xf32, #tpu.memory_space<vmem_shared>>)
      tpu.yield
    }) : () -> ()
    %add3A_11 = arith.constant 256 : i32
    %add3A_12 = arith.addi %mul3A_7, %add3A_11 : i32
    "tpu.region"() ({
      %run_scoped3A = tpu.sem_alloc : memref<!tpu.dma_semaphore, #tpu.memory_space<semaphore_mem>>
      %dma_start3A = arith.constant 0 : i32
      %dma_start3A_28 = tpu.memref_slice %arg13[%add3A_12, %dma_start3A] : memref<10240x64xf32, #tpu.memory_space<vmem_shared>> -> memref<128x64xf32, #tpu.memory_space<vmem_shared>>
      %dma_start3A_29 = arith.constant 0 : i32
      %dma_start3A_30 = tpu.memref_slice %arg13[%add3A_12, %dma_start3A_29] : memref<10240x64xf32, #tpu.memory_space<vmem_shared>> -> memref<128x64xf32, #tpu.memory_space<vmem_shared>>
      tpu.enqueue_dma source(%arg9 : memref<128x64xf32, #tpu.memory_space<vmem>>) target(%dma_start3A_30 : memref<128x64xf32, #tpu.memory_space<vmem_shared>>) target_semaphore(%run_scoped3A : memref<!tpu.dma_semaphore, #tpu.memory_space<semaphore_mem>>)
      %dma_wait3A = arith.constant 0 : i32
      %dma_wait3A_31 = tpu.memref_slice %arg13[%add3A_12, %dma_wait3A] : memref<10240x64xf32, #tpu.memory_space<vmem_shared>> -> memref<128x64xf32, #tpu.memory_space<vmem_shared>>
      %dma_wait3A_32 = arith.constant 0 : i32
      %dma_wait3A_33 = tpu.memref_slice %arg13[%add3A_12, %dma_wait3A_32] : memref<10240x64xf32, #tpu.memory_space<vmem_shared>> -> memref<128x64xf32, #tpu.memory_space<vmem_shared>>
      tpu.wait_dma2 semaphore(%run_scoped3A : memref<!tpu.dma_semaphore, #tpu.memory_space<semaphore_mem>>) src(%arg9 : memref<128x64xf32, #tpu.memory_space<vmem>>) dst(%dma_wait3A_33 : memref<128x64xf32, #tpu.memory_space<vmem_shared>>)
      tpu.yield
    }) : () -> ()
    %add3A_13 = arith.constant 384 : i32
    %add3A_14 = arith.addi %mul3A_7, %add3A_13 : i32
    "tpu.region"() ({
      %run_scoped3A = tpu.sem_alloc : memref<!tpu.dma_semaphore, #tpu.memory_space<semaphore_mem>>
      %dma_start3A = arith.constant 0 : i32
      %dma_start3A_28 = tpu.memref_slice %arg13[%add3A_14, %dma_start3A] : memref<10240x64xf32, #tpu.memory_space<vmem_shared>> -> memref<128x64xf32, #tpu.memory_space<vmem_shared>>
      %dma_start3A_29 = arith.constant 0 : i32
      %dma_start3A_30 = tpu.memref_slice %arg13[%add3A_14, %dma_start3A_29] : memref<10240x64xf32, #tpu.memory_space<vmem_shared>> -> memref<128x64xf32, #tpu.memory_space<vmem_shared>>
      tpu.enqueue_dma source(%arg9 : memref<128x64xf32, #tpu.memory_space<vmem>>) target(%dma_start3A_30 : memref<128x64xf32, #tpu.memory_space<vmem_shared>>) target_semaphore(%run_scoped3A : memref<!tpu.dma_semaphore, #tpu.memory_space<semaphore_mem>>)
      %dma_wait3A = arith.constant 0 : i32
      %dma_wait3A_31 = tpu.memref_slice %arg13[%add3A_14, %dma_wait3A] : memref<10240x64xf32, #tpu.memory_space<vmem_shared>> -> memref<128x64xf32, #tpu.memory_space<vmem_shared>>
      %dma_wait3A_32 = arith.constant 0 : i32
      %dma_wait3A_33 = tpu.memref_slice %arg13[%add3A_14, %dma_wait3A_32] : memref<10240x64xf32, #tpu.memory_space<vmem_shared>> -> memref<128x64xf32, #tpu.memory_space<vmem_shared>>
      tpu.wait_dma2 semaphore(%run_scoped3A : memref<!tpu.dma_semaphore, #tpu.memory_space<semaphore_mem>>) src(%arg9 : memref<128x64xf32, #tpu.memory_space<vmem>>) dst(%dma_wait3A_33 : memref<128x64xf32, #tpu.memory_space<vmem_shared>>)
      tpu.yield
    }) : () -> ()
    %add3A_15 = arith.constant 512 : i32
    %add3A_16 = arith.addi %mul3A_7, %add3A_15 : i32
    "tpu.region"() ({
      %run_scoped3A = tpu.sem_alloc : memref<!tpu.dma_semaphore, #tpu.memory_space<semaphore_mem>>
      %dma_start3A = arith.constant 0 : i32
      %dma_start3A_28 = tpu.memref_slice %arg13[%add3A_16, %dma_start3A] : memref<10240x64xf32, #tpu.memory_space<vmem_shared>> -> memref<128x64xf32, #tpu.memory_space<vmem_shared>>
      %dma_start3A_29 = arith.constant 0 : i32
      %dma_start3A_30 = tpu.memref_slice %arg13[%add3A_16, %dma_start3A_29] : memref<10240x64xf32, #tpu.memory_space<vmem_shared>> -> memref<128x64xf32, #tpu.memory_space<vmem_shared>>
      tpu.enqueue_dma source(%arg9 : memref<128x64xf32, #tpu.memory_space<vmem>>) target(%dma_start3A_30 : memref<128x64xf32, #tpu.memory_space<vmem_shared>>) target_semaphore(%run_scoped3A : memref<!tpu.dma_semaphore, #tpu.memory_space<semaphore_mem>>)
      %dma_wait3A = arith.constant 0 : i32
      %dma_wait3A_31 = tpu.memref_slice %arg13[%add3A_16, %dma_wait3A] : memref<10240x64xf32, #tpu.memory_space<vmem_shared>> -> memref<128x64xf32, #tpu.memory_space<vmem_shared>>
      %dma_wait3A_32 = arith.constant 0 : i32
      %dma_wait3A_33 = tpu.memref_slice %arg13[%add3A_16, %dma_wait3A_32] : memref<10240x64xf32, #tpu.memory_space<vmem_shared>> -> memref<128x64xf32, #tpu.memory_space<vmem_shared>>
      tpu.wait_dma2 semaphore(%run_scoped3A : memref<!tpu.dma_semaphore, #tpu.memory_space<semaphore_mem>>) src(%arg9 : memref<128x64xf32, #tpu.memory_space<vmem>>) dst(%dma_wait3A_33 : memref<128x64xf32, #tpu.memory_space<vmem_shared>>)
      tpu.yield
    }) : () -> ()
    %barrier3A = arith.constant 0 : index
    tpu.barrier barrier_id(%barrier3A)
    %eq3A = arith.constant 0 : i32
    %eq3A_17 = arith.cmpi eq, %arg0, %eq3A : i32
    %convert_element_type3A = arith.extui %eq3A_17 : i1 to i32
    %cond3A = arith.constant 0 : i32
    %cond3A_18 = arith.cmpi ne, %convert_element_type3A, %cond3A : i32
    scf.if %cond3A_18 {
      %dma_start3A = arith.constant 0 : i32
      %dma_start3A_28 = arith.constant 0 : i32
      %dma_start3A_29 = tpu.memref_slice %arg7[%dma_start3A, %dma_start3A_28] : memref<160x128xi32, #tpu.memory_space<vmem>> -> memref<1x128xi32, #tpu.memory_space<vmem>>
      %dma_start3A_30 = tpu.memref_squeeze %dma_start3A_29 : memref<1x128xi32, #tpu.memory_space<vmem>> -> memref<128xi32, #tpu.memory_space<vmem>>
      %dma_start3A_31 = arith.constant 0 : i32
      %dma_start3A_32 = arith.constant 0 : i32
      %dma_start3A_33 = tpu.memref_slice %arg2[%dma_start3A_31, %dma_start3A_32] : memref<10000x64xf32, #tpu.memory_space<hbm>> -> memref<10000x64xf32, #tpu.memory_space<hbm>>
      tpu.enqueue_indirect_dma source(%dma_start3A_33 : memref<10000x64xf32, #tpu.memory_space<hbm>>) target(%arg9 : memref<128x64xf32, #tpu.memory_space<vmem>>) offsets(%dma_start3A_30 : memref<128xi32, #tpu.memory_space<vmem>>) semaphore(%arg14 : memref<!tpu.dma_semaphore, #tpu.memory_space<semaphore_mem>>)
      %dma_start3A_34 = arith.constant 1 : i32
      %dma_start3A_35 = arith.constant 0 : i32
      %dma_start3A_36 = tpu.memref_slice %arg7[%dma_start3A_34, %dma_start3A_35] : memref<160x128xi32, #tpu.memory_space<vmem>> -> memref<1x128xi32, #tpu.memory_space<vmem>>
      %dma_start3A_37 = tpu.memref_squeeze %dma_start3A_36 : memref<1x128xi32, #tpu.memory_space<vmem>> -> memref<128xi32, #tpu.memory_space<vmem>>
      %dma_start3A_38 = arith.constant 0 : i32
      %dma_start3A_39 = arith.constant 0 : i32
      %dma_start3A_40 = tpu.memref_slice %arg2[%dma_start3A_38, %dma_start3A_39] : memref<10000x64xf32, #tpu.memory_space<hbm>> -> memref<10000x64xf32, #tpu.memory_space<hbm>>
      tpu.enqueue_indirect_dma source(%dma_start3A_40 : memref<10000x64xf32, #tpu.memory_space<hbm>>) target(%arg10 : memref<128x64xf32, #tpu.memory_space<vmem>>) offsets(%dma_start3A_37 : memref<128xi32, #tpu.memory_space<vmem>>) semaphore(%arg15 : memref<!tpu.dma_semaphore, #tpu.memory_space<semaphore_mem>>)
      %dma_wait3A = arith.constant 0 : i32
      %dma_wait3A_41 = arith.constant 0 : i32
      %dma_wait3A_42 = tpu.memref_slice %arg7[%dma_wait3A, %dma_wait3A_41] : memref<160x128xi32, #tpu.memory_space<vmem>> -> memref<1x128xi32, #tpu.memory_space<vmem>>
      %dma_wait3A_43 = tpu.memref_squeeze %dma_wait3A_42 : memref<1x128xi32, #tpu.memory_space<vmem>> -> memref<128xi32, #tpu.memory_space<vmem>>
      %dma_wait3A_44 = arith.constant 0 : i32
      %dma_wait3A_45 = arith.constant 0 : i32
      %dma_wait3A_46 = tpu.memref_slice %arg2[%dma_wait3A_44, %dma_wait3A_45] : memref<10000x64xf32, #tpu.memory_space<hbm>> -> memref<10000x64xf32, #tpu.memory_space<hbm>>
      tpu.wait_indirect_dma semaphore(%arg14 : memref<!tpu.dma_semaphore, #tpu.memory_space<semaphore_mem>>) src(%dma_wait3A_46 : memref<10000x64xf32, #tpu.memory_space<hbm>>) dst(%arg9 : memref<128x64xf32, #tpu.memory_space<vmem>>)
      %dma_start3A_47 = arith.constant 0 : i32
      %dma_start3A_48 = arith.constant 0 : i32
      %dma_start3A_49 = tpu.memref_slice %arg8[%dma_start3A_47, %dma_start3A_48] : memref<160x128xi32, #tpu.memory_space<vmem>> -> memref<1x128xi32, #tpu.memory_space<vmem>>
      %dma_start3A_50 = tpu.memref_squeeze %dma_start3A_49 : memref<1x128xi32, #tpu.memory_space<vmem>> -> memref<128xi32, #tpu.memory_space<vmem>>
      %dma_start3A_51 = arith.constant 0 : i32
      %dma_start3A_52 = arith.constant 0 : i32
      %dma_start3A_53 = tpu.memref_slice %arg13[%dma_start3A_51, %dma_start3A_52] : memref<10240x64xf32, #tpu.memory_space<vmem_shared>> -> memref<10240x64xf32, #tpu.memory_space<vmem_shared>>
      tpu.enqueue_indirect_dma source(%arg9 : memref<128x64xf32, #tpu.memory_space<vmem>>) target(%dma_start3A_53 : memref<10240x64xf32, #tpu.memory_space<vmem_shared>>) offsets(%dma_start3A_50 : memref<128xi32, #tpu.memory_space<vmem>>) semaphore(%arg18 : memref<!tpu.dma_semaphore, #tpu.memory_space<semaphore_mem>>) {add = true}
      %dma_start3A_54 = arith.constant 2 : i32
      %dma_start3A_55 = arith.constant 0 : i32
      %dma_start3A_56 = tpu.memref_slice %arg7[%dma_start3A_54, %dma_start3A_55] : memref<160x128xi32, #tpu.memory_space<vmem>> -> memref<1x128xi32, #tpu.memory_space<vmem>>
      %dma_start3A_57 = tpu.memref_squeeze %dma_start3A_56 : memref<1x128xi32, #tpu.memory_space<vmem>> -> memref<128xi32, #tpu.memory_space<vmem>>
      %dma_start3A_58 = arith.constant 0 : i32
      %dma_start3A_59 = arith.constant 0 : i32
      %dma_start3A_60 = tpu.memref_slice %arg2[%dma_start3A_58, %dma_start3A_59] : memref<10000x64xf32, #tpu.memory_space<hbm>> -> memref<10000x64xf32, #tpu.memory_space<hbm>>
      tpu.enqueue_indirect_dma source(%dma_start3A_60 : memref<10000x64xf32, #tpu.memory_space<hbm>>) target(%arg11 : memref<128x64xf32, #tpu.memory_space<vmem>>) offsets(%dma_start3A_57 : memref<128xi32, #tpu.memory_space<vmem>>) semaphore(%arg16 : memref<!tpu.dma_semaphore, #tpu.memory_space<semaphore_mem>>)
      %dma_wait3A_61 = arith.constant 1 : i32
      %dma_wait3A_62 = arith.constant 0 : i32
      %dma_wait3A_63 = tpu.memref_slice %arg7[%dma_wait3A_61, %dma_wait3A_62] : memref<160x128xi32, #tpu.memory_space<vmem>> -> memref<1x128xi32, #tpu.memory_space<vmem>>
      %dma_wait3A_64 = tpu.memref_squeeze %dma_wait3A_63 : memref<1x128xi32, #tpu.memory_space<vmem>> -> memref<128xi32, #tpu.memory_space<vmem>>
      %dma_wait3A_65 = arith.constant 0 : i32
      %dma_wait3A_66 = arith.constant 0 : i32
      %dma_wait3A_67 = tpu.memref_slice %arg2[%dma_wait3A_65, %dma_wait3A_66] : memref<10000x64xf32, #tpu.memory_space<hbm>> -> memref<10000x64xf32, #tpu.memory_space<hbm>>
      tpu.wait_indirect_dma semaphore(%arg15 : memref<!tpu.dma_semaphore, #tpu.memory_space<semaphore_mem>>) src(%dma_wait3A_67 : memref<10000x64xf32, #tpu.memory_space<hbm>>) dst(%arg10 : memref<128x64xf32, #tpu.memory_space<vmem>>)
      %dma_start3A_68 = arith.constant 1 : i32
      %dma_start3A_69 = arith.constant 0 : i32
      %dma_start3A_70 = tpu.memref_slice %arg8[%dma_start3A_68, %dma_start3A_69] : memref<160x128xi32, #tpu.memory_space<vmem>> -> memref<1x128xi32, #tpu.memory_space<vmem>>
      %dma_start3A_71 = tpu.memref_squeeze %dma_start3A_70 : memref<1x128xi32, #tpu.memory_space<vmem>> -> memref<128xi32, #tpu.memory_space<vmem>>
      %dma_start3A_72 = arith.constant 0 : i32
      %dma_start3A_73 = arith.constant 0 : i32
      %dma_start3A_74 = tpu.memref_slice %arg13[%dma_start3A_72, %dma_start3A_73] : memref<10240x64xf32, #tpu.memory_space<vmem_shared>> -> memref<10240x64xf32, #tpu.memory_space<vmem_shared>>
      tpu.enqueue_indirect_dma source(%arg10 : memref<128x64xf32, #tpu.memory_space<vmem>>) target(%dma_start3A_74 : memref<10240x64xf32, #tpu.memory_space<vmem_shared>>) offsets(%dma_start3A_71 : memref<128xi32, #tpu.memory_space<vmem>>) semaphore(%arg19 : memref<!tpu.dma_semaphore, #tpu.memory_space<semaphore_mem>>) {add = true}
      %dma_start3A_75 = arith.constant 3 : i32
      %dma_start3A_76 = arith.constant 0 : i32
      %dma_start3A_77 = tpu.memref_slice %arg7[%dma_start3A_75, %dma_start3A_76] : memref<160x128xi32, #tpu.memory_space<vmem>> -> memref<1x128xi32, #tpu.memory_space<vmem>>
      %dma_start3A_78 = tpu.memref_squeeze %dma_start3A_77 : memref<1x128xi32, #tpu.memory_space<vmem>> -> memref<128xi32, #tpu.memory_space<vmem>>
      %dma_start3A_79 = arith.constant 0 : i32
      %dma_start3A_80 = arith.constant 0 : i32
      %dma_start3A_81 = tpu.memref_slice %arg2[%dma_start3A_79, %dma_start3A_80] : memref<10000x64xf32, #tpu.memory_space<hbm>> -> memref<10000x64xf32, #tpu.memory_space<hbm>>
      tpu.enqueue_indirect_dma source(%dma_start3A_81 : memref<10000x64xf32, #tpu.memory_space<hbm>>) target(%arg12 : memref<128x64xf32, #tpu.memory_space<vmem>>) offsets(%dma_start3A_78 : memref<128xi32, #tpu.memory_space<vmem>>) semaphore(%arg17 : memref<!tpu.dma_semaphore, #tpu.memory_space<semaphore_mem>>)
      %scan3A_82 = arith.constant 0 : i32
      %scan3A_83 = arith.constant 39 : i32
      %scan3A_84 = arith.addi %scan3A_82, %scan3A_83 : i32
      %scan3A_85 = arith.constant 1 : i32
      scf.for %scan3A_143 = %scan3A_82 to %scan3A_84 step %scan3A_85  : i32 {
        %mul3A_144 = arith.constant 1 : i32
        %mul3A_145 = arith.muli %scan3A_143, %mul3A_144 : i32
        %add3A_146 = arith.constant 0 : i32
        %add3A_147 = arith.addi %add3A_146, %mul3A_145 : i32
        %mul3A_148 = arith.constant 4 : i32
        %mul3A_149 = arith.muli %mul3A_148, %add3A_147 : i32
        %add3A_150 = arith.constant 2 : i32
        %add3A_151 = arith.addi %add3A_150, %mul3A_149 : i32
        %add3A_152 = arith.constant 0 : i32
        %add3A_153 = arith.addi %add3A_151, %add3A_152 : i32
        %dma_wait3A_154 = arith.constant 0 : i32
        %dma_wait3A_155 = tpu.memref_slice %arg7[%add3A_153, %dma_wait3A_154] : memref<160x128xi32, #tpu.memory_space<vmem>> -> memref<1x128xi32, #tpu.memory_space<vmem>>
        %dma_wait3A_156 = tpu.memref_squeeze %dma_wait3A_155 : memref<1x128xi32, #tpu.memory_space<vmem>> -> memref<128xi32, #tpu.memory_space<vmem>>
        %dma_wait3A_157 = arith.constant 0 : i32
        %dma_wait3A_158 = arith.constant 0 : i32
        %dma_wait3A_159 = tpu.memref_slice %arg2[%dma_wait3A_157, %dma_wait3A_158] : memref<10000x64xf32, #tpu.memory_space<hbm>> -> memref<10000x64xf32, #tpu.memory_space<hbm>>
        tpu.wait_indirect_dma semaphore(%arg16 : memref<!tpu.dma_semaphore, #tpu.memory_space<semaphore_mem>>) src(%dma_wait3A_159 : memref<10000x64xf32, #tpu.memory_space<hbm>>) dst(%arg11 : memref<128x64xf32, #tpu.memory_space<vmem>>)
        %dma_start3A_160 = arith.constant 0 : i32
        %dma_start3A_161 = tpu.memref_slice %arg8[%add3A_153, %dma_start3A_160] : memref<160x128xi32, #tpu.memory_space<vmem>> -> memref<1x128xi32, #tpu.memory_space<vmem>>
        %dma_start3A_162 = tpu.memref_squeeze %dma_start3A_161 : memref<1x128xi32, #tpu.memory_space<vmem>> -> memref<128xi32, #tpu.memory_space<vmem>>
        %dma_start3A_163 = arith.constant 0 : i32
        %dma_start3A_164 = arith.constant 0 : i32
        %dma_start3A_165 = tpu.memref_slice %arg13[%dma_start3A_163, %dma_start3A_164] : memref<10240x64xf32, #tpu.memory_space<vmem_shared>> -> memref<10240x64xf32, #tpu.memory_space<vmem_shared>>
        tpu.enqueue_indirect_dma source(%arg11 : memref<128x64xf32, #tpu.memory_space<vmem>>) target(%dma_start3A_165 : memref<10240x64xf32, #tpu.memory_space<vmem_shared>>) offsets(%dma_start3A_162 : memref<128xi32, #tpu.memory_space<vmem>>) semaphore(%arg20 : memref<!tpu.dma_semaphore, #tpu.memory_space<semaphore_mem>>) {add = true}
        %sub3A = arith.constant 2 : i32
        %sub3A_166 = arith.subi %add3A_153, %sub3A : i32
        %dma_wait3A_167 = arith.constant 0 : i32
        %dma_wait3A_168 = tpu.memref_slice %arg8[%sub3A_166, %dma_wait3A_167] : memref<160x128xi32, #tpu.memory_space<vmem>> -> memref<1x128xi32, #tpu.memory_space<vmem>>
        %dma_wait3A_169 = tpu.memref_squeeze %dma_wait3A_168 : memref<1x128xi32, #tpu.memory_space<vmem>> -> memref<128xi32, #tpu.memory_space<vmem>>
        %dma_wait3A_170 = arith.constant 0 : i32
        %dma_wait3A_171 = arith.constant 0 : i32
        %dma_wait3A_172 = tpu.memref_slice %arg13[%dma_wait3A_170, %dma_wait3A_171] : memref<10240x64xf32, #tpu.memory_space<vmem_shared>> -> memref<10240x64xf32, #tpu.memory_space<vmem_shared>>
        tpu.wait_indirect_dma semaphore(%arg18 : memref<!tpu.dma_semaphore, #tpu.memory_space<semaphore_mem>>) src(%arg9 : memref<128x64xf32, #tpu.memory_space<vmem>>) dst(%dma_wait3A_172 : memref<10240x64xf32, #tpu.memory_space<vmem_shared>>)
        %add3A_173 = arith.constant 2 : i32
        %add3A_174 = arith.addi %add3A_153, %add3A_173 : i32
        %dma_start3A_175 = arith.constant 0 : i32
        %dma_start3A_176 = tpu.memref_slice %arg7[%add3A_174, %dma_start3A_175] : memref<160x128xi32, #tpu.memory_space<vmem>> -> memref<1x128xi32, #tpu.memory_space<vmem>>
        %dma_start3A_177 = tpu.memref_squeeze %dma_start3A_176 : memref<1x128xi32, #tpu.memory_space<vmem>> -> memref<128xi32, #tpu.memory_space<vmem>>
        %dma_start3A_178 = arith.constant 0 : i32
        %dma_start3A_179 = arith.constant 0 : i32
        %dma_start3A_180 = tpu.memref_slice %arg2[%dma_start3A_178, %dma_start3A_179] : memref<10000x64xf32, #tpu.memory_space<hbm>> -> memref<10000x64xf32, #tpu.memory_space<hbm>>
        tpu.enqueue_indirect_dma source(%dma_start3A_180 : memref<10000x64xf32, #tpu.memory_space<hbm>>) target(%arg9 : memref<128x64xf32, #tpu.memory_space<vmem>>) offsets(%dma_start3A_177 : memref<128xi32, #tpu.memory_space<vmem>>) semaphore(%arg14 : memref<!tpu.dma_semaphore, #tpu.memory_space<semaphore_mem>>)
        %add3A_181 = arith.constant 1 : i32
        %add3A_182 = arith.addi %add3A_151, %add3A_181 : i32
        %dma_wait3A_183 = arith.constant 0 : i32
        %dma_wait3A_184 = tpu.memref_slice %arg7[%add3A_182, %dma_wait3A_183] : memref<160x128xi32, #tpu.memory_space<vmem>> -> memref<1x128xi32, #tpu.memory_space<vmem>>
        %dma_wait3A_185 = tpu.memref_squeeze %dma_wait3A_184 : memref<1x128xi32, #tpu.memory_space<vmem>> -> memref<128xi32, #tpu.memory_space<vmem>>
        %dma_wait3A_186 = arith.constant 0 : i32
        %dma_wait3A_187 = arith.constant 0 : i32
        %dma_wait3A_188 = tpu.memref_slice %arg2[%dma_wait3A_186, %dma_wait3A_187] : memref<10000x64xf32, #tpu.memory_space<hbm>> -> memref<10000x64xf32, #tpu.memory_space<hbm>>
        tpu.wait_indirect_dma semaphore(%arg17 : memref<!tpu.dma_semaphore, #tpu.memory_space<semaphore_mem>>) src(%dma_wait3A_188 : memref<10000x64xf32, #tpu.memory_space<hbm>>) dst(%arg12 : memref<128x64xf32, #tpu.memory_space<vmem>>)
        %dma_start3A_189 = arith.constant 0 : i32
        %dma_start3A_190 = tpu.memref_slice %arg8[%add3A_182, %dma_start3A_189] : memref<160x128xi32, #tpu.memory_space<vmem>> -> memref<1x128xi32, #tpu.memory_space<vmem>>
        %dma_start3A_191 = tpu.memref_squeeze %dma_start3A_190 : memref<1x128xi32, #tpu.memory_space<vmem>> -> memref<128xi32, #tpu.memory_space<vmem>>
        %dma_start3A_192 = arith.constant 0 : i32
        %dma_start3A_193 = arith.constant 0 : i32
        %dma_start3A_194 = tpu.memref_slice %arg13[%dma_start3A_192, %dma_start3A_193] : memref<10240x64xf32, #tpu.memory_space<vmem_shared>> -> memref<10240x64xf32, #tpu.memory_space<vmem_shared>>
        tpu.enqueue_indirect_dma source(%arg12 : memref<128x64xf32, #tpu.memory_space<vmem>>) target(%dma_start3A_194 : memref<10240x64xf32, #tpu.memory_space<vmem_shared>>) offsets(%dma_start3A_191 : memref<128xi32, #tpu.memory_space<vmem>>) semaphore(%arg21 : memref<!tpu.dma_semaphore, #tpu.memory_space<semaphore_mem>>) {add = true}
        %sub3A_195 = arith.constant 2 : i32
        %sub3A_196 = arith.subi %add3A_182, %sub3A_195 : i32
        %dma_wait3A_197 = arith.constant 0 : i32
        %dma_wait3A_198 = tpu.memref_slice %arg8[%sub3A_196, %dma_wait3A_197] : memref<160x128xi32, #tpu.memory_space<vmem>> -> memref<1x128xi32, #tpu.memory_space<vmem>>
        %dma_wait3A_199 = tpu.memref_squeeze %dma_wait3A_198 : memref<1x128xi32, #tpu.memory_space<vmem>> -> memref<128xi32, #tpu.memory_space<vmem>>
        %dma_wait3A_200 = arith.constant 0 : i32
        %dma_wait3A_201 = arith.constant 0 : i32
        %dma_wait3A_202 = tpu.memref_slice %arg13[%dma_wait3A_200, %dma_wait3A_201] : memref<10240x64xf32, #tpu.memory_space<vmem_shared>> -> memref<10240x64xf32, #tpu.memory_space<vmem_shared>>
        tpu.wait_indirect_dma semaphore(%arg19 : memref<!tpu.dma_semaphore, #tpu.memory_space<semaphore_mem>>) src(%arg10 : memref<128x64xf32, #tpu.memory_space<vmem>>) dst(%dma_wait3A_202 : memref<10240x64xf32, #tpu.memory_space<vmem_shared>>)
        %add3A_203 = arith.constant 2 : i32
        %add3A_204 = arith.addi %add3A_182, %add3A_203 : i32
        %dma_start3A_205 = arith.constant 0 : i32
        %dma_start3A_206 = tpu.memref_slice %arg7[%add3A_204, %dma_start3A_205] : memref<160x128xi32, #tpu.memory_space<vmem>> -> memref<1x128xi32, #tpu.memory_space<vmem>>
        %dma_start3A_207 = tpu.memref_squeeze %dma_start3A_206 : memref<1x128xi32, #tpu.memory_space<vmem>> -> memref<128xi32, #tpu.memory_space<vmem>>
        %dma_start3A_208 = arith.constant 0 : i32
        %dma_start3A_209 = arith.constant 0 : i32
        %dma_start3A_210 = tpu.memref_slice %arg2[%dma_start3A_208, %dma_start3A_209] : memref<10000x64xf32, #tpu.memory_space<hbm>> -> memref<10000x64xf32, #tpu.memory_space<hbm>>
        tpu.enqueue_indirect_dma source(%dma_start3A_210 : memref<10000x64xf32, #tpu.memory_space<hbm>>) target(%arg10 : memref<128x64xf32, #tpu.memory_space<vmem>>) offsets(%dma_start3A_207 : memref<128xi32, #tpu.memory_space<vmem>>) semaphore(%arg15 : memref<!tpu.dma_semaphore, #tpu.memory_space<semaphore_mem>>)
        %add3A_211 = arith.constant 2 : i32
        %add3A_212 = arith.addi %add3A_151, %add3A_211 : i32
        %dma_wait3A_213 = arith.constant 0 : i32
        %dma_wait3A_214 = tpu.memref_slice %arg7[%add3A_212, %dma_wait3A_213] : memref<160x128xi32, #tpu.memory_space<vmem>> -> memref<1x128xi32, #tpu.memory_space<vmem>>
        %dma_wait3A_215 = tpu.memref_squeeze %dma_wait3A_214 : memref<1x128xi32, #tpu.memory_space<vmem>> -> memref<128xi32, #tpu.memory_space<vmem>>
        %dma_wait3A_216 = arith.constant 0 : i32
        %dma_wait3A_217 = arith.constant 0 : i32
        %dma_wait3A_218 = tpu.memref_slice %arg2[%dma_wait3A_216, %dma_wait3A_217] : memref<10000x64xf32, #tpu.memory_space<hbm>> -> memref<10000x64xf32, #tpu.memory_space<hbm>>
        tpu.wait_indirect_dma semaphore(%arg14 : memref<!tpu.dma_semaphore, #tpu.memory_space<semaphore_mem>>) src(%dma_wait3A_218 : memref<10000x64xf32, #tpu.memory_space<hbm>>) dst(%arg9 : memref<128x64xf32, #tpu.memory_space<vmem>>)
        %dma_start3A_219 = arith.constant 0 : i32
        %dma_start3A_220 = tpu.memref_slice %arg8[%add3A_212, %dma_start3A_219] : memref<160x128xi32, #tpu.memory_space<vmem>> -> memref<1x128xi32, #tpu.memory_space<vmem>>
        %dma_start3A_221 = tpu.memref_squeeze %dma_start3A_220 : memref<1x128xi32, #tpu.memory_space<vmem>> -> memref<128xi32, #tpu.memory_space<vmem>>
        %dma_start3A_222 = arith.constant 0 : i32
        %dma_start3A_223 = arith.constant 0 : i32
        %dma_start3A_224 = tpu.memref_slice %arg13[%dma_start3A_222, %dma_start3A_223] : memref<10240x64xf32, #tpu.memory_space<vmem_shared>> -> memref<10240x64xf32, #tpu.memory_space<vmem_shared>>
        tpu.enqueue_indirect_dma source(%arg9 : memref<128x64xf32, #tpu.memory_space<vmem>>) target(%dma_start3A_224 : memref<10240x64xf32, #tpu.memory_space<vmem_shared>>) offsets(%dma_start3A_221 : memref<128xi32, #tpu.memory_space<vmem>>) semaphore(%arg18 : memref<!tpu.dma_semaphore, #tpu.memory_space<semaphore_mem>>) {add = true}
        %sub3A_225 = arith.constant 2 : i32
        %sub3A_226 = arith.subi %add3A_212, %sub3A_225 : i32
        %dma_wait3A_227 = arith.constant 0 : i32
        %dma_wait3A_228 = tpu.memref_slice %arg8[%sub3A_226, %dma_wait3A_227] : memref<160x128xi32, #tpu.memory_space<vmem>> -> memref<1x128xi32, #tpu.memory_space<vmem>>
        %dma_wait3A_229 = tpu.memref_squeeze %dma_wait3A_228 : memref<1x128xi32, #tpu.memory_space<vmem>> -> memref<128xi32, #tpu.memory_space<vmem>>
        %dma_wait3A_230 = arith.constant 0 : i32
        %dma_wait3A_231 = arith.constant 0 : i32
        %dma_wait3A_232 = tpu.memref_slice %arg13[%dma_wait3A_230, %dma_wait3A_231] : memref<10240x64xf32, #tpu.memory_space<vmem_shared>> -> memref<10240x64xf32, #tpu.memory_space<vmem_shared>>
        tpu.wait_indirect_dma semaphore(%arg20 : memref<!tpu.dma_semaphore, #tpu.memory_space<semaphore_mem>>) src(%arg11 : memref<128x64xf32, #tpu.memory_space<vmem>>) dst(%dma_wait3A_232 : memref<10240x64xf32, #tpu.memory_space<vmem_shared>>)
        %add3A_233 = arith.constant 2 : i32
        %add3A_234 = arith.addi %add3A_212, %add3A_233 : i32
        %dma_start3A_235 = arith.constant 0 : i32
        %dma_start3A_236 = tpu.memref_slice %arg7[%add3A_234, %dma_start3A_235] : memref<160x128xi32, #tpu.memory_space<vmem>> -> memref<1x128xi32, #tpu.memory_space<vmem>>
        %dma_start3A_237 = tpu.memref_squeeze %dma_start3A_236 : memref<1x128xi32, #tpu.memory_space<vmem>> -> memref<128xi32, #tpu.memory_space<vmem>>
        %dma_start3A_238 = arith.constant 0 : i32
        %dma_start3A_239 = arith.constant 0 : i32
        %dma_start3A_240 = tpu.memref_slice %arg2[%dma_start3A_238, %dma_start3A_239] : memref<10000x64xf32, #tpu.memory_space<hbm>> -> memref<10000x64xf32, #tpu.memory_space<hbm>>
        tpu.enqueue_indirect_dma source(%dma_start3A_240 : memref<10000x64xf32, #tpu.memory_space<hbm>>) target(%arg11 : memref<128x64xf32, #tpu.memory_space<vmem>>) offsets(%dma_start3A_237 : memref<128xi32, #tpu.memory_space<vmem>>) semaphore(%arg16 : memref<!tpu.dma_semaphore, #tpu.memory_space<semaphore_mem>>)
        %add3A_241 = arith.constant 3 : i32
        %add3A_242 = arith.addi %add3A_151, %add3A_241 : i32
        %dma_wait3A_243 = arith.constant 0 : i32
        %dma_wait3A_244 = tpu.memref_slice %arg7[%add3A_242, %dma_wait3A_243] : memref<160x128xi32, #tpu.memory_space<vmem>> -> memref<1x128xi32, #tpu.memory_space<vmem>>
        %dma_wait3A_245 = tpu.memref_squeeze %dma_wait3A_244 : memref<1x128xi32, #tpu.memory_space<vmem>> -> memref<128xi32, #tpu.memory_space<vmem>>
        %dma_wait3A_246 = arith.constant 0 : i32
        %dma_wait3A_247 = arith.constant 0 : i32
        %dma_wait3A_248 = tpu.memref_slice %arg2[%dma_wait3A_246, %dma_wait3A_247] : memref<10000x64xf32, #tpu.memory_space<hbm>> -> memref<10000x64xf32, #tpu.memory_space<hbm>>
        tpu.wait_indirect_dma semaphore(%arg15 : memref<!tpu.dma_semaphore, #tpu.memory_space<semaphore_mem>>) src(%dma_wait3A_248 : memref<10000x64xf32, #tpu.memory_space<hbm>>) dst(%arg10 : memref<128x64xf32, #tpu.memory_space<vmem>>)
        %dma_start3A_249 = arith.constant 0 : i32
        %dma_start3A_250 = tpu.memref_slice %arg8[%add3A_242, %dma_start3A_249] : memref<160x128xi32, #tpu.memory_space<vmem>> -> memref<1x128xi32, #tpu.memory_space<vmem>>
        %dma_start3A_251 = tpu.memref_squeeze %dma_start3A_250 : memref<1x128xi32, #tpu.memory_space<vmem>> -> memref<128xi32, #tpu.memory_space<vmem>>
        %dma_start3A_252 = arith.constant 0 : i32
        %dma_start3A_253 = arith.constant 0 : i32
        %dma_start3A_254 = tpu.memref_slice %arg13[%dma_start3A_252, %dma_start3A_253] : memref<10240x64xf32, #tpu.memory_space<vmem_shared>> -> memref<10240x64xf32, #tpu.memory_space<vmem_shared>>
        tpu.enqueue_indirect_dma source(%arg10 : memref<128x64xf32, #tpu.memory_space<vmem>>) target(%dma_start3A_254 : memref<10240x64xf32, #tpu.memory_space<vmem_shared>>) offsets(%dma_start3A_251 : memref<128xi32, #tpu.memory_space<vmem>>) semaphore(%arg19 : memref<!tpu.dma_semaphore, #tpu.memory_space<semaphore_mem>>) {add = true}
        %sub3A_255 = arith.constant 2 : i32
        %sub3A_256 = arith.subi %add3A_242, %sub3A_255 : i32
        %dma_wait3A_257 = arith.constant 0 : i32
        %dma_wait3A_258 = tpu.memref_slice %arg8[%sub3A_256, %dma_wait3A_257] : memref<160x128xi32, #tpu.memory_space<vmem>> -> memref<1x128xi32, #tpu.memory_space<vmem>>
        %dma_wait3A_259 = tpu.memref_squeeze %dma_wait3A_258 : memref<1x128xi32, #tpu.memory_space<vmem>> -> memref<128xi32, #tpu.memory_space<vmem>>
        %dma_wait3A_260 = arith.constant 0 : i32
        %dma_wait3A_261 = arith.constant 0 : i32
        %dma_wait3A_262 = tpu.memref_slice %arg13[%dma_wait3A_260, %dma_wait3A_261] : memref<10240x64xf32, #tpu.memory_space<vmem_shared>> -> memref<10240x64xf32, #tpu.memory_space<vmem_shared>>
        tpu.wait_indirect_dma semaphore(%arg21 : memref<!tpu.dma_semaphore, #tpu.memory_space<semaphore_mem>>) src(%arg12 : memref<128x64xf32, #tpu.memory_space<vmem>>) dst(%dma_wait3A_262 : memref<10240x64xf32, #tpu.memory_space<vmem_shared>>)
        %add3A_263 = arith.constant 2 : i32
        %add3A_264 = arith.addi %add3A_242, %add3A_263 : i32
        %dma_start3A_265 = arith.constant 0 : i32
        %dma_start3A_266 = tpu.memref_slice %arg7[%add3A_264, %dma_start3A_265] : memref<160x128xi32, #tpu.memory_space<vmem>> -> memref<1x128xi32, #tpu.memory_space<vmem>>
        %dma_start3A_267 = tpu.memref_squeeze %dma_start3A_266 : memref<1x128xi32, #tpu.memory_space<vmem>> -> memref<128xi32, #tpu.memory_space<vmem>>
        %dma_start3A_268 = arith.constant 0 : i32
        %dma_start3A_269 = arith.constant 0 : i32
        %dma_start3A_270 = tpu.memref_slice %arg2[%dma_start3A_268, %dma_start3A_269] : memref<10000x64xf32, #tpu.memory_space<hbm>> -> memref<10000x64xf32, #tpu.memory_space<hbm>>
        tpu.enqueue_indirect_dma source(%dma_start3A_270 : memref<10000x64xf32, #tpu.memory_space<hbm>>) target(%arg12 : memref<128x64xf32, #tpu.memory_space<vmem>>) offsets(%dma_start3A_267 : memref<128xi32, #tpu.memory_space<vmem>>) semaphore(%arg17 : memref<!tpu.dma_semaphore, #tpu.memory_space<semaphore_mem>>)
      }
      %scan3A_86 = arith.constant 39 : i32
      %dma_wait3A_87 = arith.constant 158 : i32
      %dma_wait3A_88 = arith.constant 0 : i32
      %dma_wait3A_89 = tpu.memref_slice %arg7[%dma_wait3A_87, %dma_wait3A_88] : memref<160x128xi32, #tpu.memory_space<vmem>> -> memref<1x128xi32, #tpu.memory_space<vmem>>
      %dma_wait3A_90 = tpu.memref_squeeze %dma_wait3A_89 : memref<1x128xi32, #tpu.memory_space<vmem>> -> memref<128xi32, #tpu.memory_space<vmem>>
      %dma_wait3A_91 = arith.constant 0 : i32
      %dma_wait3A_92 = arith.constant 0 : i32
      %dma_wait3A_93 = tpu.memref_slice %arg2[%dma_wait3A_91, %dma_wait3A_92] : memref<10000x64xf32, #tpu.memory_space<hbm>> -> memref<10000x64xf32, #tpu.memory_space<hbm>>
      tpu.wait_indirect_dma semaphore(%arg16 : memref<!tpu.dma_semaphore, #tpu.memory_space<semaphore_mem>>) src(%dma_wait3A_93 : memref<10000x64xf32, #tpu.memory_space<hbm>>) dst(%arg11 : memref<128x64xf32, #tpu.memory_space<vmem>>)
      %dma_start3A_94 = arith.constant 158 : i32
      %dma_start3A_95 = arith.constant 0 : i32
      %dma_start3A_96 = tpu.memref_slice %arg8[%dma_start3A_94, %dma_start3A_95] : memref<160x128xi32, #tpu.memory_space<vmem>> -> memref<1x128xi32, #tpu.memory_space<vmem>>
      %dma_start3A_97 = tpu.memref_squeeze %dma_start3A_96 : memref<1x128xi32, #tpu.memory_space<vmem>> -> memref<128xi32, #tpu.memory_space<vmem>>
      %dma_start3A_98 = arith.constant 0 : i32
      %dma_start3A_99 = arith.constant 0 : i32
      %dma_start3A_100 = tpu.memref_slice %arg13[%dma_start3A_98, %dma_start3A_99] : memref<10240x64xf32, #tpu.memory_space<vmem_shared>> -> memref<10240x64xf32, #tpu.memory_space<vmem_shared>>
      tpu.enqueue_indirect_dma source(%arg11 : memref<128x64xf32, #tpu.memory_space<vmem>>) target(%dma_start3A_100 : memref<10240x64xf32, #tpu.memory_space<vmem_shared>>) offsets(%dma_start3A_97 : memref<128xi32, #tpu.memory_space<vmem>>) semaphore(%arg20 : memref<!tpu.dma_semaphore, #tpu.memory_space<semaphore_mem>>) {add = true}
      %dma_wait3A_101 = arith.constant 159 : i32
      %dma_wait3A_102 = arith.constant 0 : i32
      %dma_wait3A_103 = tpu.memref_slice %arg7[%dma_wait3A_101, %dma_wait3A_102] : memref<160x128xi32, #tpu.memory_space<vmem>> -> memref<1x128xi32, #tpu.memory_space<vmem>>
      %dma_wait3A_104 = tpu.memref_squeeze %dma_wait3A_103 : memref<1x128xi32, #tpu.memory_space<vmem>> -> memref<128xi32, #tpu.memory_space<vmem>>
      %dma_wait3A_105 = arith.constant 0 : i32
      %dma_wait3A_106 = arith.constant 0 : i32
      %dma_wait3A_107 = tpu.memref_slice %arg2[%dma_wait3A_105, %dma_wait3A_106] : memref<10000x64xf32, #tpu.memory_space<hbm>> -> memref<10000x64xf32, #tpu.memory_space<hbm>>
      tpu.wait_indirect_dma semaphore(%arg17 : memref<!tpu.dma_semaphore, #tpu.memory_space<semaphore_mem>>) src(%dma_wait3A_107 : memref<10000x64xf32, #tpu.memory_space<hbm>>) dst(%arg12 : memref<128x64xf32, #tpu.memory_space<vmem>>)
      %dma_start3A_108 = arith.constant 159 : i32
      %dma_start3A_109 = arith.constant 0 : i32
      %dma_start3A_110 = tpu.memref_slice %arg8[%dma_start3A_108, %dma_start3A_109] : memref<160x128xi32, #tpu.memory_space<vmem>> -> memref<1x128xi32, #tpu.memory_space<vmem>>
      %dma_start3A_111 = tpu.memref_squeeze %dma_start3A_110 : memref<1x128xi32, #tpu.memory_space<vmem>> -> memref<128xi32, #tpu.memory_space<vmem>>
      %dma_start3A_112 = arith.constant 0 : i32
      %dma_start3A_113 = arith.constant 0 : i32
      %dma_start3A_114 = tpu.memref_slice %arg13[%dma_start3A_112, %dma_start3A_113] : memref<10240x64xf32, #tpu.memory_space<vmem_shared>> -> memref<10240x64xf32, #tpu.memory_space<vmem_shared>>
      tpu.enqueue_indirect_dma source(%arg12 : memref<128x64xf32, #tpu.memory_space<vmem>>) target(%dma_start3A_114 : memref<10240x64xf32, #tpu.memory_space<vmem_shared>>) offsets(%dma_start3A_111 : memref<128xi32, #tpu.memory_space<vmem>>) semaphore(%arg21 : memref<!tpu.dma_semaphore, #tpu.memory_space<semaphore_mem>>) {add = true}
      %dma_wait3A_115 = arith.constant 156 : i32
      %dma_wait3A_116 = arith.constant 0 : i32
      %dma_wait3A_117 = tpu.memref_slice %arg8[%dma_wait3A_115, %dma_wait3A_116] : memref<160x128xi32, #tpu.memory_space<vmem>> -> memref<1x128xi32, #tpu.memory_space<vmem>>
      %dma_wait3A_118 = tpu.memref_squeeze %dma_wait3A_117 : memref<1x128xi32, #tpu.memory_space<vmem>> -> memref<128xi32, #tpu.memory_space<vmem>>
      %dma_wait3A_119 = arith.constant 0 : i32
      %dma_wait3A_120 = arith.constant 0 : i32
      %dma_wait3A_121 = tpu.memref_slice %arg13[%dma_wait3A_119, %dma_wait3A_120] : memref<10240x64xf32, #tpu.memory_space<vmem_shared>> -> memref<10240x64xf32, #tpu.memory_space<vmem_shared>>
      tpu.wait_indirect_dma semaphore(%arg18 : memref<!tpu.dma_semaphore, #tpu.memory_space<semaphore_mem>>) src(%arg9 : memref<128x64xf32, #tpu.memory_space<vmem>>) dst(%dma_wait3A_121 : memref<10240x64xf32, #tpu.memory_space<vmem_shared>>)
      %dma_wait3A_122 = arith.constant 157 : i32
      %dma_wait3A_123 = arith.constant 0 : i32
      %dma_wait3A_124 = tpu.memref_slice %arg8[%dma_wait3A_122, %dma_wait3A_123] : memref<160x128xi32, #tpu.memory_space<vmem>> -> memref<1x128xi32, #tpu.memory_space<vmem>>
      %dma_wait3A_125 = tpu.memref_squeeze %dma_wait3A_124 : memref<1x128xi32, #tpu.memory_space<vmem>> -> memref<128xi32, #tpu.memory_space<vmem>>
      %dma_wait3A_126 = arith.constant 0 : i32
      %dma_wait3A_127 = arith.constant 0 : i32
      %dma_wait3A_128 = tpu.memref_slice %arg13[%dma_wait3A_126, %dma_wait3A_127] : memref<10240x64xf32, #tpu.memory_space<vmem_shared>> -> memref<10240x64xf32, #tpu.memory_space<vmem_shared>>
      tpu.wait_indirect_dma semaphore(%arg19 : memref<!tpu.dma_semaphore, #tpu.memory_space<semaphore_mem>>) src(%arg10 : memref<128x64xf32, #tpu.memory_space<vmem>>) dst(%dma_wait3A_128 : memref<10240x64xf32, #tpu.memory_space<vmem_shared>>)
      %dma_wait3A_129 = arith.constant 158 : i32
      %dma_wait3A_130 = arith.constant 0 : i32
      %dma_wait3A_131 = tpu.memref_slice %arg8[%dma_wait3A_129, %dma_wait3A_130] : memref<160x128xi32, #tpu.memory_space<vmem>> -> memref<1x128xi32, #tpu.memory_space<vmem>>
      %dma_wait3A_132 = tpu.memref_squeeze %dma_wait3A_131 : memref<1x128xi32, #tpu.memory_space<vmem>> -> memref<128xi32, #tpu.memory_space<vmem>>
      %dma_wait3A_133 = arith.constant 0 : i32
      %dma_wait3A_134 = arith.constant 0 : i32
      %dma_wait3A_135 = tpu.memref_slice %arg13[%dma_wait3A_133, %dma_wait3A_134] : memref<10240x64xf32, #tpu.memory_space<vmem_shared>> -> memref<10240x64xf32, #tpu.memory_space<vmem_shared>>
      tpu.wait_indirect_dma semaphore(%arg20 : memref<!tpu.dma_semaphore, #tpu.memory_space<semaphore_mem>>) src(%arg11 : memref<128x64xf32, #tpu.memory_space<vmem>>) dst(%dma_wait3A_135 : memref<10240x64xf32, #tpu.memory_space<vmem_shared>>)
      %dma_wait3A_136 = arith.constant 159 : i32
      %dma_wait3A_137 = arith.constant 0 : i32
      %dma_wait3A_138 = tpu.memref_slice %arg8[%dma_wait3A_136, %dma_wait3A_137] : memref<160x128xi32, #tpu.memory_space<vmem>> -> memref<1x128xi32, #tpu.memory_space<vmem>>
      %dma_wait3A_139 = tpu.memref_squeeze %dma_wait3A_138 : memref<1x128xi32, #tpu.memory_space<vmem>> -> memref<128xi32, #tpu.memory_space<vmem>>
      %dma_wait3A_140 = arith.constant 0 : i32
      %dma_wait3A_141 = arith.constant 0 : i32
      %dma_wait3A_142 = tpu.memref_slice %arg13[%dma_wait3A_140, %dma_wait3A_141] : memref<10240x64xf32, #tpu.memory_space<vmem_shared>> -> memref<10240x64xf32, #tpu.memory_space<vmem_shared>>
      tpu.wait_indirect_dma semaphore(%arg21 : memref<!tpu.dma_semaphore, #tpu.memory_space<semaphore_mem>>) src(%arg12 : memref<128x64xf32, #tpu.memory_space<vmem>>) dst(%dma_wait3A_142 : memref<10240x64xf32, #tpu.memory_space<vmem_shared>>)
    } else {
    }
    %eq3A_19 = arith.constant 1 : i32
    %eq3A_20 = arith.cmpi eq, %arg0, %eq3A_19 : i32
    %convert_element_type3A_21 = arith.extui %eq3A_20 : i1 to i32
    %cond3A_22 = arith.constant 0 : i32
    %cond3A_23 = arith.cmpi ne, %convert_element_type3A_21, %cond3A_22 : i32
    scf.if %cond3A_23 {
      %dma_start3A = arith.constant 0 : i32
      %dma_start3A_28 = arith.constant 0 : i32
      %dma_start3A_29 = tpu.memref_slice %arg7[%dma_start3A, %dma_start3A_28] : memref<160x128xi32, #tpu.memory_space<vmem>> -> memref<1x128xi32, #tpu.memory_space<vmem>>
      %dma_start3A_30 = tpu.memref_squeeze %dma_start3A_29 : memref<1x128xi32, #tpu.memory_space<vmem>> -> memref<128xi32, #tpu.memory_space<vmem>>
      %dma_start3A_31 = arith.constant 0 : i32
      %dma_start3A_32 = arith.constant 0 : i32
      %dma_start3A_33 = tpu.memref_slice %arg3[%dma_start3A_31, %dma_start3A_32] : memref<10000x64xf32, #tpu.memory_space<hbm>> -> memref<10000x64xf32, #tpu.memory_space<hbm>>
      tpu.enqueue_indirect_dma source(%dma_start3A_33 : memref<10000x64xf32, #tpu.memory_space<hbm>>) target(%arg9 : memref<128x64xf32, #tpu.memory_space<vmem>>) offsets(%dma_start3A_30 : memref<128xi32, #tpu.memory_space<vmem>>) semaphore(%arg14 : memref<!tpu.dma_semaphore, #tpu.memory_space<semaphore_mem>>)
      %dma_start3A_34 = arith.constant 1 : i32
      %dma_start3A_35 = arith.constant 0 : i32
      %dma_start3A_36 = tpu.memref_slice %arg7[%dma_start3A_34, %dma_start3A_35] : memref<160x128xi32, #tpu.memory_space<vmem>> -> memref<1x128xi32, #tpu.memory_space<vmem>>
      %dma_start3A_37 = tpu.memref_squeeze %dma_start3A_36 : memref<1x128xi32, #tpu.memory_space<vmem>> -> memref<128xi32, #tpu.memory_space<vmem>>
      %dma_start3A_38 = arith.constant 0 : i32
      %dma_start3A_39 = arith.constant 0 : i32
      %dma_start3A_40 = tpu.memref_slice %arg3[%dma_start3A_38, %dma_start3A_39] : memref<10000x64xf32, #tpu.memory_space<hbm>> -> memref<10000x64xf32, #tpu.memory_space<hbm>>
      tpu.enqueue_indirect_dma source(%dma_start3A_40 : memref<10000x64xf32, #tpu.memory_space<hbm>>) target(%arg10 : memref<128x64xf32, #tpu.memory_space<vmem>>) offsets(%dma_start3A_37 : memref<128xi32, #tpu.memory_space<vmem>>) semaphore(%arg15 : memref<!tpu.dma_semaphore, #tpu.memory_space<semaphore_mem>>)
      %dma_wait3A = arith.constant 0 : i32
      %dma_wait3A_41 = arith.constant 0 : i32
      %dma_wait3A_42 = tpu.memref_slice %arg7[%dma_wait3A, %dma_wait3A_41] : memref<160x128xi32, #tpu.memory_space<vmem>> -> memref<1x128xi32, #tpu.memory_space<vmem>>
      %dma_wait3A_43 = tpu.memref_squeeze %dma_wait3A_42 : memref<1x128xi32, #tpu.memory_space<vmem>> -> memref<128xi32, #tpu.memory_space<vmem>>
      %dma_wait3A_44 = arith.constant 0 : i32
      %dma_wait3A_45 = arith.constant 0 : i32
      %dma_wait3A_46 = tpu.memref_slice %arg3[%dma_wait3A_44, %dma_wait3A_45] : memref<10000x64xf32, #tpu.memory_space<hbm>> -> memref<10000x64xf32, #tpu.memory_space<hbm>>
      tpu.wait_indirect_dma semaphore(%arg14 : memref<!tpu.dma_semaphore, #tpu.memory_space<semaphore_mem>>) src(%dma_wait3A_46 : memref<10000x64xf32, #tpu.memory_space<hbm>>) dst(%arg9 : memref<128x64xf32, #tpu.memory_space<vmem>>)
      %dma_start3A_47 = arith.constant 0 : i32
      %dma_start3A_48 = arith.constant 0 : i32
      %dma_start3A_49 = tpu.memref_slice %arg8[%dma_start3A_47, %dma_start3A_48] : memref<160x128xi32, #tpu.memory_space<vmem>> -> memref<1x128xi32, #tpu.memory_space<vmem>>
      %dma_start3A_50 = tpu.memref_squeeze %dma_start3A_49 : memref<1x128xi32, #tpu.memory_space<vmem>> -> memref<128xi32, #tpu.memory_space<vmem>>
      %dma_start3A_51 = arith.constant 0 : i32
      %dma_start3A_52 = arith.constant 0 : i32
      %dma_start3A_53 = tpu.memref_slice %arg13[%dma_start3A_51, %dma_start3A_52] : memref<10240x64xf32, #tpu.memory_space<vmem_shared>> -> memref<10240x64xf32, #tpu.memory_space<vmem_shared>>
      tpu.enqueue_indirect_dma source(%arg9 : memref<128x64xf32, #tpu.memory_space<vmem>>) target(%dma_start3A_53 : memref<10240x64xf32, #tpu.memory_space<vmem_shared>>) offsets(%dma_start3A_50 : memref<128xi32, #tpu.memory_space<vmem>>) semaphore(%arg18 : memref<!tpu.dma_semaphore, #tpu.memory_space<semaphore_mem>>) {add = true}
      %dma_start3A_54 = arith.constant 2 : i32
      %dma_start3A_55 = arith.constant 0 : i32
      %dma_start3A_56 = tpu.memref_slice %arg7[%dma_start3A_54, %dma_start3A_55] : memref<160x128xi32, #tpu.memory_space<vmem>> -> memref<1x128xi32, #tpu.memory_space<vmem>>
      %dma_start3A_57 = tpu.memref_squeeze %dma_start3A_56 : memref<1x128xi32, #tpu.memory_space<vmem>> -> memref<128xi32, #tpu.memory_space<vmem>>
      %dma_start3A_58 = arith.constant 0 : i32
      %dma_start3A_59 = arith.constant 0 : i32
      %dma_start3A_60 = tpu.memref_slice %arg3[%dma_start3A_58, %dma_start3A_59] : memref<10000x64xf32, #tpu.memory_space<hbm>> -> memref<10000x64xf32, #tpu.memory_space<hbm>>
      tpu.enqueue_indirect_dma source(%dma_start3A_60 : memref<10000x64xf32, #tpu.memory_space<hbm>>) target(%arg11 : memref<128x64xf32, #tpu.memory_space<vmem>>) offsets(%dma_start3A_57 : memref<128xi32, #tpu.memory_space<vmem>>) semaphore(%arg16 : memref<!tpu.dma_semaphore, #tpu.memory_space<semaphore_mem>>)
      %dma_wait3A_61 = arith.constant 1 : i32
      %dma_wait3A_62 = arith.constant 0 : i32
      %dma_wait3A_63 = tpu.memref_slice %arg7[%dma_wait3A_61, %dma_wait3A_62] : memref<160x128xi32, #tpu.memory_space<vmem>> -> memref<1x128xi32, #tpu.memory_space<vmem>>
      %dma_wait3A_64 = tpu.memref_squeeze %dma_wait3A_63 : memref<1x128xi32, #tpu.memory_space<vmem>> -> memref<128xi32, #tpu.memory_space<vmem>>
      %dma_wait3A_65 = arith.constant 0 : i32
      %dma_wait3A_66 = arith.constant 0 : i32
      %dma_wait3A_67 = tpu.memref_slice %arg3[%dma_wait3A_65, %dma_wait3A_66] : memref<10000x64xf32, #tpu.memory_space<hbm>> -> memref<10000x64xf32, #tpu.memory_space<hbm>>
      tpu.wait_indirect_dma semaphore(%arg15 : memref<!tpu.dma_semaphore, #tpu.memory_space<semaphore_mem>>) src(%dma_wait3A_67 : memref<10000x64xf32, #tpu.memory_space<hbm>>) dst(%arg10 : memref<128x64xf32, #tpu.memory_space<vmem>>)
      %dma_start3A_68 = arith.constant 1 : i32
      %dma_start3A_69 = arith.constant 0 : i32
      %dma_start3A_70 = tpu.memref_slice %arg8[%dma_start3A_68, %dma_start3A_69] : memref<160x128xi32, #tpu.memory_space<vmem>> -> memref<1x128xi32, #tpu.memory_space<vmem>>
      %dma_start3A_71 = tpu.memref_squeeze %dma_start3A_70 : memref<1x128xi32, #tpu.memory_space<vmem>> -> memref<128xi32, #tpu.memory_space<vmem>>
      %dma_start3A_72 = arith.constant 0 : i32
      %dma_start3A_73 = arith.constant 0 : i32
      %dma_start3A_74 = tpu.memref_slice %arg13[%dma_start3A_72, %dma_start3A_73] : memref<10240x64xf32, #tpu.memory_space<vmem_shared>> -> memref<10240x64xf32, #tpu.memory_space<vmem_shared>>
      tpu.enqueue_indirect_dma source(%arg10 : memref<128x64xf32, #tpu.memory_space<vmem>>) target(%dma_start3A_74 : memref<10240x64xf32, #tpu.memory_space<vmem_shared>>) offsets(%dma_start3A_71 : memref<128xi32, #tpu.memory_space<vmem>>) semaphore(%arg19 : memref<!tpu.dma_semaphore, #tpu.memory_space<semaphore_mem>>) {add = true}
      %dma_start3A_75 = arith.constant 3 : i32
      %dma_start3A_76 = arith.constant 0 : i32
      %dma_start3A_77 = tpu.memref_slice %arg7[%dma_start3A_75, %dma_start3A_76] : memref<160x128xi32, #tpu.memory_space<vmem>> -> memref<1x128xi32, #tpu.memory_space<vmem>>
      %dma_start3A_78 = tpu.memref_squeeze %dma_start3A_77 : memref<1x128xi32, #tpu.memory_space<vmem>> -> memref<128xi32, #tpu.memory_space<vmem>>
      %dma_start3A_79 = arith.constant 0 : i32
      %dma_start3A_80 = arith.constant 0 : i32
      %dma_start3A_81 = tpu.memref_slice %arg3[%dma_start3A_79, %dma_start3A_80] : memref<10000x64xf32, #tpu.memory_space<hbm>> -> memref<10000x64xf32, #tpu.memory_space<hbm>>
      tpu.enqueue_indirect_dma source(%dma_start3A_81 : memref<10000x64xf32, #tpu.memory_space<hbm>>) target(%arg12 : memref<128x64xf32, #tpu.memory_space<vmem>>) offsets(%dma_start3A_78 : memref<128xi32, #tpu.memory_space<vmem>>) semaphore(%arg17 : memref<!tpu.dma_semaphore, #tpu.memory_space<semaphore_mem>>)
      %scan3A_82 = arith.constant 0 : i32
      %scan3A_83 = arith.constant 39 : i32
      %scan3A_84 = arith.addi %scan3A_82, %scan3A_83 : i32
      %scan3A_85 = arith.constant 1 : i32
      scf.for %scan3A_143 = %scan3A_82 to %scan3A_84 step %scan3A_85  : i32 {
        %mul3A_144 = arith.constant 1 : i32
        %mul3A_145 = arith.muli %scan3A_143, %mul3A_144 : i32
        %add3A_146 = arith.constant 0 : i32
        %add3A_147 = arith.addi %add3A_146, %mul3A_145 : i32
        %mul3A_148 = arith.constant 4 : i32
        %mul3A_149 = arith.muli %mul3A_148, %add3A_147 : i32
        %add3A_150 = arith.constant 2 : i32
        %add3A_151 = arith.addi %add3A_150, %mul3A_149 : i32
        %add3A_152 = arith.constant 0 : i32
        %add3A_153 = arith.addi %add3A_151, %add3A_152 : i32
        %dma_wait3A_154 = arith.constant 0 : i32
        %dma_wait3A_155 = tpu.memref_slice %arg7[%add3A_153, %dma_wait3A_154] : memref<160x128xi32, #tpu.memory_space<vmem>> -> memref<1x128xi32, #tpu.memory_space<vmem>>
        %dma_wait3A_156 = tpu.memref_squeeze %dma_wait3A_155 : memref<1x128xi32, #tpu.memory_space<vmem>> -> memref<128xi32, #tpu.memory_space<vmem>>
        %dma_wait3A_157 = arith.constant 0 : i32
        %dma_wait3A_158 = arith.constant 0 : i32
        %dma_wait3A_159 = tpu.memref_slice %arg3[%dma_wait3A_157, %dma_wait3A_158] : memref<10000x64xf32, #tpu.memory_space<hbm>> -> memref<10000x64xf32, #tpu.memory_space<hbm>>
        tpu.wait_indirect_dma semaphore(%arg16 : memref<!tpu.dma_semaphore, #tpu.memory_space<semaphore_mem>>) src(%dma_wait3A_159 : memref<10000x64xf32, #tpu.memory_space<hbm>>) dst(%arg11 : memref<128x64xf32, #tpu.memory_space<vmem>>)
        %dma_start3A_160 = arith.constant 0 : i32
        %dma_start3A_161 = tpu.memref_slice %arg8[%add3A_153, %dma_start3A_160] : memref<160x128xi32, #tpu.memory_space<vmem>> -> memref<1x128xi32, #tpu.memory_space<vmem>>
        %dma_start3A_162 = tpu.memref_squeeze %dma_start3A_161 : memref<1x128xi32, #tpu.memory_space<vmem>> -> memref<128xi32, #tpu.memory_space<vmem>>
        %dma_start3A_163 = arith.constant 0 : i32
        %dma_start3A_164 = arith.constant 0 : i32
        %dma_start3A_165 = tpu.memref_slice %arg13[%dma_start3A_163, %dma_start3A_164] : memref<10240x64xf32, #tpu.memory_space<vmem_shared>> -> memref<10240x64xf32, #tpu.memory_space<vmem_shared>>
        tpu.enqueue_indirect_dma source(%arg11 : memref<128x64xf32, #tpu.memory_space<vmem>>) target(%dma_start3A_165 : memref<10240x64xf32, #tpu.memory_space<vmem_shared>>) offsets(%dma_start3A_162 : memref<128xi32, #tpu.memory_space<vmem>>) semaphore(%arg20 : memref<!tpu.dma_semaphore, #tpu.memory_space<semaphore_mem>>) {add = true}
        %sub3A = arith.constant 2 : i32
        %sub3A_166 = arith.subi %add3A_153, %sub3A : i32
        %dma_wait3A_167 = arith.constant 0 : i32
        %dma_wait3A_168 = tpu.memref_slice %arg8[%sub3A_166, %dma_wait3A_167] : memref<160x128xi32, #tpu.memory_space<vmem>> -> memref<1x128xi32, #tpu.memory_space<vmem>>
        %dma_wait3A_169 = tpu.memref_squeeze %dma_wait3A_168 : memref<1x128xi32, #tpu.memory_space<vmem>> -> memref<128xi32, #tpu.memory_space<vmem>>
        %dma_wait3A_170 = arith.constant 0 : i32
        %dma_wait3A_171 = arith.constant 0 : i32
        %dma_wait3A_172 = tpu.memref_slice %arg13[%dma_wait3A_170, %dma_wait3A_171] : memref<10240x64xf32, #tpu.memory_space<vmem_shared>> -> memref<10240x64xf32, #tpu.memory_space<vmem_shared>>
        tpu.wait_indirect_dma semaphore(%arg18 : memref<!tpu.dma_semaphore, #tpu.memory_space<semaphore_mem>>) src(%arg9 : memref<128x64xf32, #tpu.memory_space<vmem>>) dst(%dma_wait3A_172 : memref<10240x64xf32, #tpu.memory_space<vmem_shared>>)
        %add3A_173 = arith.constant 2 : i32
        %add3A_174 = arith.addi %add3A_153, %add3A_173 : i32
        %dma_start3A_175 = arith.constant 0 : i32
        %dma_start3A_176 = tpu.memref_slice %arg7[%add3A_174, %dma_start3A_175] : memref<160x128xi32, #tpu.memory_space<vmem>> -> memref<1x128xi32, #tpu.memory_space<vmem>>
        %dma_start3A_177 = tpu.memref_squeeze %dma_start3A_176 : memref<1x128xi32, #tpu.memory_space<vmem>> -> memref<128xi32, #tpu.memory_space<vmem>>
        %dma_start3A_178 = arith.constant 0 : i32
        %dma_start3A_179 = arith.constant 0 : i32
        %dma_start3A_180 = tpu.memref_slice %arg3[%dma_start3A_178, %dma_start3A_179] : memref<10000x64xf32, #tpu.memory_space<hbm>> -> memref<10000x64xf32, #tpu.memory_space<hbm>>
        tpu.enqueue_indirect_dma source(%dma_start3A_180 : memref<10000x64xf32, #tpu.memory_space<hbm>>) target(%arg9 : memref<128x64xf32, #tpu.memory_space<vmem>>) offsets(%dma_start3A_177 : memref<128xi32, #tpu.memory_space<vmem>>) semaphore(%arg14 : memref<!tpu.dma_semaphore, #tpu.memory_space<semaphore_mem>>)
        %add3A_181 = arith.constant 1 : i32
        %add3A_182 = arith.addi %add3A_151, %add3A_181 : i32
        %dma_wait3A_183 = arith.constant 0 : i32
        %dma_wait3A_184 = tpu.memref_slice %arg7[%add3A_182, %dma_wait3A_183] : memref<160x128xi32, #tpu.memory_space<vmem>> -> memref<1x128xi32, #tpu.memory_space<vmem>>
        %dma_wait3A_185 = tpu.memref_squeeze %dma_wait3A_184 : memref<1x128xi32, #tpu.memory_space<vmem>> -> memref<128xi32, #tpu.memory_space<vmem>>
        %dma_wait3A_186 = arith.constant 0 : i32
        %dma_wait3A_187 = arith.constant 0 : i32
        %dma_wait3A_188 = tpu.memref_slice %arg3[%dma_wait3A_186, %dma_wait3A_187] : memref<10000x64xf32, #tpu.memory_space<hbm>> -> memref<10000x64xf32, #tpu.memory_space<hbm>>
        tpu.wait_indirect_dma semaphore(%arg17 : memref<!tpu.dma_semaphore, #tpu.memory_space<semaphore_mem>>) src(%dma_wait3A_188 : memref<10000x64xf32, #tpu.memory_space<hbm>>) dst(%arg12 : memref<128x64xf32, #tpu.memory_space<vmem>>)
        %dma_start3A_189 = arith.constant 0 : i32
        %dma_start3A_190 = tpu.memref_slice %arg8[%add3A_182, %dma_start3A_189] : memref<160x128xi32, #tpu.memory_space<vmem>> -> memref<1x128xi32, #tpu.memory_space<vmem>>
        %dma_start3A_191 = tpu.memref_squeeze %dma_start3A_190 : memref<1x128xi32, #tpu.memory_space<vmem>> -> memref<128xi32, #tpu.memory_space<vmem>>
        %dma_start3A_192 = arith.constant 0 : i32
        %dma_start3A_193 = arith.constant 0 : i32
        %dma_start3A_194 = tpu.memref_slice %arg13[%dma_start3A_192, %dma_start3A_193] : memref<10240x64xf32, #tpu.memory_space<vmem_shared>> -> memref<10240x64xf32, #tpu.memory_space<vmem_shared>>
        tpu.enqueue_indirect_dma source(%arg12 : memref<128x64xf32, #tpu.memory_space<vmem>>) target(%dma_start3A_194 : memref<10240x64xf32, #tpu.memory_space<vmem_shared>>) offsets(%dma_start3A_191 : memref<128xi32, #tpu.memory_space<vmem>>) semaphore(%arg21 : memref<!tpu.dma_semaphore, #tpu.memory_space<semaphore_mem>>) {add = true}
        %sub3A_195 = arith.constant 2 : i32
        %sub3A_196 = arith.subi %add3A_182, %sub3A_195 : i32
        %dma_wait3A_197 = arith.constant 0 : i32
        %dma_wait3A_198 = tpu.memref_slice %arg8[%sub3A_196, %dma_wait3A_197] : memref<160x128xi32, #tpu.memory_space<vmem>> -> memref<1x128xi32, #tpu.memory_space<vmem>>
        %dma_wait3A_199 = tpu.memref_squeeze %dma_wait3A_198 : memref<1x128xi32, #tpu.memory_space<vmem>> -> memref<128xi32, #tpu.memory_space<vmem>>
        %dma_wait3A_200 = arith.constant 0 : i32
        %dma_wait3A_201 = arith.constant 0 : i32
        %dma_wait3A_202 = tpu.memref_slice %arg13[%dma_wait3A_200, %dma_wait3A_201] : memref<10240x64xf32, #tpu.memory_space<vmem_shared>> -> memref<10240x64xf32, #tpu.memory_space<vmem_shared>>
        tpu.wait_indirect_dma semaphore(%arg19 : memref<!tpu.dma_semaphore, #tpu.memory_space<semaphore_mem>>) src(%arg10 : memref<128x64xf32, #tpu.memory_space<vmem>>) dst(%dma_wait3A_202 : memref<10240x64xf32, #tpu.memory_space<vmem_shared>>)
        %add3A_203 = arith.constant 2 : i32
        %add3A_204 = arith.addi %add3A_182, %add3A_203 : i32
        %dma_start3A_205 = arith.constant 0 : i32
        %dma_start3A_206 = tpu.memref_slice %arg7[%add3A_204, %dma_start3A_205] : memref<160x128xi32, #tpu.memory_space<vmem>> -> memref<1x128xi32, #tpu.memory_space<vmem>>
        %dma_start3A_207 = tpu.memref_squeeze %dma_start3A_206 : memref<1x128xi32, #tpu.memory_space<vmem>> -> memref<128xi32, #tpu.memory_space<vmem>>
        %dma_start3A_208 = arith.constant 0 : i32
        %dma_start3A_209 = arith.constant 0 : i32
        %dma_start3A_210 = tpu.memref_slice %arg3[%dma_start3A_208, %dma_start3A_209] : memref<10000x64xf32, #tpu.memory_space<hbm>> -> memref<10000x64xf32, #tpu.memory_space<hbm>>
        tpu.enqueue_indirect_dma source(%dma_start3A_210 : memref<10000x64xf32, #tpu.memory_space<hbm>>) target(%arg10 : memref<128x64xf32, #tpu.memory_space<vmem>>) offsets(%dma_start3A_207 : memref<128xi32, #tpu.memory_space<vmem>>) semaphore(%arg15 : memref<!tpu.dma_semaphore, #tpu.memory_space<semaphore_mem>>)
        %add3A_211 = arith.constant 2 : i32
        %add3A_212 = arith.addi %add3A_151, %add3A_211 : i32
        %dma_wait3A_213 = arith.constant 0 : i32
        %dma_wait3A_214 = tpu.memref_slice %arg7[%add3A_212, %dma_wait3A_213] : memref<160x128xi32, #tpu.memory_space<vmem>> -> memref<1x128xi32, #tpu.memory_space<vmem>>
        %dma_wait3A_215 = tpu.memref_squeeze %dma_wait3A_214 : memref<1x128xi32, #tpu.memory_space<vmem>> -> memref<128xi32, #tpu.memory_space<vmem>>
        %dma_wait3A_216 = arith.constant 0 : i32
        %dma_wait3A_217 = arith.constant 0 : i32
        %dma_wait3A_218 = tpu.memref_slice %arg3[%dma_wait3A_216, %dma_wait3A_217] : memref<10000x64xf32, #tpu.memory_space<hbm>> -> memref<10000x64xf32, #tpu.memory_space<hbm>>
        tpu.wait_indirect_dma semaphore(%arg14 : memref<!tpu.dma_semaphore, #tpu.memory_space<semaphore_mem>>) src(%dma_wait3A_218 : memref<10000x64xf32, #tpu.memory_space<hbm>>) dst(%arg9 : memref<128x64xf32, #tpu.memory_space<vmem>>)
        %dma_start3A_219 = arith.constant 0 : i32
        %dma_start3A_220 = tpu.memref_slice %arg8[%add3A_212, %dma_start3A_219] : memref<160x128xi32, #tpu.memory_space<vmem>> -> memref<1x128xi32, #tpu.memory_space<vmem>>
        %dma_start3A_221 = tpu.memref_squeeze %dma_start3A_220 : memref<1x128xi32, #tpu.memory_space<vmem>> -> memref<128xi32, #tpu.memory_space<vmem>>
        %dma_start3A_222 = arith.constant 0 : i32
        %dma_start3A_223 = arith.constant 0 : i32
        %dma_start3A_224 = tpu.memref_slice %arg13[%dma_start3A_222, %dma_start3A_223] : memref<10240x64xf32, #tpu.memory_space<vmem_shared>> -> memref<10240x64xf32, #tpu.memory_space<vmem_shared>>
        tpu.enqueue_indirect_dma source(%arg9 : memref<128x64xf32, #tpu.memory_space<vmem>>) target(%dma_start3A_224 : memref<10240x64xf32, #tpu.memory_space<vmem_shared>>) offsets(%dma_start3A_221 : memref<128xi32, #tpu.memory_space<vmem>>) semaphore(%arg18 : memref<!tpu.dma_semaphore, #tpu.memory_space<semaphore_mem>>) {add = true}
        %sub3A_225 = arith.constant 2 : i32
        %sub3A_226 = arith.subi %add3A_212, %sub3A_225 : i32
        %dma_wait3A_227 = arith.constant 0 : i32
        %dma_wait3A_228 = tpu.memref_slice %arg8[%sub3A_226, %dma_wait3A_227] : memref<160x128xi32, #tpu.memory_space<vmem>> -> memref<1x128xi32, #tpu.memory_space<vmem>>
        %dma_wait3A_229 = tpu.memref_squeeze %dma_wait3A_228 : memref<1x128xi32, #tpu.memory_space<vmem>> -> memref<128xi32, #tpu.memory_space<vmem>>
        %dma_wait3A_230 = arith.constant 0 : i32
        %dma_wait3A_231 = arith.constant 0 : i32
        %dma_wait3A_232 = tpu.memref_slice %arg13[%dma_wait3A_230, %dma_wait3A_231] : memref<10240x64xf32, #tpu.memory_space<vmem_shared>> -> memref<10240x64xf32, #tpu.memory_space<vmem_shared>>
        tpu.wait_indirect_dma semaphore(%arg20 : memref<!tpu.dma_semaphore, #tpu.memory_space<semaphore_mem>>) src(%arg11 : memref<128x64xf32, #tpu.memory_space<vmem>>) dst(%dma_wait3A_232 : memref<10240x64xf32, #tpu.memory_space<vmem_shared>>)
        %add3A_233 = arith.constant 2 : i32
        %add3A_234 = arith.addi %add3A_212, %add3A_233 : i32
        %dma_start3A_235 = arith.constant 0 : i32
        %dma_start3A_236 = tpu.memref_slice %arg7[%add3A_234, %dma_start3A_235] : memref<160x128xi32, #tpu.memory_space<vmem>> -> memref<1x128xi32, #tpu.memory_space<vmem>>
        %dma_start3A_237 = tpu.memref_squeeze %dma_start3A_236 : memref<1x128xi32, #tpu.memory_space<vmem>> -> memref<128xi32, #tpu.memory_space<vmem>>
        %dma_start3A_238 = arith.constant 0 : i32
        %dma_start3A_239 = arith.constant 0 : i32
        %dma_start3A_240 = tpu.memref_slice %arg3[%dma_start3A_238, %dma_start3A_239] : memref<10000x64xf32, #tpu.memory_space<hbm>> -> memref<10000x64xf32, #tpu.memory_space<hbm>>
        tpu.enqueue_indirect_dma source(%dma_start3A_240 : memref<10000x64xf32, #tpu.memory_space<hbm>>) target(%arg11 : memref<128x64xf32, #tpu.memory_space<vmem>>) offsets(%dma_start3A_237 : memref<128xi32, #tpu.memory_space<vmem>>) semaphore(%arg16 : memref<!tpu.dma_semaphore, #tpu.memory_space<semaphore_mem>>)
        %add3A_241 = arith.constant 3 : i32
        %add3A_242 = arith.addi %add3A_151, %add3A_241 : i32
        %dma_wait3A_243 = arith.constant 0 : i32
        %dma_wait3A_244 = tpu.memref_slice %arg7[%add3A_242, %dma_wait3A_243] : memref<160x128xi32, #tpu.memory_space<vmem>> -> memref<1x128xi32, #tpu.memory_space<vmem>>
        %dma_wait3A_245 = tpu.memref_squeeze %dma_wait3A_244 : memref<1x128xi32, #tpu.memory_space<vmem>> -> memref<128xi32, #tpu.memory_space<vmem>>
        %dma_wait3A_246 = arith.constant 0 : i32
        %dma_wait3A_247 = arith.constant 0 : i32
        %dma_wait3A_248 = tpu.memref_slice %arg3[%dma_wait3A_246, %dma_wait3A_247] : memref<10000x64xf32, #tpu.memory_space<hbm>> -> memref<10000x64xf32, #tpu.memory_space<hbm>>
        tpu.wait_indirect_dma semaphore(%arg15 : memref<!tpu.dma_semaphore, #tpu.memory_space<semaphore_mem>>) src(%dma_wait3A_248 : memref<10000x64xf32, #tpu.memory_space<hbm>>) dst(%arg10 : memref<128x64xf32, #tpu.memory_space<vmem>>)
        %dma_start3A_249 = arith.constant 0 : i32
        %dma_start3A_250 = tpu.memref_slice %arg8[%add3A_242, %dma_start3A_249] : memref<160x128xi32, #tpu.memory_space<vmem>> -> memref<1x128xi32, #tpu.memory_space<vmem>>
        %dma_start3A_251 = tpu.memref_squeeze %dma_start3A_250 : memref<1x128xi32, #tpu.memory_space<vmem>> -> memref<128xi32, #tpu.memory_space<vmem>>
        %dma_start3A_252 = arith.constant 0 : i32
        %dma_start3A_253 = arith.constant 0 : i32
        %dma_start3A_254 = tpu.memref_slice %arg13[%dma_start3A_252, %dma_start3A_253] : memref<10240x64xf32, #tpu.memory_space<vmem_shared>> -> memref<10240x64xf32, #tpu.memory_space<vmem_shared>>
        tpu.enqueue_indirect_dma source(%arg10 : memref<128x64xf32, #tpu.memory_space<vmem>>) target(%dma_start3A_254 : memref<10240x64xf32, #tpu.memory_space<vmem_shared>>) offsets(%dma_start3A_251 : memref<128xi32, #tpu.memory_space<vmem>>) semaphore(%arg19 : memref<!tpu.dma_semaphore, #tpu.memory_space<semaphore_mem>>) {add = true}
        %sub3A_255 = arith.constant 2 : i32
        %sub3A_256 = arith.subi %add3A_242, %sub3A_255 : i32
        %dma_wait3A_257 = arith.constant 0 : i32
        %dma_wait3A_258 = tpu.memref_slice %arg8[%sub3A_256, %dma_wait3A_257] : memref<160x128xi32, #tpu.memory_space<vmem>> -> memref<1x128xi32, #tpu.memory_space<vmem>>
        %dma_wait3A_259 = tpu.memref_squeeze %dma_wait3A_258 : memref<1x128xi32, #tpu.memory_space<vmem>> -> memref<128xi32, #tpu.memory_space<vmem>>
        %dma_wait3A_260 = arith.constant 0 : i32
        %dma_wait3A_261 = arith.constant 0 : i32
        %dma_wait3A_262 = tpu.memref_slice %arg13[%dma_wait3A_260, %dma_wait3A_261] : memref<10240x64xf32, #tpu.memory_space<vmem_shared>> -> memref<10240x64xf32, #tpu.memory_space<vmem_shared>>
        tpu.wait_indirect_dma semaphore(%arg21 : memref<!tpu.dma_semaphore, #tpu.memory_space<semaphore_mem>>) src(%arg12 : memref<128x64xf32, #tpu.memory_space<vmem>>) dst(%dma_wait3A_262 : memref<10240x64xf32, #tpu.memory_space<vmem_shared>>)
        %add3A_263 = arith.constant 2 : i32
        %add3A_264 = arith.addi %add3A_242, %add3A_263 : i32
        %dma_start3A_265 = arith.constant 0 : i32
        %dma_start3A_266 = tpu.memref_slice %arg7[%add3A_264, %dma_start3A_265] : memref<160x128xi32, #tpu.memory_space<vmem>> -> memref<1x128xi32, #tpu.memory_space<vmem>>
        %dma_start3A_267 = tpu.memref_squeeze %dma_start3A_266 : memref<1x128xi32, #tpu.memory_space<vmem>> -> memref<128xi32, #tpu.memory_space<vmem>>
        %dma_start3A_268 = arith.constant 0 : i32
        %dma_start3A_269 = arith.constant 0 : i32
        %dma_start3A_270 = tpu.memref_slice %arg3[%dma_start3A_268, %dma_start3A_269] : memref<10000x64xf32, #tpu.memory_space<hbm>> -> memref<10000x64xf32, #tpu.memory_space<hbm>>
        tpu.enqueue_indirect_dma source(%dma_start3A_270 : memref<10000x64xf32, #tpu.memory_space<hbm>>) target(%arg12 : memref<128x64xf32, #tpu.memory_space<vmem>>) offsets(%dma_start3A_267 : memref<128xi32, #tpu.memory_space<vmem>>) semaphore(%arg17 : memref<!tpu.dma_semaphore, #tpu.memory_space<semaphore_mem>>)
      }
      %scan3A_86 = arith.constant 39 : i32
      %dma_wait3A_87 = arith.constant 158 : i32
      %dma_wait3A_88 = arith.constant 0 : i32
      %dma_wait3A_89 = tpu.memref_slice %arg7[%dma_wait3A_87, %dma_wait3A_88] : memref<160x128xi32, #tpu.memory_space<vmem>> -> memref<1x128xi32, #tpu.memory_space<vmem>>
      %dma_wait3A_90 = tpu.memref_squeeze %dma_wait3A_89 : memref<1x128xi32, #tpu.memory_space<vmem>> -> memref<128xi32, #tpu.memory_space<vmem>>
      %dma_wait3A_91 = arith.constant 0 : i32
      %dma_wait3A_92 = arith.constant 0 : i32
      %dma_wait3A_93 = tpu.memref_slice %arg3[%dma_wait3A_91, %dma_wait3A_92] : memref<10000x64xf32, #tpu.memory_space<hbm>> -> memref<10000x64xf32, #tpu.memory_space<hbm>>
      tpu.wait_indirect_dma semaphore(%arg16 : memref<!tpu.dma_semaphore, #tpu.memory_space<semaphore_mem>>) src(%dma_wait3A_93 : memref<10000x64xf32, #tpu.memory_space<hbm>>) dst(%arg11 : memref<128x64xf32, #tpu.memory_space<vmem>>)
      %dma_start3A_94 = arith.constant 158 : i32
      %dma_start3A_95 = arith.constant 0 : i32
      %dma_start3A_96 = tpu.memref_slice %arg8[%dma_start3A_94, %dma_start3A_95] : memref<160x128xi32, #tpu.memory_space<vmem>> -> memref<1x128xi32, #tpu.memory_space<vmem>>
      %dma_start3A_97 = tpu.memref_squeeze %dma_start3A_96 : memref<1x128xi32, #tpu.memory_space<vmem>> -> memref<128xi32, #tpu.memory_space<vmem>>
      %dma_start3A_98 = arith.constant 0 : i32
      %dma_start3A_99 = arith.constant 0 : i32
      %dma_start3A_100 = tpu.memref_slice %arg13[%dma_start3A_98, %dma_start3A_99] : memref<10240x64xf32, #tpu.memory_space<vmem_shared>> -> memref<10240x64xf32, #tpu.memory_space<vmem_shared>>
      tpu.enqueue_indirect_dma source(%arg11 : memref<128x64xf32, #tpu.memory_space<vmem>>) target(%dma_start3A_100 : memref<10240x64xf32, #tpu.memory_space<vmem_shared>>) offsets(%dma_start3A_97 : memref<128xi32, #tpu.memory_space<vmem>>) semaphore(%arg20 : memref<!tpu.dma_semaphore, #tpu.memory_space<semaphore_mem>>) {add = true}
      %dma_wait3A_101 = arith.constant 159 : i32
      %dma_wait3A_102 = arith.constant 0 : i32
      %dma_wait3A_103 = tpu.memref_slice %arg7[%dma_wait3A_101, %dma_wait3A_102] : memref<160x128xi32, #tpu.memory_space<vmem>> -> memref<1x128xi32, #tpu.memory_space<vmem>>
      %dma_wait3A_104 = tpu.memref_squeeze %dma_wait3A_103 : memref<1x128xi32, #tpu.memory_space<vmem>> -> memref<128xi32, #tpu.memory_space<vmem>>
      %dma_wait3A_105 = arith.constant 0 : i32
      %dma_wait3A_106 = arith.constant 0 : i32
      %dma_wait3A_107 = tpu.memref_slice %arg3[%dma_wait3A_105, %dma_wait3A_106] : memref<10000x64xf32, #tpu.memory_space<hbm>> -> memref<10000x64xf32, #tpu.memory_space<hbm>>
      tpu.wait_indirect_dma semaphore(%arg17 : memref<!tpu.dma_semaphore, #tpu.memory_space<semaphore_mem>>) src(%dma_wait3A_107 : memref<10000x64xf32, #tpu.memory_space<hbm>>) dst(%arg12 : memref<128x64xf32, #tpu.memory_space<vmem>>)
      %dma_start3A_108 = arith.constant 159 : i32
      %dma_start3A_109 = arith.constant 0 : i32
      %dma_start3A_110 = tpu.memref_slice %arg8[%dma_start3A_108, %dma_start3A_109] : memref<160x128xi32, #tpu.memory_space<vmem>> -> memref<1x128xi32, #tpu.memory_space<vmem>>
      %dma_start3A_111 = tpu.memref_squeeze %dma_start3A_110 : memref<1x128xi32, #tpu.memory_space<vmem>> -> memref<128xi32, #tpu.memory_space<vmem>>
      %dma_start3A_112 = arith.constant 0 : i32
      %dma_start3A_113 = arith.constant 0 : i32
      %dma_start3A_114 = tpu.memref_slice %arg13[%dma_start3A_112, %dma_start3A_113] : memref<10240x64xf32, #tpu.memory_space<vmem_shared>> -> memref<10240x64xf32, #tpu.memory_space<vmem_shared>>
      tpu.enqueue_indirect_dma source(%arg12 : memref<128x64xf32, #tpu.memory_space<vmem>>) target(%dma_start3A_114 : memref<10240x64xf32, #tpu.memory_space<vmem_shared>>) offsets(%dma_start3A_111 : memref<128xi32, #tpu.memory_space<vmem>>) semaphore(%arg21 : memref<!tpu.dma_semaphore, #tpu.memory_space<semaphore_mem>>) {add = true}
      %dma_wait3A_115 = arith.constant 156 : i32
      %dma_wait3A_116 = arith.constant 0 : i32
      %dma_wait3A_117 = tpu.memref_slice %arg8[%dma_wait3A_115, %dma_wait3A_116] : memref<160x128xi32, #tpu.memory_space<vmem>> -> memref<1x128xi32, #tpu.memory_space<vmem>>
      %dma_wait3A_118 = tpu.memref_squeeze %dma_wait3A_117 : memref<1x128xi32, #tpu.memory_space<vmem>> -> memref<128xi32, #tpu.memory_space<vmem>>
      %dma_wait3A_119 = arith.constant 0 : i32
      %dma_wait3A_120 = arith.constant 0 : i32
      %dma_wait3A_121 = tpu.memref_slice %arg13[%dma_wait3A_119, %dma_wait3A_120] : memref<10240x64xf32, #tpu.memory_space<vmem_shared>> -> memref<10240x64xf32, #tpu.memory_space<vmem_shared>>
      tpu.wait_indirect_dma semaphore(%arg18 : memref<!tpu.dma_semaphore, #tpu.memory_space<semaphore_mem>>) src(%arg9 : memref<128x64xf32, #tpu.memory_space<vmem>>) dst(%dma_wait3A_121 : memref<10240x64xf32, #tpu.memory_space<vmem_shared>>)
      %dma_wait3A_122 = arith.constant 157 : i32
      %dma_wait3A_123 = arith.constant 0 : i32
      %dma_wait3A_124 = tpu.memref_slice %arg8[%dma_wait3A_122, %dma_wait3A_123] : memref<160x128xi32, #tpu.memory_space<vmem>> -> memref<1x128xi32, #tpu.memory_space<vmem>>
      %dma_wait3A_125 = tpu.memref_squeeze %dma_wait3A_124 : memref<1x128xi32, #tpu.memory_space<vmem>> -> memref<128xi32, #tpu.memory_space<vmem>>
      %dma_wait3A_126 = arith.constant 0 : i32
      %dma_wait3A_127 = arith.constant 0 : i32
      %dma_wait3A_128 = tpu.memref_slice %arg13[%dma_wait3A_126, %dma_wait3A_127] : memref<10240x64xf32, #tpu.memory_space<vmem_shared>> -> memref<10240x64xf32, #tpu.memory_space<vmem_shared>>
      tpu.wait_indirect_dma semaphore(%arg19 : memref<!tpu.dma_semaphore, #tpu.memory_space<semaphore_mem>>) src(%arg10 : memref<128x64xf32, #tpu.memory_space<vmem>>) dst(%dma_wait3A_128 : memref<10240x64xf32, #tpu.memory_space<vmem_shared>>)
      %dma_wait3A_129 = arith.constant 158 : i32
      %dma_wait3A_130 = arith.constant 0 : i32
      %dma_wait3A_131 = tpu.memref_slice %arg8[%dma_wait3A_129, %dma_wait3A_130] : memref<160x128xi32, #tpu.memory_space<vmem>> -> memref<1x128xi32, #tpu.memory_space<vmem>>
      %dma_wait3A_132 = tpu.memref_squeeze %dma_wait3A_131 : memref<1x128xi32, #tpu.memory_space<vmem>> -> memref<128xi32, #tpu.memory_space<vmem>>
      %dma_wait3A_133 = arith.constant 0 : i32
      %dma_wait3A_134 = arith.constant 0 : i32
      %dma_wait3A_135 = tpu.memref_slice %arg13[%dma_wait3A_133, %dma_wait3A_134] : memref<10240x64xf32, #tpu.memory_space<vmem_shared>> -> memref<10240x64xf32, #tpu.memory_space<vmem_shared>>
      tpu.wait_indirect_dma semaphore(%arg20 : memref<!tpu.dma_semaphore, #tpu.memory_space<semaphore_mem>>) src(%arg11 : memref<128x64xf32, #tpu.memory_space<vmem>>) dst(%dma_wait3A_135 : memref<10240x64xf32, #tpu.memory_space<vmem_shared>>)
      %dma_wait3A_136 = arith.constant 159 : i32
      %dma_wait3A_137 = arith.constant 0 : i32
      %dma_wait3A_138 = tpu.memref_slice %arg8[%dma_wait3A_136, %dma_wait3A_137] : memref<160x128xi32, #tpu.memory_space<vmem>> -> memref<1x128xi32, #tpu.memory_space<vmem>>
      %dma_wait3A_139 = tpu.memref_squeeze %dma_wait3A_138 : memref<1x128xi32, #tpu.memory_space<vmem>> -> memref<128xi32, #tpu.memory_space<vmem>>
      %dma_wait3A_140 = arith.constant 0 : i32
      %dma_wait3A_141 = arith.constant 0 : i32
      %dma_wait3A_142 = tpu.memref_slice %arg13[%dma_wait3A_140, %dma_wait3A_141] : memref<10240x64xf32, #tpu.memory_space<vmem_shared>> -> memref<10240x64xf32, #tpu.memory_space<vmem_shared>>
      tpu.wait_indirect_dma semaphore(%arg21 : memref<!tpu.dma_semaphore, #tpu.memory_space<semaphore_mem>>) src(%arg12 : memref<128x64xf32, #tpu.memory_space<vmem>>) dst(%dma_wait3A_142 : memref<10240x64xf32, #tpu.memory_space<vmem_shared>>)
    } else {
    }
    %barrier3A_24 = arith.constant 0 : index
    tpu.barrier barrier_id(%barrier3A_24)
    %mul3A_25 = arith.constant 10240 : i32
    %mul3A_26 = arith.muli %arg0, %mul3A_25 : i32
    %add3A_27 = arith.addi %mul3A_26, %mul3A_7 : i32
    "tpu.region"() ({
      %run_scoped3A = tpu.sem_alloc : memref<!tpu.dma_semaphore, #tpu.memory_space<semaphore_mem>>
      %dma_start3A = arith.constant 0 : i32
      %dma_start3A_28 = tpu.memref_slice %arg6[%add3A_27, %dma_start3A] : memref<20480x64xf32, #tpu.memory_space<hbm>> -> memref<640x64xf32, #tpu.memory_space<hbm>>
      %dma_start3A_29 = arith.constant 0 : i32
      %dma_start3A_30 = tpu.memref_slice %arg13[%mul3A_7, %dma_start3A_29] : memref<10240x64xf32, #tpu.memory_space<vmem_shared>> -> memref<640x64xf32, #tpu.memory_space<vmem_shared>>
      tpu.enqueue_dma source(%dma_start3A_30 : memref<640x64xf32, #tpu.memory_space<vmem_shared>>) target(%dma_start3A_28 : memref<640x64xf32, #tpu.memory_space<hbm>>) target_semaphore(%run_scoped3A : memref<!tpu.dma_semaphore, #tpu.memory_space<semaphore_mem>>)
      %dma_wait3A = arith.constant 0 : i32
      %dma_wait3A_31 = tpu.memref_slice %arg6[%add3A_27, %dma_wait3A] : memref<20480x64xf32, #tpu.memory_space<hbm>> -> memref<640x64xf32, #tpu.memory_space<hbm>>
      %dma_wait3A_32 = arith.constant 0 : i32
      %dma_wait3A_33 = tpu.memref_slice %arg13[%mul3A_7, %dma_wait3A_32] : memref<10240x64xf32, #tpu.memory_space<vmem_shared>> -> memref<640x64xf32, #tpu.memory_space<vmem_shared>>
      tpu.wait_dma2 semaphore(%run_scoped3A : memref<!tpu.dma_semaphore, #tpu.memory_space<semaphore_mem>>) src(%dma_wait3A_33 : memref<640x64xf32, #tpu.memory_space<vmem_shared>>) dst(%dma_wait3A_31 : memref<640x64xf32, #tpu.memory_space<hbm>>)
      tpu.yield
    }) : () -> ()
    return
  }
}

#map = affine_map<(d0, d1) -> (0, 0)>
module attributes {stable_mosaic.version = 14 : i64} {
  func.func @agg_kernel(%arg0: i32, %arg1: i32, %arg2: memref<10000x64xf32, #tpu.memory_space<hbm>>, %arg3: memref<2560x128xi32, #tpu.memory_space<hbm>>, %arg4: memref<2560x128xi32, #tpu.memory_space<hbm>>, %arg5: memref<20480x64xf32, #tpu.memory_space<hbm>>, %arg6: memref<80x128xi32, #tpu.memory_space<vmem>>, %arg7: memref<80x128xi32, #tpu.memory_space<vmem>>, %arg8: memref<128x64xf32, #tpu.memory_space<vmem>>, %arg9: memref<128x64xf32, #tpu.memory_space<vmem>>, %arg10: memref<128x64xf32, #tpu.memory_space<vmem>>, %arg11: memref<128x64xf32, #tpu.memory_space<vmem>>, %arg12: memref<10240x64xf32, #tpu.memory_space<vmem_shared>>, %arg13: memref<!tpu.dma_semaphore, #tpu.memory_space<semaphore_mem>>, %arg14: memref<!tpu.dma_semaphore, #tpu.memory_space<semaphore_mem>>, %arg15: memref<!tpu.dma_semaphore, #tpu.memory_space<semaphore_mem>>, %arg16: memref<!tpu.dma_semaphore, #tpu.memory_space<semaphore_mem>>, %arg17: memref<!tpu.dma_semaphore, #tpu.memory_space<semaphore_mem>>, %arg18: memref<!tpu.dma_semaphore, #tpu.memory_space<semaphore_mem>>, %arg19: memref<!tpu.dma_semaphore, #tpu.memory_space<semaphore_mem>>, %arg20: memref<!tpu.dma_semaphore, #tpu.memory_space<semaphore_mem>>) attributes {dimension_semantics = [#tpu.dimension_semantics<core_parallel>, #tpu.dimension_semantics<subcore_parallel>], iteration_bounds = array<i64: 2, 16>, scalar_prefetch = 0 : i64, scratch_operands = 15 : i64, tpu.core_type = #tpu.core_type<sc_vector_subcore>, window_params = [{transform_indices = #map}, {transform_indices = #map}, {transform_indices = #map}, {transform_indices = #map}]} {
    %mul3A = arith.constant 16 : i32
    %mul3A_0 = arith.muli %arg0, %mul3A : i32
    %add3A = arith.addi %mul3A_0, %arg1 : i32
    %mul3A_1 = arith.constant 80 : i32
    %mul3A_2 = arith.muli %add3A, %mul3A_1 : i32
    "tpu.region"() ({
      %run_scoped3A = tpu.sem_alloc : memref<!tpu.dma_semaphore, #tpu.memory_space<semaphore_mem>>
      %dma_start3A_139 = arith.constant 0 : i32
      %dma_start3A_140 = tpu.memref_slice %arg3[%mul3A_2, %dma_start3A_139] : memref<2560x128xi32, #tpu.memory_space<hbm>> -> memref<80x128xi32, #tpu.memory_space<hbm>>
      %dma_start3A_141 = arith.constant 0 : i32
      %dma_start3A_142 = tpu.memref_slice %arg3[%mul3A_2, %dma_start3A_141] : memref<2560x128xi32, #tpu.memory_space<hbm>> -> memref<80x128xi32, #tpu.memory_space<hbm>>
      tpu.enqueue_dma source(%dma_start3A_142 : memref<80x128xi32, #tpu.memory_space<hbm>>) target(%arg6 : memref<80x128xi32, #tpu.memory_space<vmem>>) target_semaphore(%run_scoped3A : memref<!tpu.dma_semaphore, #tpu.memory_space<semaphore_mem>>)
      %dma_wait3A_143 = arith.constant 0 : i32
      %dma_wait3A_144 = tpu.memref_slice %arg3[%mul3A_2, %dma_wait3A_143] : memref<2560x128xi32, #tpu.memory_space<hbm>> -> memref<80x128xi32, #tpu.memory_space<hbm>>
      %dma_wait3A_145 = arith.constant 0 : i32
      %dma_wait3A_146 = tpu.memref_slice %arg3[%mul3A_2, %dma_wait3A_145] : memref<2560x128xi32, #tpu.memory_space<hbm>> -> memref<80x128xi32, #tpu.memory_space<hbm>>
      tpu.wait_dma2 semaphore(%run_scoped3A : memref<!tpu.dma_semaphore, #tpu.memory_space<semaphore_mem>>) src(%dma_wait3A_146 : memref<80x128xi32, #tpu.memory_space<hbm>>) dst(%arg6 : memref<80x128xi32, #tpu.memory_space<vmem>>)
      tpu.yield
    }) : () -> ()
    "tpu.region"() ({
      %run_scoped3A = tpu.sem_alloc : memref<!tpu.dma_semaphore, #tpu.memory_space<semaphore_mem>>
      %dma_start3A_139 = arith.constant 0 : i32
      %dma_start3A_140 = tpu.memref_slice %arg4[%mul3A_2, %dma_start3A_139] : memref<2560x128xi32, #tpu.memory_space<hbm>> -> memref<80x128xi32, #tpu.memory_space<hbm>>
      %dma_start3A_141 = arith.constant 0 : i32
      %dma_start3A_142 = tpu.memref_slice %arg4[%mul3A_2, %dma_start3A_141] : memref<2560x128xi32, #tpu.memory_space<hbm>> -> memref<80x128xi32, #tpu.memory_space<hbm>>
      tpu.enqueue_dma source(%dma_start3A_142 : memref<80x128xi32, #tpu.memory_space<hbm>>) target(%arg7 : memref<80x128xi32, #tpu.memory_space<vmem>>) target_semaphore(%run_scoped3A : memref<!tpu.dma_semaphore, #tpu.memory_space<semaphore_mem>>)
      %dma_wait3A_143 = arith.constant 0 : i32
      %dma_wait3A_144 = tpu.memref_slice %arg4[%mul3A_2, %dma_wait3A_143] : memref<2560x128xi32, #tpu.memory_space<hbm>> -> memref<80x128xi32, #tpu.memory_space<hbm>>
      %dma_wait3A_145 = arith.constant 0 : i32
      %dma_wait3A_146 = tpu.memref_slice %arg4[%mul3A_2, %dma_wait3A_145] : memref<2560x128xi32, #tpu.memory_space<hbm>> -> memref<80x128xi32, #tpu.memory_space<hbm>>
      tpu.wait_dma2 semaphore(%run_scoped3A : memref<!tpu.dma_semaphore, #tpu.memory_space<semaphore_mem>>) src(%dma_wait3A_146 : memref<80x128xi32, #tpu.memory_space<hbm>>) dst(%arg7 : memref<80x128xi32, #tpu.memory_space<vmem>>)
      tpu.yield
    }) : () -> ()
    %broadcast_in_dim3A = arith.constant 0.000000e+00 : f32
    %broadcast_in_dim3A_3 = vector.broadcast %broadcast_in_dim3A : f32 to vector<16xf32>
    %scan3A = arith.constant 0 : i32
    %scan3A_4 = arith.constant 128 : i32
    %scan3A_5 = arith.addi %scan3A, %scan3A_4 : i32
    %scan3A_6 = arith.constant 1 : i32
    scf.for %scan3A_139 = %scan3A to %scan3A_5 step %scan3A_6  : i32 {
      %mul3A_140 = arith.constant 1 : i32
      %mul3A_141 = arith.muli %scan3A_139, %mul3A_140 : i32
      %add3A_142 = arith.constant 0 : i32
      %add3A_143 = arith.addi %add3A_142, %mul3A_141 : i32
      %swap3A = arith.index_cast %add3A_143 : i32 to index
      %swap3A_144 = arith.constant 0 : index
      %swap3A_145 = tpu.vector_load %arg8[%swap3A, %swap3A_144] {strides = array<i32>} : memref<128x64xf32, #tpu.memory_space<vmem>>, vector<16xf32>,
      tpu.vector_store %arg8[%swap3A, %swap3A_144], %broadcast_in_dim3A_3 {strides = array<i32>} : memref<128x64xf32, #tpu.memory_space<vmem>>, vector<16xf32>,
      %swap3A_146 = arith.index_cast %add3A_143 : i32 to index
      %swap3A_147 = arith.constant 16 : index
      %swap3A_148 = tpu.vector_load %arg8[%swap3A_146, %swap3A_147] {strides = array<i32>} : memref<128x64xf32, #tpu.memory_space<vmem>>, vector<16xf32>,
      tpu.vector_store %arg8[%swap3A_146, %swap3A_147], %broadcast_in_dim3A_3 {strides = array<i32>} : memref<128x64xf32, #tpu.memory_space<vmem>>, vector<16xf32>,
      %swap3A_149 = arith.index_cast %add3A_143 : i32 to index
      %swap3A_150 = arith.constant 32 : index
      %swap3A_151 = tpu.vector_load %arg8[%swap3A_149, %swap3A_150] {strides = array<i32>} : memref<128x64xf32, #tpu.memory_space<vmem>>, vector<16xf32>,
      tpu.vector_store %arg8[%swap3A_149, %swap3A_150], %broadcast_in_dim3A_3 {strides = array<i32>} : memref<128x64xf32, #tpu.memory_space<vmem>>, vector<16xf32>,
      %swap3A_152 = arith.index_cast %add3A_143 : i32 to index
      %swap3A_153 = arith.constant 48 : index
      %swap3A_154 = tpu.vector_load %arg8[%swap3A_152, %swap3A_153] {strides = array<i32>} : memref<128x64xf32, #tpu.memory_space<vmem>>, vector<16xf32>,
      tpu.vector_store %arg8[%swap3A_152, %swap3A_153], %broadcast_in_dim3A_3 {strides = array<i32>} : memref<128x64xf32, #tpu.memory_space<vmem>>, vector<16xf32>,
    }
    %scan3A_7 = arith.constant 128 : i32
    %mul3A_8 = arith.constant 640 : i32
    %mul3A_9 = arith.muli %arg1, %mul3A_8 : i32
    %add3A_10 = arith.constant 0 : i32
    %add3A_11 = arith.addi %mul3A_9, %add3A_10 : i32
    "tpu.region"() ({
      %run_scoped3A = tpu.sem_alloc : memref<!tpu.dma_semaphore, #tpu.memory_space<semaphore_mem>>
      %dma_start3A_139 = arith.constant 0 : i32
      %dma_start3A_140 = tpu.memref_slice %arg12[%add3A_11, %dma_start3A_139] : memref<10240x64xf32, #tpu.memory_space<vmem_shared>> -> memref<128x64xf32, #tpu.memory_space<vmem_shared>>
      %dma_start3A_141 = arith.constant 0 : i32
      %dma_start3A_142 = tpu.memref_slice %arg12[%add3A_11, %dma_start3A_141] : memref<10240x64xf32, #tpu.memory_space<vmem_shared>> -> memref<128x64xf32, #tpu.memory_space<vmem_shared>>
      tpu.enqueue_dma source(%arg8 : memref<128x64xf32, #tpu.memory_space<vmem>>) target(%dma_start3A_142 : memref<128x64xf32, #tpu.memory_space<vmem_shared>>) target_semaphore(%run_scoped3A : memref<!tpu.dma_semaphore, #tpu.memory_space<semaphore_mem>>)
      %dma_wait3A_143 = arith.constant 0 : i32
      %dma_wait3A_144 = tpu.memref_slice %arg12[%add3A_11, %dma_wait3A_143] : memref<10240x64xf32, #tpu.memory_space<vmem_shared>> -> memref<128x64xf32, #tpu.memory_space<vmem_shared>>
      %dma_wait3A_145 = arith.constant 0 : i32
      %dma_wait3A_146 = tpu.memref_slice %arg12[%add3A_11, %dma_wait3A_145] : memref<10240x64xf32, #tpu.memory_space<vmem_shared>> -> memref<128x64xf32, #tpu.memory_space<vmem_shared>>
      tpu.wait_dma2 semaphore(%run_scoped3A : memref<!tpu.dma_semaphore, #tpu.memory_space<semaphore_mem>>) src(%arg8 : memref<128x64xf32, #tpu.memory_space<vmem>>) dst(%dma_wait3A_146 : memref<128x64xf32, #tpu.memory_space<vmem_shared>>)
      tpu.yield
    }) : () -> ()
    %add3A_12 = arith.constant 128 : i32
    %add3A_13 = arith.addi %mul3A_9, %add3A_12 : i32
    "tpu.region"() ({
      %run_scoped3A = tpu.sem_alloc : memref<!tpu.dma_semaphore, #tpu.memory_space<semaphore_mem>>
      %dma_start3A_139 = arith.constant 0 : i32
      %dma_start3A_140 = tpu.memref_slice %arg12[%add3A_13, %dma_start3A_139] : memref<10240x64xf32, #tpu.memory_space<vmem_shared>> -> memref<128x64xf32, #tpu.memory_space<vmem_shared>>
      %dma_start3A_141 = arith.constant 0 : i32
      %dma_start3A_142 = tpu.memref_slice %arg12[%add3A_13, %dma_start3A_141] : memref<10240x64xf32, #tpu.memory_space<vmem_shared>> -> memref<128x64xf32, #tpu.memory_space<vmem_shared>>
      tpu.enqueue_dma source(%arg8 : memref<128x64xf32, #tpu.memory_space<vmem>>) target(%dma_start3A_142 : memref<128x64xf32, #tpu.memory_space<vmem_shared>>) target_semaphore(%run_scoped3A : memref<!tpu.dma_semaphore, #tpu.memory_space<semaphore_mem>>)
      %dma_wait3A_143 = arith.constant 0 : i32
      %dma_wait3A_144 = tpu.memref_slice %arg12[%add3A_13, %dma_wait3A_143] : memref<10240x64xf32, #tpu.memory_space<vmem_shared>> -> memref<128x64xf32, #tpu.memory_space<vmem_shared>>
      %dma_wait3A_145 = arith.constant 0 : i32
      %dma_wait3A_146 = tpu.memref_slice %arg12[%add3A_13, %dma_wait3A_145] : memref<10240x64xf32, #tpu.memory_space<vmem_shared>> -> memref<128x64xf32, #tpu.memory_space<vmem_shared>>
      tpu.wait_dma2 semaphore(%run_scoped3A : memref<!tpu.dma_semaphore, #tpu.memory_space<semaphore_mem>>) src(%arg8 : memref<128x64xf32, #tpu.memory_space<vmem>>) dst(%dma_wait3A_146 : memref<128x64xf32, #tpu.memory_space<vmem_shared>>)
      tpu.yield
    }) : () -> ()
    %add3A_14 = arith.constant 256 : i32
    %add3A_15 = arith.addi %mul3A_9, %add3A_14 : i32
    "tpu.region"() ({
      %run_scoped3A = tpu.sem_alloc : memref<!tpu.dma_semaphore, #tpu.memory_space<semaphore_mem>>
      %dma_start3A_139 = arith.constant 0 : i32
      %dma_start3A_140 = tpu.memref_slice %arg12[%add3A_15, %dma_start3A_139] : memref<10240x64xf32, #tpu.memory_space<vmem_shared>> -> memref<128x64xf32, #tpu.memory_space<vmem_shared>>
      %dma_start3A_141 = arith.constant 0 : i32
      %dma_start3A_142 = tpu.memref_slice %arg12[%add3A_15, %dma_start3A_141] : memref<10240x64xf32, #tpu.memory_space<vmem_shared>> -> memref<128x64xf32, #tpu.memory_space<vmem_shared>>
      tpu.enqueue_dma source(%arg8 : memref<128x64xf32, #tpu.memory_space<vmem>>) target(%dma_start3A_142 : memref<128x64xf32, #tpu.memory_space<vmem_shared>>) target_semaphore(%run_scoped3A : memref<!tpu.dma_semaphore, #tpu.memory_space<semaphore_mem>>)
      %dma_wait3A_143 = arith.constant 0 : i32
      %dma_wait3A_144 = tpu.memref_slice %arg12[%add3A_15, %dma_wait3A_143] : memref<10240x64xf32, #tpu.memory_space<vmem_shared>> -> memref<128x64xf32, #tpu.memory_space<vmem_shared>>
      %dma_wait3A_145 = arith.constant 0 : i32
      %dma_wait3A_146 = tpu.memref_slice %arg12[%add3A_15, %dma_wait3A_145] : memref<10240x64xf32, #tpu.memory_space<vmem_shared>> -> memref<128x64xf32, #tpu.memory_space<vmem_shared>>
      tpu.wait_dma2 semaphore(%run_scoped3A : memref<!tpu.dma_semaphore, #tpu.memory_space<semaphore_mem>>) src(%arg8 : memref<128x64xf32, #tpu.memory_space<vmem>>) dst(%dma_wait3A_146 : memref<128x64xf32, #tpu.memory_space<vmem_shared>>)
      tpu.yield
    }) : () -> ()
    %add3A_16 = arith.constant 384 : i32
    %add3A_17 = arith.addi %mul3A_9, %add3A_16 : i32
    "tpu.region"() ({
      %run_scoped3A = tpu.sem_alloc : memref<!tpu.dma_semaphore, #tpu.memory_space<semaphore_mem>>
      %dma_start3A_139 = arith.constant 0 : i32
      %dma_start3A_140 = tpu.memref_slice %arg12[%add3A_17, %dma_start3A_139] : memref<10240x64xf32, #tpu.memory_space<vmem_shared>> -> memref<128x64xf32, #tpu.memory_space<vmem_shared>>
      %dma_start3A_141 = arith.constant 0 : i32
      %dma_start3A_142 = tpu.memref_slice %arg12[%add3A_17, %dma_start3A_141] : memref<10240x64xf32, #tpu.memory_space<vmem_shared>> -> memref<128x64xf32, #tpu.memory_space<vmem_shared>>
      tpu.enqueue_dma source(%arg8 : memref<128x64xf32, #tpu.memory_space<vmem>>) target(%dma_start3A_142 : memref<128x64xf32, #tpu.memory_space<vmem_shared>>) target_semaphore(%run_scoped3A : memref<!tpu.dma_semaphore, #tpu.memory_space<semaphore_mem>>)
      %dma_wait3A_143 = arith.constant 0 : i32
      %dma_wait3A_144 = tpu.memref_slice %arg12[%add3A_17, %dma_wait3A_143] : memref<10240x64xf32, #tpu.memory_space<vmem_shared>> -> memref<128x64xf32, #tpu.memory_space<vmem_shared>>
      %dma_wait3A_145 = arith.constant 0 : i32
      %dma_wait3A_146 = tpu.memref_slice %arg12[%add3A_17, %dma_wait3A_145] : memref<10240x64xf32, #tpu.memory_space<vmem_shared>> -> memref<128x64xf32, #tpu.memory_space<vmem_shared>>
      tpu.wait_dma2 semaphore(%run_scoped3A : memref<!tpu.dma_semaphore, #tpu.memory_space<semaphore_mem>>) src(%arg8 : memref<128x64xf32, #tpu.memory_space<vmem>>) dst(%dma_wait3A_146 : memref<128x64xf32, #tpu.memory_space<vmem_shared>>)
      tpu.yield
    }) : () -> ()
    %add3A_18 = arith.constant 512 : i32
    %add3A_19 = arith.addi %mul3A_9, %add3A_18 : i32
    "tpu.region"() ({
      %run_scoped3A = tpu.sem_alloc : memref<!tpu.dma_semaphore, #tpu.memory_space<semaphore_mem>>
      %dma_start3A_139 = arith.constant 0 : i32
      %dma_start3A_140 = tpu.memref_slice %arg12[%add3A_19, %dma_start3A_139] : memref<10240x64xf32, #tpu.memory_space<vmem_shared>> -> memref<128x64xf32, #tpu.memory_space<vmem_shared>>
      %dma_start3A_141 = arith.constant 0 : i32
      %dma_start3A_142 = tpu.memref_slice %arg12[%add3A_19, %dma_start3A_141] : memref<10240x64xf32, #tpu.memory_space<vmem_shared>> -> memref<128x64xf32, #tpu.memory_space<vmem_shared>>
      tpu.enqueue_dma source(%arg8 : memref<128x64xf32, #tpu.memory_space<vmem>>) target(%dma_start3A_142 : memref<128x64xf32, #tpu.memory_space<vmem_shared>>) target_semaphore(%run_scoped3A : memref<!tpu.dma_semaphore, #tpu.memory_space<semaphore_mem>>)
      %dma_wait3A_143 = arith.constant 0 : i32
      %dma_wait3A_144 = tpu.memref_slice %arg12[%add3A_19, %dma_wait3A_143] : memref<10240x64xf32, #tpu.memory_space<vmem_shared>> -> memref<128x64xf32, #tpu.memory_space<vmem_shared>>
      %dma_wait3A_145 = arith.constant 0 : i32
      %dma_wait3A_146 = tpu.memref_slice %arg12[%add3A_19, %dma_wait3A_145] : memref<10240x64xf32, #tpu.memory_space<vmem_shared>> -> memref<128x64xf32, #tpu.memory_space<vmem_shared>>
      tpu.wait_dma2 semaphore(%run_scoped3A : memref<!tpu.dma_semaphore, #tpu.memory_space<semaphore_mem>>) src(%arg8 : memref<128x64xf32, #tpu.memory_space<vmem>>) dst(%dma_wait3A_146 : memref<128x64xf32, #tpu.memory_space<vmem_shared>>)
      tpu.yield
    }) : () -> ()
    %barrier3A = arith.constant 0 : index
    tpu.barrier barrier_id(%barrier3A)
    %dma_start3A = arith.constant 0 : i32
    %dma_start3A_20 = arith.constant 0 : i32
    %dma_start3A_21 = tpu.memref_slice %arg6[%dma_start3A, %dma_start3A_20] : memref<80x128xi32, #tpu.memory_space<vmem>> -> memref<1x128xi32, #tpu.memory_space<vmem>>
    %dma_start3A_22 = tpu.memref_squeeze %dma_start3A_21 : memref<1x128xi32, #tpu.memory_space<vmem>> -> memref<128xi32, #tpu.memory_space<vmem>>
    %dma_start3A_23 = arith.constant 0 : i32
    %dma_start3A_24 = arith.constant 0 : i32
    %dma_start3A_25 = tpu.memref_slice %arg2[%dma_start3A_23, %dma_start3A_24] : memref<10000x64xf32, #tpu.memory_space<hbm>> -> memref<10000x64xf32, #tpu.memory_space<hbm>>
    tpu.enqueue_indirect_dma source(%dma_start3A_25 : memref<10000x64xf32, #tpu.memory_space<hbm>>) target(%arg8 : memref<128x64xf32, #tpu.memory_space<vmem>>) offsets(%dma_start3A_22 : memref<128xi32, #tpu.memory_space<vmem>>) semaphore(%arg13 : memref<!tpu.dma_semaphore, #tpu.memory_space<semaphore_mem>>)
    %dma_start3A_26 = arith.constant 1 : i32
    %dma_start3A_27 = arith.constant 0 : i32
    %dma_start3A_28 = tpu.memref_slice %arg6[%dma_start3A_26, %dma_start3A_27] : memref<80x128xi32, #tpu.memory_space<vmem>> -> memref<1x128xi32, #tpu.memory_space<vmem>>
    %dma_start3A_29 = tpu.memref_squeeze %dma_start3A_28 : memref<1x128xi32, #tpu.memory_space<vmem>> -> memref<128xi32, #tpu.memory_space<vmem>>
    %dma_start3A_30 = arith.constant 0 : i32
    %dma_start3A_31 = arith.constant 0 : i32
    %dma_start3A_32 = tpu.memref_slice %arg2[%dma_start3A_30, %dma_start3A_31] : memref<10000x64xf32, #tpu.memory_space<hbm>> -> memref<10000x64xf32, #tpu.memory_space<hbm>>
    tpu.enqueue_indirect_dma source(%dma_start3A_32 : memref<10000x64xf32, #tpu.memory_space<hbm>>) target(%arg9 : memref<128x64xf32, #tpu.memory_space<vmem>>) offsets(%dma_start3A_29 : memref<128xi32, #tpu.memory_space<vmem>>) semaphore(%arg14 : memref<!tpu.dma_semaphore, #tpu.memory_space<semaphore_mem>>)
    %dma_wait3A = arith.constant 0 : i32
    %dma_wait3A_33 = arith.constant 0 : i32
    %dma_wait3A_34 = tpu.memref_slice %arg6[%dma_wait3A, %dma_wait3A_33] : memref<80x128xi32, #tpu.memory_space<vmem>> -> memref<1x128xi32, #tpu.memory_space<vmem>>
    %dma_wait3A_35 = tpu.memref_squeeze %dma_wait3A_34 : memref<1x128xi32, #tpu.memory_space<vmem>> -> memref<128xi32, #tpu.memory_space<vmem>>
    %dma_wait3A_36 = arith.constant 0 : i32
    %dma_wait3A_37 = arith.constant 0 : i32
    %dma_wait3A_38 = tpu.memref_slice %arg2[%dma_wait3A_36, %dma_wait3A_37] : memref<10000x64xf32, #tpu.memory_space<hbm>> -> memref<10000x64xf32, #tpu.memory_space<hbm>>
    tpu.wait_indirect_dma semaphore(%arg13 : memref<!tpu.dma_semaphore, #tpu.memory_space<semaphore_mem>>) src(%dma_wait3A_38 : memref<10000x64xf32, #tpu.memory_space<hbm>>) dst(%arg8 : memref<128x64xf32, #tpu.memory_space<vmem>>)
    %dma_start3A_39 = arith.constant 0 : i32
    %dma_start3A_40 = arith.constant 0 : i32
    %dma_start3A_41 = tpu.memref_slice %arg7[%dma_start3A_39, %dma_start3A_40] : memref<80x128xi32, #tpu.memory_space<vmem>> -> memref<1x128xi32, #tpu.memory_space<vmem>>
    %dma_start3A_42 = tpu.memref_squeeze %dma_start3A_41 : memref<1x128xi32, #tpu.memory_space<vmem>> -> memref<128xi32, #tpu.memory_space<vmem>>
    %dma_start3A_43 = arith.constant 0 : i32
    %dma_start3A_44 = arith.constant 0 : i32
    %dma_start3A_45 = tpu.memref_slice %arg12[%dma_start3A_43, %dma_start3A_44] : memref<10240x64xf32, #tpu.memory_space<vmem_shared>> -> memref<10240x64xf32, #tpu.memory_space<vmem_shared>>
    tpu.enqueue_indirect_dma source(%arg8 : memref<128x64xf32, #tpu.memory_space<vmem>>) target(%dma_start3A_45 : memref<10240x64xf32, #tpu.memory_space<vmem_shared>>) offsets(%dma_start3A_42 : memref<128xi32, #tpu.memory_space<vmem>>) semaphore(%arg17 : memref<!tpu.dma_semaphore, #tpu.memory_space<semaphore_mem>>) {add = true}
    %dma_start3A_46 = arith.constant 2 : i32
    %dma_start3A_47 = arith.constant 0 : i32
    %dma_start3A_48 = tpu.memref_slice %arg6[%dma_start3A_46, %dma_start3A_47] : memref<80x128xi32, #tpu.memory_space<vmem>> -> memref<1x128xi32, #tpu.memory_space<vmem>>
    %dma_start3A_49 = tpu.memref_squeeze %dma_start3A_48 : memref<1x128xi32, #tpu.memory_space<vmem>> -> memref<128xi32, #tpu.memory_space<vmem>>
    %dma_start3A_50 = arith.constant 0 : i32
    %dma_start3A_51 = arith.constant 0 : i32
    %dma_start3A_52 = tpu.memref_slice %arg2[%dma_start3A_50, %dma_start3A_51] : memref<10000x64xf32, #tpu.memory_space<hbm>> -> memref<10000x64xf32, #tpu.memory_space<hbm>>
    tpu.enqueue_indirect_dma source(%dma_start3A_52 : memref<10000x64xf32, #tpu.memory_space<hbm>>) target(%arg10 : memref<128x64xf32, #tpu.memory_space<vmem>>) offsets(%dma_start3A_49 : memref<128xi32, #tpu.memory_space<vmem>>) semaphore(%arg15 : memref<!tpu.dma_semaphore, #tpu.memory_space<semaphore_mem>>)
    %dma_wait3A_53 = arith.constant 1 : i32
    %dma_wait3A_54 = arith.constant 0 : i32
    %dma_wait3A_55 = tpu.memref_slice %arg6[%dma_wait3A_53, %dma_wait3A_54] : memref<80x128xi32, #tpu.memory_space<vmem>> -> memref<1x128xi32, #tpu.memory_space<vmem>>
    %dma_wait3A_56 = tpu.memref_squeeze %dma_wait3A_55 : memref<1x128xi32, #tpu.memory_space<vmem>> -> memref<128xi32, #tpu.memory_space<vmem>>
    %dma_wait3A_57 = arith.constant 0 : i32
    %dma_wait3A_58 = arith.constant 0 : i32
    %dma_wait3A_59 = tpu.memref_slice %arg2[%dma_wait3A_57, %dma_wait3A_58] : memref<10000x64xf32, #tpu.memory_space<hbm>> -> memref<10000x64xf32, #tpu.memory_space<hbm>>
    tpu.wait_indirect_dma semaphore(%arg14 : memref<!tpu.dma_semaphore, #tpu.memory_space<semaphore_mem>>) src(%dma_wait3A_59 : memref<10000x64xf32, #tpu.memory_space<hbm>>) dst(%arg9 : memref<128x64xf32, #tpu.memory_space<vmem>>)
    %dma_start3A_60 = arith.constant 1 : i32
    %dma_start3A_61 = arith.constant 0 : i32
    %dma_start3A_62 = tpu.memref_slice %arg7[%dma_start3A_60, %dma_start3A_61] : memref<80x128xi32, #tpu.memory_space<vmem>> -> memref<1x128xi32, #tpu.memory_space<vmem>>
    %dma_start3A_63 = tpu.memref_squeeze %dma_start3A_62 : memref<1x128xi32, #tpu.memory_space<vmem>> -> memref<128xi32, #tpu.memory_space<vmem>>
    %dma_start3A_64 = arith.constant 0 : i32
    %dma_start3A_65 = arith.constant 0 : i32
    %dma_start3A_66 = tpu.memref_slice %arg12[%dma_start3A_64, %dma_start3A_65] : memref<10240x64xf32, #tpu.memory_space<vmem_shared>> -> memref<10240x64xf32, #tpu.memory_space<vmem_shared>>
    tpu.enqueue_indirect_dma source(%arg9 : memref<128x64xf32, #tpu.memory_space<vmem>>) target(%dma_start3A_66 : memref<10240x64xf32, #tpu.memory_space<vmem_shared>>) offsets(%dma_start3A_63 : memref<128xi32, #tpu.memory_space<vmem>>) semaphore(%arg18 : memref<!tpu.dma_semaphore, #tpu.memory_space<semaphore_mem>>) {add = true}
    %dma_start3A_67 = arith.constant 3 : i32
    %dma_start3A_68 = arith.constant 0 : i32
    %dma_start3A_69 = tpu.memref_slice %arg6[%dma_start3A_67, %dma_start3A_68] : memref<80x128xi32, #tpu.memory_space<vmem>> -> memref<1x128xi32, #tpu.memory_space<vmem>>
    %dma_start3A_70 = tpu.memref_squeeze %dma_start3A_69 : memref<1x128xi32, #tpu.memory_space<vmem>> -> memref<128xi32, #tpu.memory_space<vmem>>
    %dma_start3A_71 = arith.constant 0 : i32
    %dma_start3A_72 = arith.constant 0 : i32
    %dma_start3A_73 = tpu.memref_slice %arg2[%dma_start3A_71, %dma_start3A_72] : memref<10000x64xf32, #tpu.memory_space<hbm>> -> memref<10000x64xf32, #tpu.memory_space<hbm>>
    tpu.enqueue_indirect_dma source(%dma_start3A_73 : memref<10000x64xf32, #tpu.memory_space<hbm>>) target(%arg11 : memref<128x64xf32, #tpu.memory_space<vmem>>) offsets(%dma_start3A_70 : memref<128xi32, #tpu.memory_space<vmem>>) semaphore(%arg16 : memref<!tpu.dma_semaphore, #tpu.memory_space<semaphore_mem>>)
    %scan3A_74 = arith.constant 0 : i32
    %scan3A_75 = arith.constant 19 : i32
    %scan3A_76 = arith.addi %scan3A_74, %scan3A_75 : i32
    %scan3A_77 = arith.constant 1 : i32
    scf.for %scan3A_139 = %scan3A_74 to %scan3A_76 step %scan3A_77  : i32 {
      %mul3A_140 = arith.constant 1 : i32
      %mul3A_141 = arith.muli %scan3A_139, %mul3A_140 : i32
      %add3A_142 = arith.constant 0 : i32
      %add3A_143 = arith.addi %add3A_142, %mul3A_141 : i32
      %mul3A_144 = arith.constant 4 : i32
      %mul3A_145 = arith.muli %mul3A_144, %add3A_143 : i32
      %add3A_146 = arith.constant 2 : i32
      %add3A_147 = arith.addi %add3A_146, %mul3A_145 : i32
      %add3A_148 = arith.constant 0 : i32
      %add3A_149 = arith.addi %add3A_147, %add3A_148 : i32
      %dma_wait3A_150 = arith.constant 0 : i32
      %dma_wait3A_151 = tpu.memref_slice %arg6[%add3A_149, %dma_wait3A_150] : memref<80x128xi32, #tpu.memory_space<vmem>> -> memref<1x128xi32, #tpu.memory_space<vmem>>
      %dma_wait3A_152 = tpu.memref_squeeze %dma_wait3A_151 : memref<1x128xi32, #tpu.memory_space<vmem>> -> memref<128xi32, #tpu.memory_space<vmem>>
      %dma_wait3A_153 = arith.constant 0 : i32
      %dma_wait3A_154 = arith.constant 0 : i32
      %dma_wait3A_155 = tpu.memref_slice %arg2[%dma_wait3A_153, %dma_wait3A_154] : memref<10000x64xf32, #tpu.memory_space<hbm>> -> memref<10000x64xf32, #tpu.memory_space<hbm>>
      tpu.wait_indirect_dma semaphore(%arg15 : memref<!tpu.dma_semaphore, #tpu.memory_space<semaphore_mem>>) src(%dma_wait3A_155 : memref<10000x64xf32, #tpu.memory_space<hbm>>) dst(%arg10 : memref<128x64xf32, #tpu.memory_space<vmem>>)
      %dma_start3A_156 = arith.constant 0 : i32
      %dma_start3A_157 = tpu.memref_slice %arg7[%add3A_149, %dma_start3A_156] : memref<80x128xi32, #tpu.memory_space<vmem>> -> memref<1x128xi32, #tpu.memory_space<vmem>>
      %dma_start3A_158 = tpu.memref_squeeze %dma_start3A_157 : memref<1x128xi32, #tpu.memory_space<vmem>> -> memref<128xi32, #tpu.memory_space<vmem>>
      %dma_start3A_159 = arith.constant 0 : i32
      %dma_start3A_160 = arith.constant 0 : i32
      %dma_start3A_161 = tpu.memref_slice %arg12[%dma_start3A_159, %dma_start3A_160] : memref<10240x64xf32, #tpu.memory_space<vmem_shared>> -> memref<10240x64xf32, #tpu.memory_space<vmem_shared>>
      tpu.enqueue_indirect_dma source(%arg10 : memref<128x64xf32, #tpu.memory_space<vmem>>) target(%dma_start3A_161 : memref<10240x64xf32, #tpu.memory_space<vmem_shared>>) offsets(%dma_start3A_158 : memref<128xi32, #tpu.memory_space<vmem>>) semaphore(%arg19 : memref<!tpu.dma_semaphore, #tpu.memory_space<semaphore_mem>>) {add = true}
      %sub3A = arith.constant 2 : i32
      %sub3A_162 = arith.subi %add3A_149, %sub3A : i32
      %dma_wait3A_163 = arith.constant 0 : i32
      %dma_wait3A_164 = tpu.memref_slice %arg7[%sub3A_162, %dma_wait3A_163] : memref<80x128xi32, #tpu.memory_space<vmem>> -> memref<1x128xi32, #tpu.memory_space<vmem>>
      %dma_wait3A_165 = tpu.memref_squeeze %dma_wait3A_164 : memref<1x128xi32, #tpu.memory_space<vmem>> -> memref<128xi32, #tpu.memory_space<vmem>>
      %dma_wait3A_166 = arith.constant 0 : i32
      %dma_wait3A_167 = arith.constant 0 : i32
      %dma_wait3A_168 = tpu.memref_slice %arg12[%dma_wait3A_166, %dma_wait3A_167] : memref<10240x64xf32, #tpu.memory_space<vmem_shared>> -> memref<10240x64xf32, #tpu.memory_space<vmem_shared>>
      tpu.wait_indirect_dma semaphore(%arg17 : memref<!tpu.dma_semaphore, #tpu.memory_space<semaphore_mem>>) src(%arg8 : memref<128x64xf32, #tpu.memory_space<vmem>>) dst(%dma_wait3A_168 : memref<10240x64xf32, #tpu.memory_space<vmem_shared>>)
      %add3A_169 = arith.constant 2 : i32
      %add3A_170 = arith.addi %add3A_149, %add3A_169 : i32
      %dma_start3A_171 = arith.constant 0 : i32
      %dma_start3A_172 = tpu.memref_slice %arg6[%add3A_170, %dma_start3A_171] : memref<80x128xi32, #tpu.memory_space<vmem>> -> memref<1x128xi32, #tpu.memory_space<vmem>>
      %dma_start3A_173 = tpu.memref_squeeze %dma_start3A_172 : memref<1x128xi32, #tpu.memory_space<vmem>> -> memref<128xi32, #tpu.memory_space<vmem>>
      %dma_start3A_174 = arith.constant 0 : i32
      %dma_start3A_175 = arith.constant 0 : i32
      %dma_start3A_176 = tpu.memref_slice %arg2[%dma_start3A_174, %dma_start3A_175] : memref<10000x64xf32, #tpu.memory_space<hbm>> -> memref<10000x64xf32, #tpu.memory_space<hbm>>
      tpu.enqueue_indirect_dma source(%dma_start3A_176 : memref<10000x64xf32, #tpu.memory_space<hbm>>) target(%arg8 : memref<128x64xf32, #tpu.memory_space<vmem>>) offsets(%dma_start3A_173 : memref<128xi32, #tpu.memory_space<vmem>>) semaphore(%arg13 : memref<!tpu.dma_semaphore, #tpu.memory_space<semaphore_mem>>)
      %add3A_177 = arith.constant 1 : i32
      %add3A_178 = arith.addi %add3A_147, %add3A_177 : i32
      %dma_wait3A_179 = arith.constant 0 : i32
      %dma_wait3A_180 = tpu.memref_slice %arg6[%add3A_178, %dma_wait3A_179] : memref<80x128xi32, #tpu.memory_space<vmem>> -> memref<1x128xi32, #tpu.memory_space<vmem>>
      %dma_wait3A_181 = tpu.memref_squeeze %dma_wait3A_180 : memref<1x128xi32, #tpu.memory_space<vmem>> -> memref<128xi32, #tpu.memory_space<vmem>>
      %dma_wait3A_182 = arith.constant 0 : i32
      %dma_wait3A_183 = arith.constant 0 : i32
      %dma_wait3A_184 = tpu.memref_slice %arg2[%dma_wait3A_182, %dma_wait3A_183] : memref<10000x64xf32, #tpu.memory_space<hbm>> -> memref<10000x64xf32, #tpu.memory_space<hbm>>
      tpu.wait_indirect_dma semaphore(%arg16 : memref<!tpu.dma_semaphore, #tpu.memory_space<semaphore_mem>>) src(%dma_wait3A_184 : memref<10000x64xf32, #tpu.memory_space<hbm>>) dst(%arg11 : memref<128x64xf32, #tpu.memory_space<vmem>>)
      %dma_start3A_185 = arith.constant 0 : i32
      %dma_start3A_186 = tpu.memref_slice %arg7[%add3A_178, %dma_start3A_185] : memref<80x128xi32, #tpu.memory_space<vmem>> -> memref<1x128xi32, #tpu.memory_space<vmem>>
      %dma_start3A_187 = tpu.memref_squeeze %dma_start3A_186 : memref<1x128xi32, #tpu.memory_space<vmem>> -> memref<128xi32, #tpu.memory_space<vmem>>
      %dma_start3A_188 = arith.constant 0 : i32
      %dma_start3A_189 = arith.constant 0 : i32
      %dma_start3A_190 = tpu.memref_slice %arg12[%dma_start3A_188, %dma_start3A_189] : memref<10240x64xf32, #tpu.memory_space<vmem_shared>> -> memref<10240x64xf32, #tpu.memory_space<vmem_shared>>
      tpu.enqueue_indirect_dma source(%arg11 : memref<128x64xf32, #tpu.memory_space<vmem>>) target(%dma_start3A_190 : memref<10240x64xf32, #tpu.memory_space<vmem_shared>>) offsets(%dma_start3A_187 : memref<128xi32, #tpu.memory_space<vmem>>) semaphore(%arg20 : memref<!tpu.dma_semaphore, #tpu.memory_space<semaphore_mem>>) {add = true}
      %sub3A_191 = arith.constant 2 : i32
      %sub3A_192 = arith.subi %add3A_178, %sub3A_191 : i32
      %dma_wait3A_193 = arith.constant 0 : i32
      %dma_wait3A_194 = tpu.memref_slice %arg7[%sub3A_192, %dma_wait3A_193] : memref<80x128xi32, #tpu.memory_space<vmem>> -> memref<1x128xi32, #tpu.memory_space<vmem>>
      %dma_wait3A_195 = tpu.memref_squeeze %dma_wait3A_194 : memref<1x128xi32, #tpu.memory_space<vmem>> -> memref<128xi32, #tpu.memory_space<vmem>>
      %dma_wait3A_196 = arith.constant 0 : i32
      %dma_wait3A_197 = arith.constant 0 : i32
      %dma_wait3A_198 = tpu.memref_slice %arg12[%dma_wait3A_196, %dma_wait3A_197] : memref<10240x64xf32, #tpu.memory_space<vmem_shared>> -> memref<10240x64xf32, #tpu.memory_space<vmem_shared>>
      tpu.wait_indirect_dma semaphore(%arg18 : memref<!tpu.dma_semaphore, #tpu.memory_space<semaphore_mem>>) src(%arg9 : memref<128x64xf32, #tpu.memory_space<vmem>>) dst(%dma_wait3A_198 : memref<10240x64xf32, #tpu.memory_space<vmem_shared>>)
      %add3A_199 = arith.constant 2 : i32
      %add3A_200 = arith.addi %add3A_178, %add3A_199 : i32
      %dma_start3A_201 = arith.constant 0 : i32
      %dma_start3A_202 = tpu.memref_slice %arg6[%add3A_200, %dma_start3A_201] : memref<80x128xi32, #tpu.memory_space<vmem>> -> memref<1x128xi32, #tpu.memory_space<vmem>>
      %dma_start3A_203 = tpu.memref_squeeze %dma_start3A_202 : memref<1x128xi32, #tpu.memory_space<vmem>> -> memref<128xi32, #tpu.memory_space<vmem>>
      %dma_start3A_204 = arith.constant 0 : i32
      %dma_start3A_205 = arith.constant 0 : i32
      %dma_start3A_206 = tpu.memref_slice %arg2[%dma_start3A_204, %dma_start3A_205] : memref<10000x64xf32, #tpu.memory_space<hbm>> -> memref<10000x64xf32, #tpu.memory_space<hbm>>
      tpu.enqueue_indirect_dma source(%dma_start3A_206 : memref<10000x64xf32, #tpu.memory_space<hbm>>) target(%arg9 : memref<128x64xf32, #tpu.memory_space<vmem>>) offsets(%dma_start3A_203 : memref<128xi32, #tpu.memory_space<vmem>>) semaphore(%arg14 : memref<!tpu.dma_semaphore, #tpu.memory_space<semaphore_mem>>)
      %add3A_207 = arith.constant 2 : i32
      %add3A_208 = arith.addi %add3A_147, %add3A_207 : i32
      %dma_wait3A_209 = arith.constant 0 : i32
      %dma_wait3A_210 = tpu.memref_slice %arg6[%add3A_208, %dma_wait3A_209] : memref<80x128xi32, #tpu.memory_space<vmem>> -> memref<1x128xi32, #tpu.memory_space<vmem>>
      %dma_wait3A_211 = tpu.memref_squeeze %dma_wait3A_210 : memref<1x128xi32, #tpu.memory_space<vmem>> -> memref<128xi32, #tpu.memory_space<vmem>>
      %dma_wait3A_212 = arith.constant 0 : i32
      %dma_wait3A_213 = arith.constant 0 : i32
      %dma_wait3A_214 = tpu.memref_slice %arg2[%dma_wait3A_212, %dma_wait3A_213] : memref<10000x64xf32, #tpu.memory_space<hbm>> -> memref<10000x64xf32, #tpu.memory_space<hbm>>
      tpu.wait_indirect_dma semaphore(%arg13 : memref<!tpu.dma_semaphore, #tpu.memory_space<semaphore_mem>>) src(%dma_wait3A_214 : memref<10000x64xf32, #tpu.memory_space<hbm>>) dst(%arg8 : memref<128x64xf32, #tpu.memory_space<vmem>>)
      %dma_start3A_215 = arith.constant 0 : i32
      %dma_start3A_216 = tpu.memref_slice %arg7[%add3A_208, %dma_start3A_215] : memref<80x128xi32, #tpu.memory_space<vmem>> -> memref<1x128xi32, #tpu.memory_space<vmem>>
      %dma_start3A_217 = tpu.memref_squeeze %dma_start3A_216 : memref<1x128xi32, #tpu.memory_space<vmem>> -> memref<128xi32, #tpu.memory_space<vmem>>
      %dma_start3A_218 = arith.constant 0 : i32
      %dma_start3A_219 = arith.constant 0 : i32
      %dma_start3A_220 = tpu.memref_slice %arg12[%dma_start3A_218, %dma_start3A_219] : memref<10240x64xf32, #tpu.memory_space<vmem_shared>> -> memref<10240x64xf32, #tpu.memory_space<vmem_shared>>
      tpu.enqueue_indirect_dma source(%arg8 : memref<128x64xf32, #tpu.memory_space<vmem>>) target(%dma_start3A_220 : memref<10240x64xf32, #tpu.memory_space<vmem_shared>>) offsets(%dma_start3A_217 : memref<128xi32, #tpu.memory_space<vmem>>) semaphore(%arg17 : memref<!tpu.dma_semaphore, #tpu.memory_space<semaphore_mem>>) {add = true}
      %sub3A_221 = arith.constant 2 : i32
      %sub3A_222 = arith.subi %add3A_208, %sub3A_221 : i32
      %dma_wait3A_223 = arith.constant 0 : i32
      %dma_wait3A_224 = tpu.memref_slice %arg7[%sub3A_222, %dma_wait3A_223] : memref<80x128xi32, #tpu.memory_space<vmem>> -> memref<1x128xi32, #tpu.memory_space<vmem>>
      %dma_wait3A_225 = tpu.memref_squeeze %dma_wait3A_224 : memref<1x128xi32, #tpu.memory_space<vmem>> -> memref<128xi32, #tpu.memory_space<vmem>>
      %dma_wait3A_226 = arith.constant 0 : i32
      %dma_wait3A_227 = arith.constant 0 : i32
      %dma_wait3A_228 = tpu.memref_slice %arg12[%dma_wait3A_226, %dma_wait3A_227] : memref<10240x64xf32, #tpu.memory_space<vmem_shared>> -> memref<10240x64xf32, #tpu.memory_space<vmem_shared>>
      tpu.wait_indirect_dma semaphore(%arg19 : memref<!tpu.dma_semaphore, #tpu.memory_space<semaphore_mem>>) src(%arg10 : memref<128x64xf32, #tpu.memory_space<vmem>>) dst(%dma_wait3A_228 : memref<10240x64xf32, #tpu.memory_space<vmem_shared>>)
      %add3A_229 = arith.constant 2 : i32
      %add3A_230 = arith.addi %add3A_208, %add3A_229 : i32
      %dma_start3A_231 = arith.constant 0 : i32
      %dma_start3A_232 = tpu.memref_slice %arg6[%add3A_230, %dma_start3A_231] : memref<80x128xi32, #tpu.memory_space<vmem>> -> memref<1x128xi32, #tpu.memory_space<vmem>>
      %dma_start3A_233 = tpu.memref_squeeze %dma_start3A_232 : memref<1x128xi32, #tpu.memory_space<vmem>> -> memref<128xi32, #tpu.memory_space<vmem>>
      %dma_start3A_234 = arith.constant 0 : i32
      %dma_start3A_235 = arith.constant 0 : i32
      %dma_start3A_236 = tpu.memref_slice %arg2[%dma_start3A_234, %dma_start3A_235] : memref<10000x64xf32, #tpu.memory_space<hbm>> -> memref<10000x64xf32, #tpu.memory_space<hbm>>
      tpu.enqueue_indirect_dma source(%dma_start3A_236 : memref<10000x64xf32, #tpu.memory_space<hbm>>) target(%arg10 : memref<128x64xf32, #tpu.memory_space<vmem>>) offsets(%dma_start3A_233 : memref<128xi32, #tpu.memory_space<vmem>>) semaphore(%arg15 : memref<!tpu.dma_semaphore, #tpu.memory_space<semaphore_mem>>)
      %add3A_237 = arith.constant 3 : i32
      %add3A_238 = arith.addi %add3A_147, %add3A_237 : i32
      %dma_wait3A_239 = arith.constant 0 : i32
      %dma_wait3A_240 = tpu.memref_slice %arg6[%add3A_238, %dma_wait3A_239] : memref<80x128xi32, #tpu.memory_space<vmem>> -> memref<1x128xi32, #tpu.memory_space<vmem>>
      %dma_wait3A_241 = tpu.memref_squeeze %dma_wait3A_240 : memref<1x128xi32, #tpu.memory_space<vmem>> -> memref<128xi32, #tpu.memory_space<vmem>>
      %dma_wait3A_242 = arith.constant 0 : i32
      %dma_wait3A_243 = arith.constant 0 : i32
      %dma_wait3A_244 = tpu.memref_slice %arg2[%dma_wait3A_242, %dma_wait3A_243] : memref<10000x64xf32, #tpu.memory_space<hbm>> -> memref<10000x64xf32, #tpu.memory_space<hbm>>
      tpu.wait_indirect_dma semaphore(%arg14 : memref<!tpu.dma_semaphore, #tpu.memory_space<semaphore_mem>>) src(%dma_wait3A_244 : memref<10000x64xf32, #tpu.memory_space<hbm>>) dst(%arg9 : memref<128x64xf32, #tpu.memory_space<vmem>>)
      %dma_start3A_245 = arith.constant 0 : i32
      %dma_start3A_246 = tpu.memref_slice %arg7[%add3A_238, %dma_start3A_245] : memref<80x128xi32, #tpu.memory_space<vmem>> -> memref<1x128xi32, #tpu.memory_space<vmem>>
      %dma_start3A_247 = tpu.memref_squeeze %dma_start3A_246 : memref<1x128xi32, #tpu.memory_space<vmem>> -> memref<128xi32, #tpu.memory_space<vmem>>
      %dma_start3A_248 = arith.constant 0 : i32
      %dma_start3A_249 = arith.constant 0 : i32
      %dma_start3A_250 = tpu.memref_slice %arg12[%dma_start3A_248, %dma_start3A_249] : memref<10240x64xf32, #tpu.memory_space<vmem_shared>> -> memref<10240x64xf32, #tpu.memory_space<vmem_shared>>
      tpu.enqueue_indirect_dma source(%arg9 : memref<128x64xf32, #tpu.memory_space<vmem>>) target(%dma_start3A_250 : memref<10240x64xf32, #tpu.memory_space<vmem_shared>>) offsets(%dma_start3A_247 : memref<128xi32, #tpu.memory_space<vmem>>) semaphore(%arg18 : memref<!tpu.dma_semaphore, #tpu.memory_space<semaphore_mem>>) {add = true}
      %sub3A_251 = arith.constant 2 : i32
      %sub3A_252 = arith.subi %add3A_238, %sub3A_251 : i32
      %dma_wait3A_253 = arith.constant 0 : i32
      %dma_wait3A_254 = tpu.memref_slice %arg7[%sub3A_252, %dma_wait3A_253] : memref<80x128xi32, #tpu.memory_space<vmem>> -> memref<1x128xi32, #tpu.memory_space<vmem>>
      %dma_wait3A_255 = tpu.memref_squeeze %dma_wait3A_254 : memref<1x128xi32, #tpu.memory_space<vmem>> -> memref<128xi32, #tpu.memory_space<vmem>>
      %dma_wait3A_256 = arith.constant 0 : i32
      %dma_wait3A_257 = arith.constant 0 : i32
      %dma_wait3A_258 = tpu.memref_slice %arg12[%dma_wait3A_256, %dma_wait3A_257] : memref<10240x64xf32, #tpu.memory_space<vmem_shared>> -> memref<10240x64xf32, #tpu.memory_space<vmem_shared>>
      tpu.wait_indirect_dma semaphore(%arg20 : memref<!tpu.dma_semaphore, #tpu.memory_space<semaphore_mem>>) src(%arg11 : memref<128x64xf32, #tpu.memory_space<vmem>>) dst(%dma_wait3A_258 : memref<10240x64xf32, #tpu.memory_space<vmem_shared>>)
      %add3A_259 = arith.constant 2 : i32
      %add3A_260 = arith.addi %add3A_238, %add3A_259 : i32
      %dma_start3A_261 = arith.constant 0 : i32
      %dma_start3A_262 = tpu.memref_slice %arg6[%add3A_260, %dma_start3A_261] : memref<80x128xi32, #tpu.memory_space<vmem>> -> memref<1x128xi32, #tpu.memory_space<vmem>>
      %dma_start3A_263 = tpu.memref_squeeze %dma_start3A_262 : memref<1x128xi32, #tpu.memory_space<vmem>> -> memref<128xi32, #tpu.memory_space<vmem>>
      %dma_start3A_264 = arith.constant 0 : i32
      %dma_start3A_265 = arith.constant 0 : i32
      %dma_start3A_266 = tpu.memref_slice %arg2[%dma_start3A_264, %dma_start3A_265] : memref<10000x64xf32, #tpu.memory_space<hbm>> -> memref<10000x64xf32, #tpu.memory_space<hbm>>
      tpu.enqueue_indirect_dma source(%dma_start3A_266 : memref<10000x64xf32, #tpu.memory_space<hbm>>) target(%arg11 : memref<128x64xf32, #tpu.memory_space<vmem>>) offsets(%dma_start3A_263 : memref<128xi32, #tpu.memory_space<vmem>>) semaphore(%arg16 : memref<!tpu.dma_semaphore, #tpu.memory_space<semaphore_mem>>)
    }
    %scan3A_78 = arith.constant 19 : i32
    %dma_wait3A_79 = arith.constant 78 : i32
    %dma_wait3A_80 = arith.constant 0 : i32
    %dma_wait3A_81 = tpu.memref_slice %arg6[%dma_wait3A_79, %dma_wait3A_80] : memref<80x128xi32, #tpu.memory_space<vmem>> -> memref<1x128xi32, #tpu.memory_space<vmem>>
    %dma_wait3A_82 = tpu.memref_squeeze %dma_wait3A_81 : memref<1x128xi32, #tpu.memory_space<vmem>> -> memref<128xi32, #tpu.memory_space<vmem>>
    %dma_wait3A_83 = arith.constant 0 : i32
    %dma_wait3A_84 = arith.constant 0 : i32
    %dma_wait3A_85 = tpu.memref_slice %arg2[%dma_wait3A_83, %dma_wait3A_84] : memref<10000x64xf32, #tpu.memory_space<hbm>> -> memref<10000x64xf32, #tpu.memory_space<hbm>>
    tpu.wait_indirect_dma semaphore(%arg15 : memref<!tpu.dma_semaphore, #tpu.memory_space<semaphore_mem>>) src(%dma_wait3A_85 : memref<10000x64xf32, #tpu.memory_space<hbm>>) dst(%arg10 : memref<128x64xf32, #tpu.memory_space<vmem>>)
    %dma_start3A_86 = arith.constant 78 : i32
    %dma_start3A_87 = arith.constant 0 : i32
    %dma_start3A_88 = tpu.memref_slice %arg7[%dma_start3A_86, %dma_start3A_87] : memref<80x128xi32, #tpu.memory_space<vmem>> -> memref<1x128xi32, #tpu.memory_space<vmem>>
    %dma_start3A_89 = tpu.memref_squeeze %dma_start3A_88 : memref<1x128xi32, #tpu.memory_space<vmem>> -> memref<128xi32, #tpu.memory_space<vmem>>
    %dma_start3A_90 = arith.constant 0 : i32
    %dma_start3A_91 = arith.constant 0 : i32
    %dma_start3A_92 = tpu.memref_slice %arg12[%dma_start3A_90, %dma_start3A_91] : memref<10240x64xf32, #tpu.memory_space<vmem_shared>> -> memref<10240x64xf32, #tpu.memory_space<vmem_shared>>
    tpu.enqueue_indirect_dma source(%arg10 : memref<128x64xf32, #tpu.memory_space<vmem>>) target(%dma_start3A_92 : memref<10240x64xf32, #tpu.memory_space<vmem_shared>>) offsets(%dma_start3A_89 : memref<128xi32, #tpu.memory_space<vmem>>) semaphore(%arg19 : memref<!tpu.dma_semaphore, #tpu.memory_space<semaphore_mem>>) {add = true}
    %dma_wait3A_93 = arith.constant 79 : i32
    %dma_wait3A_94 = arith.constant 0 : i32
    %dma_wait3A_95 = tpu.memref_slice %arg6[%dma_wait3A_93, %dma_wait3A_94] : memref<80x128xi32, #tpu.memory_space<vmem>> -> memref<1x128xi32, #tpu.memory_space<vmem>>
    %dma_wait3A_96 = tpu.memref_squeeze %dma_wait3A_95 : memref<1x128xi32, #tpu.memory_space<vmem>> -> memref<128xi32, #tpu.memory_space<vmem>>
    %dma_wait3A_97 = arith.constant 0 : i32
    %dma_wait3A_98 = arith.constant 0 : i32
    %dma_wait3A_99 = tpu.memref_slice %arg2[%dma_wait3A_97, %dma_wait3A_98] : memref<10000x64xf32, #tpu.memory_space<hbm>> -> memref<10000x64xf32, #tpu.memory_space<hbm>>
    tpu.wait_indirect_dma semaphore(%arg16 : memref<!tpu.dma_semaphore, #tpu.memory_space<semaphore_mem>>) src(%dma_wait3A_99 : memref<10000x64xf32, #tpu.memory_space<hbm>>) dst(%arg11 : memref<128x64xf32, #tpu.memory_space<vmem>>)
    %dma_start3A_100 = arith.constant 79 : i32
    %dma_start3A_101 = arith.constant 0 : i32
    %dma_start3A_102 = tpu.memref_slice %arg7[%dma_start3A_100, %dma_start3A_101] : memref<80x128xi32, #tpu.memory_space<vmem>> -> memref<1x128xi32, #tpu.memory_space<vmem>>
    %dma_start3A_103 = tpu.memref_squeeze %dma_start3A_102 : memref<1x128xi32, #tpu.memory_space<vmem>> -> memref<128xi32, #tpu.memory_space<vmem>>
    %dma_start3A_104 = arith.constant 0 : i32
    %dma_start3A_105 = arith.constant 0 : i32
    %dma_start3A_106 = tpu.memref_slice %arg12[%dma_start3A_104, %dma_start3A_105] : memref<10240x64xf32, #tpu.memory_space<vmem_shared>> -> memref<10240x64xf32, #tpu.memory_space<vmem_shared>>
    tpu.enqueue_indirect_dma source(%arg11 : memref<128x64xf32, #tpu.memory_space<vmem>>) target(%dma_start3A_106 : memref<10240x64xf32, #tpu.memory_space<vmem_shared>>) offsets(%dma_start3A_103 : memref<128xi32, #tpu.memory_space<vmem>>) semaphore(%arg20 : memref<!tpu.dma_semaphore, #tpu.memory_space<semaphore_mem>>) {add = true}
    %dma_wait3A_107 = arith.constant 76 : i32
    %dma_wait3A_108 = arith.constant 0 : i32
    %dma_wait3A_109 = tpu.memref_slice %arg7[%dma_wait3A_107, %dma_wait3A_108] : memref<80x128xi32, #tpu.memory_space<vmem>> -> memref<1x128xi32, #tpu.memory_space<vmem>>
    %dma_wait3A_110 = tpu.memref_squeeze %dma_wait3A_109 : memref<1x128xi32, #tpu.memory_space<vmem>> -> memref<128xi32, #tpu.memory_space<vmem>>
    %dma_wait3A_111 = arith.constant 0 : i32
    %dma_wait3A_112 = arith.constant 0 : i32
    %dma_wait3A_113 = tpu.memref_slice %arg12[%dma_wait3A_111, %dma_wait3A_112] : memref<10240x64xf32, #tpu.memory_space<vmem_shared>> -> memref<10240x64xf32, #tpu.memory_space<vmem_shared>>
    tpu.wait_indirect_dma semaphore(%arg17 : memref<!tpu.dma_semaphore, #tpu.memory_space<semaphore_mem>>) src(%arg8 : memref<128x64xf32, #tpu.memory_space<vmem>>) dst(%dma_wait3A_113 : memref<10240x64xf32, #tpu.memory_space<vmem_shared>>)
    %dma_wait3A_114 = arith.constant 77 : i32
    %dma_wait3A_115 = arith.constant 0 : i32
    %dma_wait3A_116 = tpu.memref_slice %arg7[%dma_wait3A_114, %dma_wait3A_115] : memref<80x128xi32, #tpu.memory_space<vmem>> -> memref<1x128xi32, #tpu.memory_space<vmem>>
    %dma_wait3A_117 = tpu.memref_squeeze %dma_wait3A_116 : memref<1x128xi32, #tpu.memory_space<vmem>> -> memref<128xi32, #tpu.memory_space<vmem>>
    %dma_wait3A_118 = arith.constant 0 : i32
    %dma_wait3A_119 = arith.constant 0 : i32
    %dma_wait3A_120 = tpu.memref_slice %arg12[%dma_wait3A_118, %dma_wait3A_119] : memref<10240x64xf32, #tpu.memory_space<vmem_shared>> -> memref<10240x64xf32, #tpu.memory_space<vmem_shared>>
    tpu.wait_indirect_dma semaphore(%arg18 : memref<!tpu.dma_semaphore, #tpu.memory_space<semaphore_mem>>) src(%arg9 : memref<128x64xf32, #tpu.memory_space<vmem>>) dst(%dma_wait3A_120 : memref<10240x64xf32, #tpu.memory_space<vmem_shared>>)
    %dma_wait3A_121 = arith.constant 78 : i32
    %dma_wait3A_122 = arith.constant 0 : i32
    %dma_wait3A_123 = tpu.memref_slice %arg7[%dma_wait3A_121, %dma_wait3A_122] : memref<80x128xi32, #tpu.memory_space<vmem>> -> memref<1x128xi32, #tpu.memory_space<vmem>>
    %dma_wait3A_124 = tpu.memref_squeeze %dma_wait3A_123 : memref<1x128xi32, #tpu.memory_space<vmem>> -> memref<128xi32, #tpu.memory_space<vmem>>
    %dma_wait3A_125 = arith.constant 0 : i32
    %dma_wait3A_126 = arith.constant 0 : i32
    %dma_wait3A_127 = tpu.memref_slice %arg12[%dma_wait3A_125, %dma_wait3A_126] : memref<10240x64xf32, #tpu.memory_space<vmem_shared>> -> memref<10240x64xf32, #tpu.memory_space<vmem_shared>>
    tpu.wait_indirect_dma semaphore(%arg19 : memref<!tpu.dma_semaphore, #tpu.memory_space<semaphore_mem>>) src(%arg10 : memref<128x64xf32, #tpu.memory_space<vmem>>) dst(%dma_wait3A_127 : memref<10240x64xf32, #tpu.memory_space<vmem_shared>>)
    %dma_wait3A_128 = arith.constant 79 : i32
    %dma_wait3A_129 = arith.constant 0 : i32
    %dma_wait3A_130 = tpu.memref_slice %arg7[%dma_wait3A_128, %dma_wait3A_129] : memref<80x128xi32, #tpu.memory_space<vmem>> -> memref<1x128xi32, #tpu.memory_space<vmem>>
    %dma_wait3A_131 = tpu.memref_squeeze %dma_wait3A_130 : memref<1x128xi32, #tpu.memory_space<vmem>> -> memref<128xi32, #tpu.memory_space<vmem>>
    %dma_wait3A_132 = arith.constant 0 : i32
    %dma_wait3A_133 = arith.constant 0 : i32
    %dma_wait3A_134 = tpu.memref_slice %arg12[%dma_wait3A_132, %dma_wait3A_133] : memref<10240x64xf32, #tpu.memory_space<vmem_shared>> -> memref<10240x64xf32, #tpu.memory_space<vmem_shared>>
    tpu.wait_indirect_dma semaphore(%arg20 : memref<!tpu.dma_semaphore, #tpu.memory_space<semaphore_mem>>) src(%arg11 : memref<128x64xf32, #tpu.memory_space<vmem>>) dst(%dma_wait3A_134 : memref<10240x64xf32, #tpu.memory_space<vmem_shared>>)
    %barrier3A_135 = arith.constant 0 : index
    tpu.barrier barrier_id(%barrier3A_135)
    %mul3A_136 = arith.constant 10240 : i32
    %mul3A_137 = arith.muli %arg0, %mul3A_136 : i32
    %add3A_138 = arith.addi %mul3A_137, %mul3A_9 : i32
    "tpu.region"() ({
      %run_scoped3A = tpu.sem_alloc : memref<!tpu.dma_semaphore, #tpu.memory_space<semaphore_mem>>
      %dma_start3A_139 = arith.constant 0 : i32
      %dma_start3A_140 = tpu.memref_slice %arg5[%add3A_138, %dma_start3A_139] : memref<20480x64xf32, #tpu.memory_space<hbm>> -> memref<640x64xf32, #tpu.memory_space<hbm>>
      %dma_start3A_141 = arith.constant 0 : i32
      %dma_start3A_142 = tpu.memref_slice %arg12[%mul3A_9, %dma_start3A_141] : memref<10240x64xf32, #tpu.memory_space<vmem_shared>> -> memref<640x64xf32, #tpu.memory_space<vmem_shared>>
      tpu.enqueue_dma source(%dma_start3A_142 : memref<640x64xf32, #tpu.memory_space<vmem_shared>>) target(%dma_start3A_140 : memref<640x64xf32, #tpu.memory_space<hbm>>) target_semaphore(%run_scoped3A : memref<!tpu.dma_semaphore, #tpu.memory_space<semaphore_mem>>)
      %dma_wait3A_143 = arith.constant 0 : i32
      %dma_wait3A_144 = tpu.memref_slice %arg5[%add3A_138, %dma_wait3A_143] : memref<20480x64xf32, #tpu.memory_space<hbm>> -> memref<640x64xf32, #tpu.memory_space<hbm>>
      %dma_wait3A_145 = arith.constant 0 : i32
      %dma_wait3A_146 = tpu.memref_slice %arg12[%mul3A_9, %dma_wait3A_145] : memref<10240x64xf32, #tpu.memory_space<vmem_shared>> -> memref<640x64xf32, #tpu.memory_space<vmem_shared>>
      tpu.wait_dma2 semaphore(%run_scoped3A : memref<!tpu.dma_semaphore, #tpu.memory_space<semaphore_mem>>) src(%dma_wait3A_146 : memref<640x64xf32, #tpu.memory_space<vmem_shared>>) dst(%dma_wait3A_144 : memref<640x64xf32, #tpu.memory_space<hbm>>)
      tpu.yield
    }) : () -> ()
    return
  }
}

module attributes {stable_mosaic.version = 14 : i64} {
  func.func @_dinv_body(%arg0: memref<32x10000xf32, #tpu.memory_space<vmem>>, %arg1: memref<10000x1xf32, #tpu.memory_space<vmem>>) attributes {dimension_semantics = [], scalar_prefetch = 0 : i64, scratch_operands = 0 : i64, tpu.core_type = #tpu.core_type<tc>} {
    %get3A = arith.constant 0 : index
    %get3A_0 = arith.constant 0 : index
    %get3A_1 = vector.load %arg0[%get3A, %get3A_0] : memref<32x10000xf32, #tpu.memory_space<vmem>>, vector<32x10000xf32>
    %reduce_sum3A = arith.constant dense<0.000000e+00> : vector<10000xf32>
    %reduce_sum3A_2 = vector.multi_reduction <add>, %get3A_1, %reduce_sum3A [0] : vector<32x10000xf32> to vector<10000xf32>
    %broadcast_in_dim3A = vector.shape_cast %reduce_sum3A_2 : vector<10000xf32> to vector<1x10000xf32>
    %add3A = arith.constant 1.000000e+00 : f32
    %add3A_3 = vector.broadcast %add3A : f32 to vector<1x10000xf32>
    %add3A_4 = arith.addf %add3A_3, %broadcast_in_dim3A : vector<1x10000xf32>
    %rsqrt3A = math.rsqrt %add3A_4 : vector<1x10000xf32>
    %transpose3A = tpu.transpose %rsqrt3A, [1, 0] : vector<1x10000xf32> -> vector<10000x1xf32>
    %swap3A = arith.constant 0 : index
    %swap3A_5 = arith.constant 0 : index
    %swap3A_6 = vector.load %arg1[%swap3A, %swap3A_5] : memref<10000x1xf32, #tpu.memory_space<vmem>>, vector<10000x1xf32>
    tpu.vector_store %arg1[%swap3A, %swap3A_5], %transpose3A {strides = array<i32>} : memref<10000x1xf32, #tpu.memory_space<vmem>>, vector<10000x1xf32>,
    return
  }
}

module attributes {stable_mosaic.version = 14 : i64} {
  func.func @_mm1_scale_body(%arg0: i32, %arg1: memref<1000x128xf32, #tpu.memory_space<vmem>>, %arg2: memref<128x128xf32, #tpu.memory_space<vmem>>, %arg3: memref<1000x1xf32, #tpu.memory_space<vmem>>, %arg4: memref<1000x64xf32, #tpu.memory_space<vmem>>, %arg5: memref<1000x64xf32, #tpu.memory_space<vmem>>) attributes {dimension_semantics = [#tpu.dimension_semantics<arbitrary>], iteration_bounds = array<i64: 10>, scalar_prefetch = 0 : i64, scratch_operands = 0 : i64, tpu.core_type = #tpu.core_type<tc>, window_params = [{transform_indices = @transform_0, window_bounds = array<i64: 1000, 128>}, {pipeline_mode = #tpu.pipeline_mode<synchronous>, transform_indices = @transform_1, window_bounds = array<i64: 128, 128>}, {transform_indices = @transform_2, window_bounds = array<i64: 1000, 1>}, {transform_indices = @transform_3, window_bounds = array<i64: 1000, 64>}, {transform_indices = @transform_4, window_bounds = array<i64: 1000, 64>}]} {
    %get3A = arith.constant 0 : index
    %get3A_0 = arith.constant 0 : index
    %get3A_1 = vector.load %arg1[%get3A, %get3A_0] : memref<1000x128xf32, #tpu.memory_space<vmem>>, vector<1000x128xf32>
    %get3A_2 = arith.constant 0 : index
    %get3A_3 = arith.constant 0 : index
    %get3A_4 = vector.load %arg2[%get3A_2, %get3A_3] : memref<128x128xf32, #tpu.memory_space<vmem>>, vector<128x128xf32>
    %dot_general3A = arith.constant dense<0.000000e+00> : vector<1000x128xf32>
    %dot_general3A_5 = tpu.matmul %get3A_1, %get3A_4, %dot_general3A {dimension_numbers = #tpu.dot_dimension_numbers<[1], [0], [0], [1], [0, 0, 1, 1], [], []>, transpose_lhs_hint = false} : vector<1000x128xf32>, vector<128x128xf32>, vector<1000x128xf32> -> vector<1000x128xf32>
    %get3A_6 = arith.constant 0 : index
    %get3A_7 = arith.constant 0 : index
    %get3A_8 = vector.load %arg3[%get3A_6, %get3A_7] : memref<1000x1xf32, #tpu.memory_space<vmem>>, vector<1000x1xf32>
    %mul3A = vector.broadcast %get3A_8 : vector<1000x1xf32> to vector<1000x128xf32>
    %mul3A_9 = arith.mulf %dot_general3A_5, %mul3A : vector<1000x128xf32>
    %slice3A = vector.extract_strided_slice %mul3A_9 {offsets = [0, 0], sizes = [1000, 64], strides = [1, 1]} : vector<1000x128xf32> to vector<1000x64xf32>
    %swap3A = arith.constant 0 : index
    %swap3A_10 = arith.constant 0 : index
    %swap3A_11 = vector.load %arg4[%swap3A, %swap3A_10] : memref<1000x64xf32, #tpu.memory_space<vmem>>, vector<1000x64xf32>
    tpu.vector_store %arg4[%swap3A, %swap3A_10], %slice3A {strides = array<i32>} : memref<1000x64xf32, #tpu.memory_space<vmem>>, vector<1000x64xf32>,
    %slice3A_12 = vector.extract_strided_slice %mul3A_9 {offsets = [0, 64], sizes = [1000, 64], strides = [1, 1]} : vector<1000x128xf32> to vector<1000x64xf32>
    %swap3A_13 = arith.constant 0 : index
    %swap3A_14 = arith.constant 0 : index
    %swap3A_15 = vector.load %arg5[%swap3A_13, %swap3A_14] : memref<1000x64xf32, #tpu.memory_space<vmem>>, vector<1000x64xf32>
    tpu.vector_store %arg5[%swap3A_13, %swap3A_14], %slice3A_12 {strides = array<i32>} : memref<1000x64xf32, #tpu.memory_space<vmem>>, vector<1000x64xf32>,
    return
  }
  func.func @transform_0(%arg0: i32) -> (i32, i32) {
    %c0_i32 = arith.constant 0 : i32
    %c0_i32_0 = arith.constant 0 : i32
    return %arg0, %c0_i32 : i32, i32
  }
  func.func @transform_1(%arg0: i32) -> (i32, i32) {
    %c0_i32 = arith.constant 0 : i32
    %c0_i32_0 = arith.constant 0 : i32
    %c0_i32_1 = arith.constant 0 : i32
    return %c0_i32, %c0_i32_0 : i32, i32
  }
  func.func @transform_2(%arg0: i32) -> (i32, i32) {
    %c0_i32 = arith.constant 0 : i32
    %c0_i32_0 = arith.constant 0 : i32
    return %arg0, %c0_i32 : i32, i32
  }
  func.func @transform_3(%arg0: i32) -> (i32, i32) {
    %c0_i32 = arith.constant 0 : i32
    %c0_i32_0 = arith.constant 0 : i32
    return %arg0, %c0_i32 : i32, i32
  }
  func.func @transform_4(%arg0: i32) -> (i32, i32) {
    %c0_i32 = arith.constant 0 : i32
    %c0_i32_0 = arith.constant 0 : i32
    return %arg0, %c0_i32 : i32, i32
  }
}

module attributes {stable_mosaic.version = 14 : i64} {
  func.func @_final_body(%arg0: i32, %arg1: memref<1000x64xf32, #tpu.memory_space<vmem>>, %arg2: memref<1000x64xf32, #tpu.memory_space<vmem>>, %arg3: memref<1000x64xf32, #tpu.memory_space<vmem>>, %arg4: memref<1000x1xf32, #tpu.memory_space<vmem>>, %arg5: memref<1x64xf32, #tpu.memory_space<vmem>>, %arg6: memref<1000x64xf32, #tpu.memory_space<vmem>>) attributes {dimension_semantics = [#tpu.dimension_semantics<arbitrary>], iteration_bounds = array<i64: 10>, scalar_prefetch = 0 : i64, scratch_operands = 0 : i64, tpu.core_type = #tpu.core_type<tc>, window_params = [{transform_indices = @transform_0, window_bounds = array<i64: 1000, 64>}, {transform_indices = @transform_1, window_bounds = array<i64: 1000, 64>}, {transform_indices = @transform_2, window_bounds = array<i64: 1000, 64>}, {transform_indices = @transform_3, window_bounds = array<i64: 1000, 1>}, {pipeline_mode = #tpu.pipeline_mode<synchronous>, transform_indices = @transform_4, window_bounds = array<i64: 1, 64>}, {transform_indices = @transform_5, window_bounds = array<i64: 1000, 64>}]} {
    %get3A = arith.constant 0 : index
    %get3A_0 = arith.constant 0 : index
    %get3A_1 = vector.load %arg4[%get3A, %get3A_0] : memref<1000x1xf32, #tpu.memory_space<vmem>>, vector<1000x1xf32>
    %get3A_2 = arith.constant 0 : index
    %get3A_3 = arith.constant 0 : index
    %get3A_4 = vector.load %arg1[%get3A_2, %get3A_3] : memref<1000x64xf32, #tpu.memory_space<vmem>>, vector<1000x64xf32>
    %get3A_5 = arith.constant 0 : index
    %get3A_6 = arith.constant 0 : index
    %get3A_7 = vector.load %arg2[%get3A_5, %get3A_6] : memref<1000x64xf32, #tpu.memory_space<vmem>>, vector<1000x64xf32>
    %add3A = arith.addf %get3A_4, %get3A_7 : vector<1000x64xf32>
    %get3A_8 = arith.constant 0 : index
    %get3A_9 = arith.constant 0 : index
    %get3A_10 = vector.load %arg3[%get3A_8, %get3A_9] : memref<1000x64xf32, #tpu.memory_space<vmem>>, vector<1000x64xf32>
    %add3A_11 = arith.addf %add3A, %get3A_10 : vector<1000x64xf32>
    %mul3A = vector.broadcast %get3A_1 : vector<1000x1xf32> to vector<1000x64xf32>
    %mul3A_12 = arith.mulf %mul3A, %add3A_11 : vector<1000x64xf32>
    %get3A_13 = arith.constant 0 : index
    %get3A_14 = arith.constant 0 : index
    %get3A_15 = vector.load %arg5[%get3A_13, %get3A_14] : memref<1x64xf32, #tpu.memory_space<vmem>>, vector<1x64xf32>
    %add3A_16 = vector.broadcast %get3A_15 : vector<1x64xf32> to vector<1000x64xf32>
    %add3A_17 = arith.addf %mul3A_12, %add3A_16 : vector<1000x64xf32>
    %reduce_max3A = arith.constant dense<0xFF800000> : vector<1000xf32>
    %reduce_max3A_18 = vector.multi_reduction <maximumf>, %add3A_17, %reduce_max3A [1] : vector<1000x64xf32> to vector<1000xf32>
    %broadcast_in_dim3A = vector.shape_cast %reduce_max3A_18 : vector<1000xf32> to vector<1000x1xf32>
    %sub3A = vector.broadcast %broadcast_in_dim3A : vector<1000x1xf32> to vector<1000x64xf32>
    %sub3A_19 = arith.subf %add3A_17, %sub3A : vector<1000x64xf32>
    %exp3A = math.exp %sub3A_19 : vector<1000x64xf32>
    %reduce_sum3A = arith.constant dense<0.000000e+00> : vector<1000xf32>
    %reduce_sum3A_20 = vector.multi_reduction <add>, %exp3A, %reduce_sum3A [1] : vector<1000x64xf32> to vector<1000xf32>
    %broadcast_in_dim3A_21 = vector.shape_cast %reduce_sum3A_20 : vector<1000xf32> to vector<1000x1xf32>
    %log3A = math.log %broadcast_in_dim3A_21 : vector<1000x1xf32>
    %sub3A_22 = vector.broadcast %log3A : vector<1000x1xf32> to vector<1000x64xf32>
    %sub3A_23 = arith.subf %sub3A_19, %sub3A_22 : vector<1000x64xf32>
    %swap3A = arith.constant 0 : index
    %swap3A_24 = arith.constant 0 : index
    %swap3A_25 = vector.load %arg6[%swap3A, %swap3A_24] : memref<1000x64xf32, #tpu.memory_space<vmem>>, vector<1000x64xf32>
    tpu.vector_store %arg6[%swap3A, %swap3A_24], %sub3A_23 {strides = array<i32>} : memref<1000x64xf32, #tpu.memory_space<vmem>>, vector<1000x64xf32>,
    return
  }
  func.func @transform_0(%arg0: i32) -> (i32, i32) {
    %c0_i32 = arith.constant 0 : i32
    %c0_i32_0 = arith.constant 0 : i32
    return %arg0, %c0_i32 : i32, i32
  }
  func.func @transform_1(%arg0: i32) -> (i32, i32) {
    %c0_i32 = arith.constant 0 : i32
    %c0_i32_0 = arith.constant 0 : i32
    return %arg0, %c0_i32 : i32, i32
  }
  func.func @transform_2(%arg0: i32) -> (i32, i32) {
    %c0_i32 = arith.constant 0 : i32
    %c0_i32_0 = arith.constant 0 : i32
    return %arg0, %c0_i32 : i32, i32
  }
  func.func @transform_3(%arg0: i32) -> (i32, i32) {
    %c0_i32 = arith.constant 0 : i32
    %c0_i32_0 = arith.constant 0 : i32
    return %arg0, %c0_i32 : i32, i32
  }
  func.func @transform_4(%arg0: i32) -> (i32, i32) {
    %c0_i32 = arith.constant 0 : i32
    %c0_i32_0 = arith.constant 0 : i32
    %c0_i32_1 = arith.constant 0 : i32
    return %c0_i32, %c0_i32_0 : i32, i32
  }
  func.func @transform_5(%arg0: i32) -> (i32, i32) {
    %c0_i32 = arith.constant 0 : i32
    %c0_i32_0 = arith.constant 0 : i32
    return %arg0, %c0_i32 : i32, i32
  }
}

module attributes {stable_mosaic.version = 14 : i64} {
  func.func @_mm2_body(%arg0: i32, %arg1: memref<1000x64xf32, #tpu.memory_space<vmem>>, %arg2: memref<1000x64xf32, #tpu.memory_space<vmem>>, %arg3: memref<1000x64xf32, #tpu.memory_space<vmem>>, %arg4: memref<1000x64xf32, #tpu.memory_space<vmem>>, %arg5: memref<1000x1xf32, #tpu.memory_space<vmem>>, %arg6: memref<1x128xf32, #tpu.memory_space<vmem>>, %arg7: memref<128x64xf32, #tpu.memory_space<vmem>>, %arg8: memref<1000x64xf32, #tpu.memory_space<vmem>>) attributes {dimension_semantics = [#tpu.dimension_semantics<arbitrary>], iteration_bounds = array<i64: 10>, scalar_prefetch = 0 : i64, scratch_operands = 0 : i64, tpu.core_type = #tpu.core_type<tc>, window_params = [{transform_indices = @transform_0, window_bounds = array<i64: 1000, 64>}, {transform_indices = @transform_1, window_bounds = array<i64: 1000, 64>}, {transform_indices = @transform_2, window_bounds = array<i64: 1000, 64>}, {transform_indices = @transform_3, window_bounds = array<i64: 1000, 64>}, {transform_indices = @transform_4, window_bounds = array<i64: 1000, 1>}, {pipeline_mode = #tpu.pipeline_mode<synchronous>, transform_indices = @transform_5, window_bounds = array<i64: 1, 128>}, {pipeline_mode = #tpu.pipeline_mode<synchronous>, transform_indices = @transform_6, window_bounds = array<i64: 128, 64>}, {transform_indices = @transform_7, window_bounds = array<i64: 1000, 64>}]} {
    %get3A = arith.constant 0 : index
    %get3A_0 = arith.constant 0 : index
    %get3A_1 = vector.load %arg5[%get3A, %get3A_0] : memref<1000x1xf32, #tpu.memory_space<vmem>>, vector<1000x1xf32>
    %get3A_2 = arith.constant 0 : index
    %get3A_3 = arith.constant 0 : index
    %get3A_4 = vector.load %arg6[%get3A_2, %get3A_3] : memref<1x128xf32, #tpu.memory_space<vmem>>, vector<1x128xf32>
    %get3A_5 = arith.constant 0 : index
    %get3A_6 = arith.constant 0 : index
    %get3A_7 = vector.load %arg7[%get3A_5, %get3A_6] : memref<128x64xf32, #tpu.memory_space<vmem>>, vector<128x64xf32>
    %get3A_8 = arith.constant 0 : index
    %get3A_9 = arith.constant 0 : index
    %get3A_10 = vector.load %arg1[%get3A_8, %get3A_9] : memref<1000x64xf32, #tpu.memory_space<vmem>>, vector<1000x64xf32>
    %get3A_11 = arith.constant 0 : index
    %get3A_12 = arith.constant 0 : index
    %get3A_13 = vector.load %arg3[%get3A_11, %get3A_12] : memref<1000x64xf32, #tpu.memory_space<vmem>>, vector<1000x64xf32>
    %add3A = arith.addf %get3A_10, %get3A_13 : vector<1000x64xf32>
    %mul3A = vector.broadcast %get3A_1 : vector<1000x1xf32> to vector<1000x64xf32>
    %mul3A_14 = arith.mulf %mul3A, %add3A : vector<1000x64xf32>
    %slice3A = vector.extract_strided_slice %get3A_4 {offsets = [0, 0], sizes = [1, 64], strides = [1, 1]} : vector<1x128xf32> to vector<1x64xf32>
    %add3A_15 = vector.broadcast %slice3A : vector<1x64xf32> to vector<1000x64xf32>
    %add3A_16 = arith.addf %mul3A_14, %add3A_15 : vector<1000x64xf32>
    %max3A = arith.constant 0.000000e+00 : f32
    %max3A_17 = vector.broadcast %max3A : f32 to vector<1000x64xf32>
    %max3A_18 = arith.maximumf %add3A_16, %max3A_17 : vector<1000x64xf32>
    %get3A_19 = arith.constant 0 : index
    %get3A_20 = arith.constant 0 : index
    %get3A_21 = vector.load %arg2[%get3A_19, %get3A_20] : memref<1000x64xf32, #tpu.memory_space<vmem>>, vector<1000x64xf32>
    %get3A_22 = arith.constant 0 : index
    %get3A_23 = arith.constant 0 : index
    %get3A_24 = vector.load %arg4[%get3A_22, %get3A_23] : memref<1000x64xf32, #tpu.memory_space<vmem>>, vector<1000x64xf32>
    %add3A_25 = arith.addf %get3A_21, %get3A_24 : vector<1000x64xf32>
    %mul3A_26 = vector.broadcast %get3A_1 : vector<1000x1xf32> to vector<1000x64xf32>
    %mul3A_27 = arith.mulf %mul3A_26, %add3A_25 : vector<1000x64xf32>
    %slice3A_28 = vector.extract_strided_slice %get3A_4 {offsets = [0, 64], sizes = [1, 64], strides = [1, 1]} : vector<1x128xf32> to vector<1x64xf32>
    %add3A_29 = vector.broadcast %slice3A_28 : vector<1x64xf32> to vector<1000x64xf32>
    %add3A_30 = arith.addf %mul3A_27, %add3A_29 : vector<1000x64xf32>
    %max3A_31 = arith.constant 0.000000e+00 : f32
    %max3A_32 = vector.broadcast %max3A_31 : f32 to vector<1000x64xf32>
    %max3A_33 = arith.maximumf %add3A_30, %max3A_32 : vector<1000x64xf32>
    %slice3A_34 = vector.extract_strided_slice %get3A_7 {offsets = [0, 0], sizes = [64, 64], strides = [1, 1]} : vector<128x64xf32> to vector<64x64xf32>
    %dot_general3A = arith.constant dense<0.000000e+00> : vector<1000x64xf32>
    %dot_general3A_35 = tpu.matmul %max3A_18, %slice3A_34, %dot_general3A {dimension_numbers = #tpu.dot_dimension_numbers<[1], [0], [0], [1], [0, 0, 1, 1], [], []>, transpose_lhs_hint = false} : vector<1000x64xf32>, vector<64x64xf32>, vector<1000x64xf32> -> vector<1000x64xf32>
    %slice3A_36 = vector.extract_strided_slice %get3A_7 {offsets = [64, 0], sizes = [64, 64], strides = [1, 1]} : vector<128x64xf32> to vector<64x64xf32>
    %dot_general3A_37 = arith.constant dense<0.000000e+00> : vector<1000x64xf32>
    %dot_general3A_38 = tpu.matmul %max3A_33, %slice3A_36, %dot_general3A_37 {dimension_numbers = #tpu.dot_dimension_numbers<[1], [0], [0], [1], [0, 0, 1, 1], [], []>, transpose_lhs_hint = false} : vector<1000x64xf32>, vector<64x64xf32>, vector<1000x64xf32> -> vector<1000x64xf32>
    %add3A_39 = arith.addf %dot_general3A_35, %dot_general3A_38 : vector<1000x64xf32>
    %mul3A_40 = vector.broadcast %get3A_1 : vector<1000x1xf32> to vector<1000x64xf32>
    %mul3A_41 = arith.mulf %add3A_39, %mul3A_40 : vector<1000x64xf32>
    %swap3A = arith.constant 0 : index
    %swap3A_42 = arith.constant 0 : index
    %swap3A_43 = vector.load %arg8[%swap3A, %swap3A_42] : memref<1000x64xf32, #tpu.memory_space<vmem>>, vector<1000x64xf32>
    tpu.vector_store %arg8[%swap3A, %swap3A_42], %mul3A_41 {strides = array<i32>} : memref<1000x64xf32, #tpu.memory_space<vmem>>, vector<1000x64xf32>,
    return
  }
  func.func @transform_0(%arg0: i32) -> (i32, i32) {
    %c0_i32 = arith.constant 0 : i32
    %c0_i32_0 = arith.constant 0 : i32
    return %arg0, %c0_i32 : i32, i32
  }
  func.func @transform_1(%arg0: i32) -> (i32, i32) {
    %c0_i32 = arith.constant 0 : i32
    %c0_i32_0 = arith.constant 0 : i32
    return %arg0, %c0_i32 : i32, i32
  }
  func.func @transform_2(%arg0: i32) -> (i32, i32) {
    %c0_i32 = arith.constant 0 : i32
    %c0_i32_0 = arith.constant 0 : i32
    return %arg0, %c0_i32 : i32, i32
  }
  func.func @transform_3(%arg0: i32) -> (i32, i32) {
    %c0_i32 = arith.constant 0 : i32
    %c0_i32_0 = arith.constant 0 : i32
    return %arg0, %c0_i32 : i32, i32
  }
  func.func @transform_4(%arg0: i32) -> (i32, i32) {
    %c0_i32 = arith.constant 0 : i32
    %c0_i32_0 = arith.constant 0 : i32
    return %arg0, %c0_i32 : i32, i32
  }
  func.func @transform_5(%arg0: i32) -> (i32, i32) {
    %c0_i32 = arith.constant 0 : i32
    %c0_i32_0 = arith.constant 0 : i32
    %c0_i32_1 = arith.constant 0 : i32
    return %c0_i32, %c0_i32_0 : i32, i32
  }
  func.func @transform_6(%arg0: i32) -> (i32, i32) {
    %c0_i32 = arith.constant 0 : i32
    %c0_i32_0 = arith.constant 0 : i32
    %c0_i32_1 = arith.constant 0 : i32
    return %c0_i32, %c0_i32_0 : i32, i32
  }
  func.func @transform_7(%arg0: i32) -> (i32, i32) {
    %c0_i32 = arith.constant 0 : i32
    %c0_i32_0 = arith.constant 0 : i32
    return %arg0, %c0_i32 : i32, i32
  }
}

</mosaic_0001>

<sc_bundles>
// kernel: kernel.12.cloned.1.call-start
scs
__scs_entry_jumppad:
0x0: {  	(pc) =	sbr.rel $0x88, $3  }
0x1: {  	(tag) =	ssettag $0x0;
	lr =	simm.s32 $0x1  }
0x2: {  	[smem:$0x3F9B] =	sst lr;
	_ =	strace $0xD0000000  }
0x3: {  	_ = 	snop  }
0x4: {  	_ = 	snop  }
0x5: {  	_ = 	snop  }
0x6: {  	_ = 	snop  }
0x7: {  	_ = 	snop  }
__scs_overlays_trampoline_lowered:
0x8: {  	[smem:$0x3FAA] =	sst s0  }
0x9: {  	[smem:$0x3FAB] =	sst s1  }
0xa: {  	[smem:$0x3FAC] =	sst s2  }
0xb: {  	[smem:$0x3FAD] =	sst s3  }
0xc: {  	[smem:$0x3FAE] =	sst s4  }
0xd: {  	[smem:$0x3FAF] =	sst s5  }
0xe: {  	[smem:$0x3FB0] =	sst s6  }
0xf: {  	[smem:$0x3FB1] =	sst s7  }
0x10: {  	[smem:$0x3FB2] =	sst s8  }
0x11: {  	[smem:$0x3FB3] =	sst s9;
	s0 =	simm.s32 @!p0 $0x0  }
0x12: {  	s1 =	sld [smem:$0x3F99];
	s0 =	simm.s32 @p0 $0x1  }
0x13: {  	[smem:$0x3FB4] =	sst s0;
	s0 =	simm.s32 @!p1 $0x0  }
0x14: {  	s2 =	sld [smem:$0x3F98];
	s0 =	simm.s32 @p1 $0x1  }
0x15: {  	[smem:$0x3FB5] =	sst s0;
	s0 =	simm.s32 @!p2 $0x0  }
0x16: {  	s3 =	sld [smem:$0x3FDB];
	s0 =	simm.s32 @p2 $0x1  }
0x17: {  	s4 =	simm.s32 $0x1BF5;
	[smem:$0x3FB7] =	sst s0  }
0x18: {  	s0 =	sld [smem:$0x3F9A];
	_ =	swait.ge [sflag:s4], $0x0  }
0x19: {  	s7 =	sld [smem:$0x3F9B]  }
0x1a: {  	s8 =	sadd.s32 $0xFFFFE003, lr  }
0x1b: {  	s9 =	sadd.s32 $0xFFFFFEF7, lr;
	s5 =	simm.s32 $0xFFFFFFFF;
	p2 =	slt.u32 s8, $0xFFFFF086  }
0x1c: {  	p1 =	slt.u32 s9, $0xF7A;
	s5 =	simm.s32 @!p2 $0x0  }
0x1d: {  	s5 =	simm.s32 @p1 $0x1;
	p0 =	seq.s32 s7, s2  }
0x1e: {  	s7 =	smul.u32 @!p0 $0xF7A, s2;
	p2 =	seq.s32 @!p0 s5, $0x0  }
0x1f: {  	s9 =	smul.u32 $0xF7A, s1;
	s8 =	simm.s32 @!p0 $0x1BF5;
	p2 =	por !p2, p0  }
0x20: {  	[sflag:s8] =	ssyncset.s32 @!p0 $0xFFFFF086;
	s6 =	sadd.s32 @!p0 s3, s7;
	s7 =	simm.s32 @!p0 $0x108  }
0x21: {  	s3 =	sadd.s32 s3, s9;
	s6 =	sadd.s32 @!p0 $0x88, s6;
	s7 =	simm.s32 @p2 $0x1082  }
0x22: {  	[simem:s7], [sflag:s8] =	dma.local @!p0 [hbm:s6], $0xF7A  }
0x23: {  	s9 =	sor.u32 $0xD0000000, s2;
	s6 =	simm.s32 $0x108;
	_ =	swait.ge @!p0 [sflag:s8], $0x0  }
0x24: {  	s3 =	sadd.s32 $0x88, s3;
	s6 =	simm.s32 @!p1 $0x1082;
	[sflag:s4] =	ssyncset.s32 $0xFFFFF086  }
0x25: {  	[simem:s6], [sflag:s4] =	dma.local [hbm:s3], $0xF7A  }
0x26: {  	[smem:$0x3F9B] =	sst s1;
	(tag) =	ssettag s2;
	_ =	strace s9  }
0x27: {  	s1 =	sld [smem:$0x3FAB]  }
0x28: {  	s2 =	sld [smem:$0x3FAC]  }
0x29: {  	s4 =	sld [smem:$0x3FAE]  }
0x2a: {  	p0 =	seq.s32 s5, $0x0;
	s5 =	sld [smem:$0x3FAF]  }
0x2b: {  	s6 =	sld [smem:$0x3FB0]  }
0x2c: {  	s7 =	sld [smem:$0x3FB1]  }
0x2d: {  	s3 =	simm.s32 $0x108;
	s8 =	sld [smem:$0x3FB2]  }
0x2e: {  	s3 =	simm.s32 @!p0 $0x1082;
	s9 =	sld [smem:$0x3FB3]  }
0x2f: {  	lr =	sadd.s32 s0, s3;
	s0 =	sld [smem:$0x3FAA]  }
0x30: {  	s3 =	sld [smem:$0x3FAD]  }
0x31: {  	[smem:$0x3FB6] =	sst s10  }
0x32: {  	s10 =	sld [smem:$0x3FB4];
	_ =	sdelay $0x3  }
0x33: {  	p0 =	seq.s32 s10, $0x1;
	s10 =	sld [smem:$0x3FB6];
	_ =	sdelay $0x3  }
0x34: {  	[smem:$0x3FB6] =	sst s10  }
0x35: {  	s10 =	sld [smem:$0x3FB5];
	_ =	sdelay $0x3  }
0x36: {  	p1 =	seq.s32 s10, $0x1;
	s10 =	sld [smem:$0x3FB6];
	_ =	sdelay $0x3  }
0x37: {  	[smem:$0x3FB6] =	sst s10  }
0x38: {  	s10 =	sld [smem:$0x3FB7]  }
0x39: {  	_ = 	snop;
	(pc) =	sbr.ind lr, $3  }
0x3a: {  	_ = 	snop  }
0x3b: {  	_ = 	snop  }
0x3c: {  	p2 =	seq.s32 s10, $0x1;
	s10 =	sld [smem:$0x3FB6]  }
0x3d: {  	_ =	shalt  }
0x3e: {  	_ =	shalt  }
0x3f: {  	_ =	shalt  }
0x40: {  	_ =	shalt  }
0x41: {  	_ =	shalt  }
0x42: {  	_ =	shalt  }
0x43: {  	_ =	shalt  }
0x44: {  	_ =	shalt  }
0x45: {  	_ =	shalt  }
0x46: {  	_ =	shalt  }
0x47: {  	_ =	shalt  }
0x48: {  	_ =	shalt  }
0x49: {  	_ =	shalt  }
0x4a: {  	_ =	shalt  }
0x4b: {  	_ =	shalt  }
0x4c: {  	_ =	shalt  }
0x4d: {  	_ =	shalt  }
0x4e: {  	_ =	shalt  }
0x4f: {  	_ =	shalt  }
0x50: {  	_ =	shalt  }
0x51: {  	_ =	shalt  }
0x52: {  	_ =	shalt  }
0x53: {  	_ =	shalt  }
0x54: {  	_ =	shalt  }
0x55: {  	_ =	shalt  }
0x56: {  	_ =	shalt  }
0x57: {  	_ =	shalt  }
0x58: {  	_ =	shalt  }
0x59: {  	_ =	shalt  }
0x5a: {  	_ =	shalt  }
0x5b: {  	_ =	shalt  }
0x5c: {  	_ =	shalt  }
0x5d: {  	_ =	shalt  }
0x5e: {  	_ =	shalt  }
0x5f: {  	_ =	shalt  }
0x60: {  	_ =	shalt  }
0x61: {  	_ =	shalt  }
0x62: {  	_ =	shalt  }
0x63: {  	_ =	shalt  }
0x64: {  	_ =	shalt  }
0x65: {  	_ =	shalt  }
0x66: {  	_ =	shalt  }
0x67: {  	_ =	shalt  }
0x68: {  	_ =	shalt  }
0x69: {  	_ =	shalt  }
0x6a: {  	_ =	shalt  }
0x6b: {  	_ =	shalt  }
0x6c: {  	_ =	shalt  }
0x6d: {  	_ =	shalt  }
0x6e: {  	_ =	shalt  }
0x6f: {  	_ =	shalt  }
0x70: {  	_ =	shalt  }
0x71: {  	_ =	shalt  }
0x72: {  	_ =	shalt  }
0x73: {  	_ =	shalt  }
0x74: {  	_ =	shalt  }
0x75: {  	_ =	shalt  }
0x76: {  	_ =	shalt  }
0x77: {  	_ =	shalt  }
0x78: {  	_ =	shalt  }
0x79: {  	_ =	shalt  }
0x7a: {  	_ =	shalt  }
0x7b: {  	_ =	shalt  }
0x7c: {  	_ =	shalt  }
0x7d: {  	_ =	shalt  }
0x7e: {  	_ =	shalt  }
0x7f: {  	_ =	shalt  }
0x80: {  	_ =	shalt  }
0x81: {  	_ =	shalt  }
0x82: {  	_ =	shalt  }
0x83: {  	_ =	shalt  }
0x84: {  	_ =	shalt  }
0x85: {  	_ =	shalt  }
0x86: {  	_ =	shalt  }
0x87: {  	_ =	shalt  }
.Lfunc_end0:
.L_simem_size_0:
called_computation.1_lowered:
.L_overlay_start_0:
0x88: {  	s2 =	sld [smem:$0x3FD9]  }
0x89: {  	s3 =	sld [smem:$0x3FFE];
	_ =	sdelay $0x1  }
0x8a: {  	s1 =	srdreg.scid  }
0x8b: {  	s0 =	sand.u32 $0x1, s1  }
0x8c: {  	s17 =	sshll.u32 s0, $0xA;
	s2 =	sadd.s32 s3, s2  }
0x8d: {  	s2 =	sadd.s32 s2, s17  }
0x8e: {  	[smem:$0x3FC2] =	sst s2  }
0x8f: {  	_ = 	snop  }
0x90: {  	s2 =	sld [smem:$0x3FD0];
	(tm) =	ssettm $0x1  }
0x91: {  	s18 =	sld [smem:$0x3FFB];
	_ =	sdelay $0x3  }
0x92: {  	_ =	strace s18  }
0x93: {  	s3 =	sld [smem:$0x3FFC];
	_ =	sdelay $0x3  }
0x94: {  	_ =	strace s3  }
0x95: {  	s3 =	sld [smem:$0x3FFD];
	_ =	sdelay $0x3  }
0x96: {  	_ =	strace s3  }
0x97: {  	_ =	strace $0x8FFFFFFF  }
0x98: {  	s19 =	sld [smem:$0x3FDB];
	_ =	sdelay $0x1  }
0x99: {  	s4 =	simm.s32 $_scs_section_size  }
0x9a: {  	s5 =	simm.s32 $_size__tile_overlayer_lowered;
	s6 =	simm.s32 $_tile_overlayer_lowered  }
0x9b: {  	s22 =	simm.s32 $0x1BFF;
	s21 =	sshll.u32 s6, $0x1;
	s3 =	sadd.s32 s4, s19  }
0x9c: {  	s7 =	simm.s32 $0x0;
	s20 =	sshll.u32 s5, $0x1;
	s5 =	sadd.s32 s21, s3  }
0x9d: {  	[timem:s7], [sflag:s22] =	dma.local [hbm:s5], s20  }
0x9e: {  	_ =	swait.ge [sflag:s22], s20  }
0x9f: {  	s4 =	ssub.s32 $0x0, s20;
	[sflag:s22] =	ssyncset.done $0x0  }
0xa0: {  	[sflag:s22] =	ssyncadd.s32 s4;
	_ =	sdelay $0x1  }
0xa1: {  	s23 =	simm.s32 $0x1B8B  }
0xa2: {  	_ =	swait.ge [sflag:s23], $0x1  }
0xa3: {  	[sflag:s23] =	ssyncset.done $0x0  }
0xa4: {  	s25 =	simm.s32 $0x1B8E;
	s24 =	sld [smem:$0x3FFE];
	[sflag:s23] =	ssyncadd.s32 $0xFFFFFFFF  }
0xa5: {  	s26 =	simm.s32 $execute0_lowered;
	[smem:$0x3FD2] =	sst s25  }
0xa6: {  	s5 =	sshll.u32 s26, $0x1;
	_ =	strace $0x80000049;
	[dreg:$0x1] =	wrdreg $0xFFFFFFFF  }
0xa7: {  	s28 =	simm.s32 $_size_execute0_lowered;
	s3 =	sadd.s32 s3, s5;
	[dreg:$0x0] =	wrdreg $0x0  }
0xa8: {  	s5 =	sshll.u32 s28, $0x1;
	[dreg:$0x2] =	wrdreg s3  }
0xa9: {  	[dreg:$0x3] =	wrdreg s5  }
0xaa: {  	[dreg:$0x4] =	wrdreg $0xC0  }
0xab: {  	_ =	task [dreg:s7], $0x5FFFF  }
0xac: {  	[dreg:$0x1] =	wrdreg $0xFFFFFFFF  }
0xad: {  	[dreg:$0x0] =	wrdreg $0x60  }
0xae: {  	[dreg:$0x2] =	wrdreg s2  }
0xaf: {  	[dreg:$0x3] =	wrdreg s24  }
0xb0: {  	[dreg:$0x4] =	wrdreg $0x120000  }
0xb1: {  	[dreg:$0x5] =	wrdreg $0x9  }
0xb2: {  	_ =	task.clear_ibuf [dreg:s7], $0x6FFFF;
	_ =	strace $0x90000049  }
0xb3: {  	s29 =	simm.s32 $0x9;
	_ =	strace $0x8000004B  }
0xb4: {  	_ =	swait.ge [sflag:s29], $0x1  }
0xb5: {  	[sflag:s29] =	ssyncadd.s32 $0xFFFFFFFF  }
0xb6: {  	_ =	strace $0x9000004B  }
0xb7: {  	_ =	sfence  }
0xb8: {  	s30 =	sld [smem:$0x0];
	_ =	sdelay $0x2  }
0xb9: {  	s31 =	sshll.u32 s1, $0xD;
	s1 =	sshrl.u32 s1, $0x2  }
0xba: {  	s3 =	sand.u32 $0x4000, s31;
	s1 =	sadd.s32 s1, s30  }
0xbb: {  	s0 =	sor.u32 s3, s0;
	s1 =	sshll.u32 s1, $0x11  }
0xbc: {  	s0 =	sor.u32 s1, s0  }
0xbd: {  	s0 =	sadd.s32 $0x8F2B, s0  }
0xbe: {  	[sflag:s0] =	ssyncadd.remote.s32 $0x1  }
0xbf: {  	_ =	sfence.sel $0xFFFF  }
0xc0: {  	[dreg:$0x0] =	wrdreg $0xFFFFFFFF;
	(pc) =	sbr.abs _section_cstart, $3  }
0xc1: {  	[dreg:$0x1] =	wrdreg $0xFFFFFFFF  }
0xc2: {  	_ =	task.clear_ibuf [dreg:s7], $0x2FFFF;
	_ =	strace $0x9FFFFFFF  }
0xc3: {  	(tm) =	ssettm $0x7FFFFFFF  }
tec
execute0_lowered:
.L_overlay_start_1:
0x0: {  	(tag) =	ssettag $0x1  }
0x1: {  	s2 =	rddreg [dreg:$0x0]  }
0x2: {  	s0 =	rddreg [dreg:$0x1]  }
0x3: {  	s3 =	rddreg [dreg:$0x2]  }
0x4: {  	s4 =	stileid.u32;
	s5 =	srdreg.scid;
	s7 =	simm.s32 $0x0  }
0x5: {  	s15 =	simm.s32 $0x9;
	s16 =	simm.s32 $0x5000;
	s17 =	simm.s32 $0xA000  }
0x6: {  	s18 =	simm.s32 $0x80;
	s19 =	simm.s32 $0xC000;
	s20 =	simm.s32 $0x1  }
0x7: {  	s22 =	simm.s32 $0xE000;
	s23 =	simm.s32 $0x2;
	s28 =	simm.s32 $0x3  }
0x8: {  	s29 =	simm.s32 $0x5;
	s30 =	simm.s32 $0x4;
	s1 =	smul.u32 $0xA00, s4  }
0x9: {  	s31 =	simm.s32 $0x6;
	s21 =	simm.s32 $0x8;
	s6 =	smul.u32 $0x1400, s4  }
0xa: {  	s13 =	sand.u32 $0x1, s5;
	[smem:$0x7FF] =	sst s7;
	s8 =	smul.u32 $0x28000, s4  }
0xb: {  	s5 =	sadd.s32 $0x64600, s0;
	s25 =	smul.u32 $0x14000, s13;
	_ =	strace $0x8000004A  }
0xc: {  	s9 =	ssub.s32 $0x2, s13;
	p0 =	seq.s32 s13, $0x1;
	s1 =	sadd.s32 s1, s0  }
0xd: {  	s26 =	sshrl.u32 s9, $0x1;
	s8 =	sshrl.u32 s8, $0x2;
	s6 =	sadd.s32 s6, s25  }
.Ltmp0:
0xe: {  	s14 =	ssub.s32 s9, s26;
	s7 =	sadd.s32 $0xC200, s1;
	(pc) =	sbr.rel .LBB2_1-.Ltmp0, $4  }
0xf: {  	s26 =	simm.s32 $0x10000;
	s0 =	sadd.s32 s6, s0;
	s6 =	sadd.s32 s8, s3  }
0x10: {  	s8 =	sadd.s32 $0x2200, s1;
	s14 =	smax.u32 s14, $0x1;
	s1 =	simm.s32 $0x0  }
0x11: {  	s9 =	sadd.s32 $0x2000, s6;
	s10 =	sadd.s32 $0x4000, s6;
	s11 =	sadd.s32 $0x6000, s6  }
0x12: {  	v0 =	vimm.f32 $0.0e+00;
	s12 =	sadd.s32 $0x8000, s6;
	s13 =	sadd.s32 $0x78000, s0;
	s0 =	simm.s32 $0x7  }
.LBB2_6:
0x13: {  	[tilespmem:s26], [sflag:$0x4] =	stream.indirect.gather [hbm4b:s2+s18], $0x40, s25, s18, $0xb8;
	[tilespmem:$0x1C000] =	vst v63  }
.LBB2_10:
0x14: {  	_ =	swait.ge [sflag:s28], $0x2000  }
0x15: {  	[sflag:s28] =	ssyncset.done $0x0  }
0x16: {  	s4 =	simm.s32 $0x9F00;
	[sflag:s28] =	ssyncadd.s32 $0xFFFFE000  }
0x17: {  	[spmem:s3] =	stream.indirect.scatter.add.f32 [tilespmem:s22], [sflag:$0x7], $0x40, s4, s18, $0xb8;
	[tilespmem:$0x1C000] =	vst v63  }
0x18: {  	_ =	swait.ge [sflag:s30], $0x2000  }
0x19: {  	[sflag:s30] =	ssyncset.done $0x0  }
0x1a: {  	s24 =	simm.s32 $0x9F80;
	[sflag:s30] =	ssyncadd.s32 $0xFFFFE000  }
0x1b: {  	[spmem:s3] =	stream.indirect.scatter.add.f32 [tilespmem:s26], [sflag:$0x8], $0x40, s24, s18, $0xb8;
	[tilespmem:$0x1C000] =	vst v63  }
0x1c: {  	_ =	swait.ge [sflag:s29], $0x2000  }
0x1d: {  	[sflag:s29] =	ssyncset.done $0x0  }
0x1e: {  	[sflag:s29] =	ssyncadd.s32 $0xFFFFE000  }
0x1f: {  	_ =	swait.ge [sflag:s31], $0x2000  }
0x20: {  	[sflag:s31] =	ssyncset.done $0x0  }
0x21: {  	[sflag:s31] =	ssyncadd.s32 $0xFFFFE000  }
0x22: {  	_ =	swait.ge [sflag:s0], $0x2000  }
0x23: {  	[sflag:s0] =	ssyncset.done $0x0  }
0x24: {  	[sflag:s0] =	ssyncadd.s32 $0xFFFFE000  }
0x25: {  	s25 =	stileid.u32;
	_ =	swait.ge [sflag:s21], $0x2000  }
0x26: {  	s1 =	sadd.s32 $0x1, s1;
	s4 =	sshll.u32 s25, $0x6;
	[sflag:s21] =	ssyncset.done $0x0  }
0x27: {  	p1 =	sne.s32 s1, s14;
	s4 =	sor.u32 $0x1C09, s4;
	[sflag:s21] =	ssyncadd.s32 $0xFFFFE000  }
.Ltmp1:
0x28: {  	s24 =	sshrl.u32 s6, $0x3;
	[bflag:$0x0] =	sbarrier.arrive $0xFFFF;
	(pc) =	sbr.rel @!p1 .LBB2_11-.Ltmp1, $4  }
0x29: {  	[hbm:s13], [sflag:s4] =	dma.local [spmem:s24], $0x1400  }
0x2a: {  	_ =	swait.ge [sflag:s15], $0x1400  }
0x2b: {  	[sflag:s15] =	ssyncset.done $0x0  }
0x2c: {  	[sflag:s15] =	ssyncadd.s32 $0xFFFFEC00  }
.LBB2_1:
0x2d: {  	s4 =	simm.s32 $0x0  }
0x2e: {  	[tilespmem:s4], [sflag:$0x9] =	stream.linear.gather [hbm4b:s7+s4], $0x5000, $0x38;
	[tilespmem:$0x1C000] =	vst v63  }
0x2f: {  	_ =	swait.ge [sflag:s15], $0x5000  }
0x30: {  	[sflag:s15] =	ssyncset.done $0x0  }
0x31: {  	[sflag:s15] =	ssyncadd.s32 $0xFFFFB000  }
0x32: {  	[tilespmem:s16], [sflag:$0x9] =	stream.linear.gather [hbm4b:s8+s4], $0x5000, $0x38;
	[tilespmem:$0x1C000] =	vst v63  }
0x33: {  	_ =	swait.ge [sflag:s15], $0x5000  }
0x34: {  	[sflag:s15] =	ssyncset.done $0x0  }
0x35: {  	s25 =	simm.s32 $0x100;
	s24 =	simm.s32 $0x0;
	[sflag:s15] =	ssyncadd.s32 $0xFFFFB000  }
.LBB2_2:
0x36: {  	p1 =	sne.s32 s25, $0x7F00;
	[tilespmem:s24+$0xA030] =	vst v0;
	s4 =	smov.u32 s25;
	s25 =	sadd.s32 $0x100, s25  }
.Ltmp2:
0x37: {  	[tilespmem:s24+$0xA020] =	vst v0;
	(pc) =	sbr.rel @p1 .LBB2_2-.Ltmp2, $3  }
0x38: {  	[tilespmem:s24+$0xA000] =	vst v0  }
0x39: {  	[tilespmem:s24+$0xA010] =	vst v0;
	_ =	sdelay $0x1  }
0x3a: {  	s24 =	sshra.s32 s4, $0x2  }
0x3b: {  	[tilespmem:s24+$0xA030] =	vst v0  }
0x3c: {  	[tilespmem:s24+$0xA020] =	vst v0  }
0x3d: {  	[tilespmem:s24+$0xA000] =	vst v0  }
0x3e: {  	[tilespmem:s24+$0xA010] =	vst v0  }
0x3f: {  	[spmem:s6] =	stream.linear.scatter [tilespmem:s17], [sflag:$0x9], $0x2000, $0x38;
	[tilespmem:$0x1C000] =	vst v63  }
0x40: {  	_ =	swait.ge [sflag:s15], $0x2000  }
0x41: {  	[sflag:s15] =	ssyncset.done $0x0  }
0x42: {  	[sflag:s15] =	ssyncadd.s32 $0xFFFFE000  }
0x43: {  	[spmem:s9] =	stream.linear.scatter [tilespmem:s17], [sflag:$0x9], $0x2000, $0x38;
	[tilespmem:$0x1C000] =	vst v63  }
0x44: {  	_ =	swait.ge [sflag:s15], $0x2000  }
0x45: {  	[sflag:s15] =	ssyncset.done $0x0  }
0x46: {  	[sflag:s15] =	ssyncadd.s32 $0xFFFFE000  }
0x47: {  	[spmem:s10] =	stream.linear.scatter [tilespmem:s17], [sflag:$0x9], $0x2000, $0x38;
	[tilespmem:$0x1C000] =	vst v63  }
0x48: {  	_ =	swait.ge [sflag:s15], $0x2000  }
0x49: {  	[sflag:s15] =	ssyncset.done $0x0  }
0x4a: {  	[sflag:s15] =	ssyncadd.s32 $0xFFFFE000  }
0x4b: {  	[spmem:s11] =	stream.linear.scatter [tilespmem:s17], [sflag:$0x9], $0x2000, $0x38;
	[tilespmem:$0x1C000] =	vst v63  }
0x4c: {  	_ =	swait.ge [sflag:s15], $0x2000  }
0x4d: {  	[sflag:s15] =	ssyncset.done $0x0  }
0x4e: {  	[sflag:s15] =	ssyncadd.s32 $0xFFFFE000  }
0x4f: {  	[spmem:s12] =	stream.linear.scatter [tilespmem:s17], [sflag:$0x9], $0x2000, $0x38;
	[tilespmem:$0x1C000] =	vst v63  }
.Ltmp3:
0x50: {  	_ =	swait.ge [sflag:s15], $0x2000;
	(pc) =	sbr.rel @!p0 .LBB2_4-.Ltmp3, $4  }
0x51: {  	[sflag:s15] =	ssyncset.done $0x0  }
0x52: {  	[sflag:s15] =	ssyncadd.s32 $0xFFFFE000  }
0x53: {  	[bflag:$0x0] =	sbarrier.arrive $0xFFFF  }
0x54: {  	s4 =	simm.s32 $0x0  }
0x55: {  	[tilespmem:s17], [sflag:$0x1] =	stream.indirect.gather [hbm4b:s5+s18], $0x40, s4, s18, $0xb8;
	[tilespmem:$0x1C000] =	vst v63  }
0x56: {  	_ = 	snop  }
0x57: {  	[tilespmem:s19], [sflag:$0x2] =	stream.indirect.gather [hbm4b:s5+s18], $0x40, s18, s18, $0xb8;
	[tilespmem:$0x1C000] =	vst v63  }
0x58: {  	_ =	swait.ge [sflag:s20], $0x2000  }
0x59: {  	[sflag:s20] =	ssyncset.done $0x0  }
0x5a: {  	[sflag:s20] =	ssyncadd.s32 $0xFFFFE000  }
0x5b: {  	[spmem:s3] =	stream.indirect.scatter.add.f32 [tilespmem:s17], [sflag:$0x5], $0x40, s16, s18, $0xb8;
	[tilespmem:$0x1C000] =	vst v63  }
0x5c: {  	s24 =	simm.s32 $0x100  }
0x5d: {  	[tilespmem:s22], [sflag:$0x3] =	stream.indirect.gather [hbm4b:s5+s18], $0x40, s24, s18, $0xb8;
	[tilespmem:$0x1C000] =	vst v63  }
0x5e: {  	_ =	swait.ge [sflag:s23], $0x2000  }
0x5f: {  	[sflag:s23] =	ssyncset.done $0x0  }
0x60: {  	s25 =	simm.s32 $0x5080;
	[sflag:s23] =	ssyncadd.s32 $0xFFFFE000  }
0x61: {  	[spmem:s3] =	stream.indirect.scatter.add.f32 [tilespmem:s19], [sflag:$0x6], $0x40, s25, s18, $0xb8;
	[tilespmem:$0x1C000] =	vst v63  }
0x62: {  	s24 =	simm.s32 $0x180  }
0x63: {  	[tilespmem:s26], [sflag:$0x4] =	stream.indirect.gather [hbm4b:s5+s18], $0x40, s24, s18, $0xb8;
	[tilespmem:$0x1C000] =	vst v63  }
0x64: {  	_ =	swait.ge [sflag:s28], $0x2000  }
0x65: {  	[sflag:s28] =	ssyncset.done $0x0  }
0x66: {  	s25 =	simm.s32 $0x5100;
	[sflag:s28] =	ssyncadd.s32 $0xFFFFE000  }
0x67: {  	[spmem:s3] =	stream.indirect.scatter.add.f32 [tilespmem:s22], [sflag:$0x7], $0x40, s25, s18, $0xb8;
	[tilespmem:$0x1C000] =	vst v63  }
0x68: {  	_ =	swait.ge [sflag:s29], $0x2000  }
0x69: {  	[sflag:s29] =	ssyncset.done $0x0  }
0x6a: {  	s24 =	simm.s32 $0x200;
	[sflag:s29] =	ssyncadd.s32 $0xFFFFE000  }
0x6b: {  	[tilespmem:s17], [sflag:$0x1] =	stream.indirect.gather [hbm4b:s5+s18], $0x40, s24, s18, $0xb8;
	[tilespmem:$0x1C000] =	vst v63  }
0x6c: {  	_ =	swait.ge [sflag:s30], $0x2000  }
0x6d: {  	[sflag:s30] =	ssyncset.done $0x0  }
0x6e: {  	s25 =	simm.s32 $0x5180;
	[sflag:s30] =	ssyncadd.s32 $0xFFFFE000  }
0x6f: {  	[spmem:s3] =	stream.indirect.scatter.add.f32 [tilespmem:s26], [sflag:$0x8], $0x40, s25, s18, $0xb8;
	[tilespmem:$0x1C000] =	vst v63  }
0x70: {  	_ =	swait.ge [sflag:s31], $0x2000  }
0x71: {  	[sflag:s31] =	ssyncset.done $0x0  }
0x72: {  	s24 =	simm.s32 $0x280;
	[sflag:s31] =	ssyncadd.s32 $0xFFFFE000  }
0x73: {  	[tilespmem:s19], [sflag:$0x2] =	stream.indirect.gather [hbm4b:s5+s18], $0x40, s24, s18, $0xb8;
	[tilespmem:$0x1C000] =	vst v63  }
0x74: {  	_ =	swait.ge [sflag:s20], $0x2000  }
0x75: {  	[sflag:s20] =	ssyncset.done $0x0  }
0x76: {  	s25 =	simm.s32 $0x5200;
	[sflag:s20] =	ssyncadd.s32 $0xFFFFE000  }
0x77: {  	[spmem:s3] =	stream.indirect.scatter.add.f32 [tilespmem:s17], [sflag:$0x5], $0x40, s25, s18, $0xb8;
	[tilespmem:$0x1C000] =	vst v63  }
0x78: {  	_ =	swait.ge [sflag:s0], $0x2000  }
0x79: {  	[sflag:s0] =	ssyncset.done $0x0  }
0x7a: {  	s24 =	simm.s32 $0x300;
	[sflag:s0] =	ssyncadd.s32 $0xFFFFE000  }
0x7b: {  	[tilespmem:s22], [sflag:$0x3] =	stream.indirect.gather [hbm4b:s5+s18], $0x40, s24, s18, $0xb8;
	[tilespmem:$0x1C000] =	vst v63  }
0x7c: {  	_ =	swait.ge [sflag:s23], $0x2000  }
0x7d: {  	[sflag:s23] =	ssyncset.done $0x0  }
0x7e: {  	s25 =	simm.s32 $0x5280;
	[sflag:s23] =	ssyncadd.s32 $0xFFFFE000  }
0x7f: {  	[spmem:s3] =	stream.indirect.scatter.add.f32 [tilespmem:s19], [sflag:$0x6], $0x40, s25, s18, $0xb8;
	[tilespmem:$0x1C000] =	vst v63  }
0x80: {  	_ =	swait.ge [sflag:s21], $0x2000  }
0x81: {  	[sflag:s21] =	ssyncset.done $0x0  }
0x82: {  	s24 =	simm.s32 $0x800;
	s25 =	simm.s32 $0x380;
	[sflag:s21] =	ssyncadd.s32 $0xFFFFE000  }
.LBB2_8:
0x83: {  	[tilespmem:s26], [sflag:$0x4] =	stream.indirect.gather [hbm4b:s5+s18], $0x40, s25, s18, $0xb8;
	[tilespmem:$0x1C000] =	vst v63  }
0x84: {  	s4 =	smov.u32 s24  }
0x85: {  	p1 =	sne.s32 s24, $0x13000;
	s24 =	sadd.s32 $0x800, s24;
	_ =	swait.ge [sflag:s28], $0x2000  }
0x86: {  	s25 =	sshra.s32 s4, $0x2;
	[sflag:s28] =	ssyncset.done $0x0  }
0x87: {  	s4 =	sadd.s32 $0x5100, s25;
	[sflag:s28] =	ssyncadd.s32 $0xFFFFE000  }
0x88: {  	[spmem:s3] =	stream.indirect.scatter.add.f32 [tilespmem:s22], [sflag:$0x7], $0x40, s4, s18, $0xb8;
	[tilespmem:$0x1C000] =	vst v63  }
0x89: {  	_ =	swait.ge [sflag:s29], $0x2000  }
0x8a: {  	[sflag:s29] =	ssyncset.done $0x0  }
0x8b: {  	s4 =	sadd.s32 $0x200, s25;
	[sflag:s29] =	ssyncadd.s32 $0xFFFFE000  }
0x8c: {  	[tilespmem:s17], [sflag:$0x1] =	stream.indirect.gather [hbm4b:s5+s18], $0x40, s4, s18, $0xb8;
	[tilespmem:$0x1C000] =	vst v63  }
0x8d: {  	_ =	swait.ge [sflag:s30], $0x2000  }
0x8e: {  	[sflag:s30] =	ssyncset.done $0x0  }
0x8f: {  	s4 =	sadd.s32 $0x5180, s25;
	[sflag:s30] =	ssyncadd.s32 $0xFFFFE000  }
0x90: {  	[spmem:s3] =	stream.indirect.scatter.add.f32 [tilespmem:s26], [sflag:$0x8], $0x40, s4, s18, $0xb8;
	[tilespmem:$0x1C000] =	vst v63  }
0x91: {  	_ =	swait.ge [sflag:s31], $0x2000  }
0x92: {  	[sflag:s31] =	ssyncset.done $0x0  }
0x93: {  	s4 =	sadd.s32 $0x280, s25;
	[sflag:s31] =	ssyncadd.s32 $0xFFFFE000  }
0x94: {  	[tilespmem:s19], [sflag:$0x2] =	stream.indirect.gather [hbm4b:s5+s18], $0x40, s4, s18, $0xb8;
	[tilespmem:$0x1C000] =	vst v63  }
0x95: {  	_ =	swait.ge [sflag:s20], $0x2000  }
0x96: {  	[sflag:s20] =	ssyncset.done $0x0  }
0x97: {  	s4 =	sadd.s32 $0x5200, s25;
	[sflag:s20] =	ssyncadd.s32 $0xFFFFE000  }
0x98: {  	[spmem:s3] =	stream.indirect.scatter.add.f32 [tilespmem:s17], [sflag:$0x5], $0x40, s4, s18, $0xb8;
	[tilespmem:$0x1C000] =	vst v63  }
0x99: {  	_ =	swait.ge [sflag:s0], $0x2000  }
0x9a: {  	[sflag:s0] =	ssyncset.done $0x0  }
0x9b: {  	s4 =	sadd.s32 $0x300, s25;
	[sflag:s0] =	ssyncadd.s32 $0xFFFFE000  }
0x9c: {  	[tilespmem:s22], [sflag:$0x3] =	stream.indirect.gather [hbm4b:s5+s18], $0x40, s4, s18, $0xb8;
	[tilespmem:$0x1C000] =	vst v63  }
0x9d: {  	_ =	swait.ge [sflag:s23], $0x2000  }
0x9e: {  	[sflag:s23] =	ssyncset.done $0x0  }
.Ltmp4:
0x9f: {  	s4 =	sadd.s32 $0x5280, s25;
	[sflag:s23] =	ssyncadd.s32 $0xFFFFE000;
	(pc) =	sbr.rel @p1 .LBB2_8-.Ltmp4, $4  }
0xa0: {  	[spmem:s3] =	stream.indirect.scatter.add.f32 [tilespmem:s19], [sflag:$0x6], $0x40, s4, s18, $0xb8;
	[tilespmem:$0x1C000] =	vst v63  }
0xa1: {  	_ =	swait.ge [sflag:s21], $0x2000  }
0xa2: {  	[sflag:s21] =	ssyncset.done $0x0  }
0xa3: {  	s25 =	sadd.s32 $0x380, s25;
	[sflag:s21] =	ssyncadd.s32 $0xFFFFE000  }
.Ltmp5:
0xa4: {  	(pc) =	sbr.rel .LBB2_10-.Ltmp5, $2  }
0xa5: {  	_ =	sdelay $0x2  }
0xa6: {  	[tilespmem:s26], [sflag:$0x4] =	stream.indirect.gather [hbm4b:s5+s18], $0x40, s25, s18, $0xb8;
	[tilespmem:$0x1C000] =	vst v63  }
.LBB2_4:
0xa7: {  	[tilespmem:s17], [sflag:$0x1] =	stream.indirect.gather [hbm4b:s2+s18], $0x40, s4, s18, $0xb8;
	[tilespmem:$0x1C000] =	vst v63  }
0xa8: {  	_ = 	snop  }
0xa9: {  	[tilespmem:s19], [sflag:$0x2] =	stream.indirect.gather [hbm4b:s2+s18], $0x40, s18, s18, $0xb8;
	[tilespmem:$0x1C000] =	vst v63  }
0xaa: {  	_ =	swait.ge [sflag:s20], $0x2000  }
0xab: {  	[sflag:s20] =	ssyncset.done $0x0  }
0xac: {  	[sflag:s20] =	ssyncadd.s32 $0xFFFFE000  }
0xad: {  	[spmem:s3] =	stream.indirect.scatter.add.f32 [tilespmem:s17], [sflag:$0x5], $0x40, s16, s18, $0xb8;
	[tilespmem:$0x1C000] =	vst v63  }
0xae: {  	s24 =	simm.s32 $0x100  }
0xaf: {  	[tilespmem:s22], [sflag:$0x3] =	stream.indirect.gather [hbm4b:s2+s18], $0x40, s24, s18, $0xb8;
	[tilespmem:$0x1C000] =	vst v63  }
0xb0: {  	_ =	swait.ge [sflag:s23], $0x2000  }
0xb1: {  	[sflag:s23] =	ssyncset.done $0x0  }
0xb2: {  	s25 =	simm.s32 $0x5080;
	[sflag:s23] =	ssyncadd.s32 $0xFFFFE000  }
0xb3: {  	[spmem:s3] =	stream.indirect.scatter.add.f32 [tilespmem:s19], [sflag:$0x6], $0x40, s25, s18, $0xb8;
	[tilespmem:$0x1C000] =	vst v63  }
0xb4: {  	s24 =	simm.s32 $0x180  }
0xb5: {  	[tilespmem:s26], [sflag:$0x4] =	stream.indirect.gather [hbm4b:s2+s18], $0x40, s24, s18, $0xb8;
	[tilespmem:$0x1C000] =	vst v63  }
0xb6: {  	_ =	swait.ge [sflag:s28], $0x2000  }
0xb7: {  	[sflag:s28] =	ssyncset.done $0x0  }
0xb8: {  	s25 =	simm.s32 $0x5100;
	[sflag:s28] =	ssyncadd.s32 $0xFFFFE000  }
0xb9: {  	[spmem:s3] =	stream.indirect.scatter.add.f32 [tilespmem:s22], [sflag:$0x7], $0x40, s25, s18, $0xb8;
	[tilespmem:$0x1C000] =	vst v63  }
0xba: {  	_ =	swait.ge [sflag:s29], $0x2000  }
0xbb: {  	[sflag:s29] =	ssyncset.done $0x0  }
0xbc: {  	s24 =	simm.s32 $0x200;
	[sflag:s29] =	ssyncadd.s32 $0xFFFFE000  }
0xbd: {  	[tilespmem:s17], [sflag:$0x1] =	stream.indirect.gather [hbm4b:s2+s18], $0x40, s24, s18, $0xb8;
	[tilespmem:$0x1C000] =	vst v63  }
0xbe: {  	_ =	swait.ge [sflag:s30], $0x2000  }
0xbf: {  	[sflag:s30] =	ssyncset.done $0x0  }
0xc0: {  	s25 =	simm.s32 $0x5180;
	[sflag:s30] =	ssyncadd.s32 $0xFFFFE000  }
0xc1: {  	[spmem:s3] =	stream.indirect.scatter.add.f32 [tilespmem:s26], [sflag:$0x8], $0x40, s25, s18, $0xb8;
	[tilespmem:$0x1C000] =	vst v63  }
0xc2: {  	_ =	swait.ge [sflag:s31], $0x2000  }
0xc3: {  	[sflag:s31] =	ssyncset.done $0x0  }
0xc4: {  	s24 =	simm.s32 $0x280;
	[sflag:s31] =	ssyncadd.s32 $0xFFFFE000  }
0xc5: {  	[tilespmem:s19], [sflag:$0x2] =	stream.indirect.gather [hbm4b:s2+s18], $0x40, s24, s18, $0xb8;
	[tilespmem:$0x1C000] =	vst v63  }
0xc6: {  	_ =	swait.ge [sflag:s20], $0x2000  }
0xc7: {  	[sflag:s20] =	ssyncset.done $0x0  }
0xc8: {  	s25 =	simm.s32 $0x5200;
	[sflag:s20] =	ssyncadd.s32 $0xFFFFE000  }
0xc9: {  	[spmem:s3] =	stream.indirect.scatter.add.f32 [tilespmem:s17], [sflag:$0x5], $0x40, s25, s18, $0xb8;
	[tilespmem:$0x1C000] =	vst v63  }
0xca: {  	_ =	swait.ge [sflag:s0], $0x2000  }
0xcb: {  	[sflag:s0] =	ssyncset.done $0x0  }
0xcc: {  	s24 =	simm.s32 $0x300;
	[sflag:s0] =	ssyncadd.s32 $0xFFFFE000  }
0xcd: {  	[tilespmem:s22], [sflag:$0x3] =	stream.indirect.gather [hbm4b:s2+s18], $0x40, s24, s18, $0xb8;
	[tilespmem:$0x1C000] =	vst v63  }
0xce: {  	_ =	swait.ge [sflag:s23], $0x2000  }
0xcf: {  	[sflag:s23] =	ssyncset.done $0x0  }
0xd0: {  	s25 =	simm.s32 $0x5280;
	[sflag:s23] =	ssyncadd.s32 $0xFFFFE000  }
0xd1: {  	[spmem:s3] =	stream.indirect.scatter.add.f32 [tilespmem:s19], [sflag:$0x6], $0x40, s25, s18, $0xb8;
	[tilespmem:$0x1C000] =	vst v63  }
0xd2: {  	_ =	swait.ge [sflag:s21], $0x2000  }
0xd3: {  	[sflag:s21] =	ssyncset.done $0x0  }
0xd4: {  	s24 =	simm.s32 $0x800;
	s25 =	simm.s32 $0x380;
	[sflag:s21] =	ssyncadd.s32 $0xFFFFE000  }
.LBB2_5:
0xd5: {  	[tilespmem:s26], [sflag:$0x4] =	stream.indirect.gather [hbm4b:s2+s18], $0x40, s25, s18, $0xb8;
	[tilespmem:$0x1C000] =	vst v63  }
0xd6: {  	s4 =	smov.u32 s24  }
0xd7: {  	p1 =	seq.s32 s24, $0x13000;
	s24 =	sadd.s32 $0x800, s24;
	_ =	swait.ge [sflag:s28], $0x2000  }
0xd8: {  	s25 =	sshra.s32 s4, $0x2;
	[sflag:s28] =	ssyncset.done $0x0  }
0xd9: {  	s4 =	sadd.s32 $0x5100, s25;
	[sflag:s28] =	ssyncadd.s32 $0xFFFFE000  }
0xda: {  	[spmem:s3] =	stream.indirect.scatter.add.f32 [tilespmem:s22], [sflag:$0x7], $0x40, s4, s18, $0xb8;
	[tilespmem:$0x1C000] =	vst v63  }
0xdb: {  	_ =	swait.ge [sflag:s29], $0x2000  }
0xdc: {  	[sflag:s29] =	ssyncset.done $0x0  }
0xdd: {  	s4 =	sadd.s32 $0x200, s25;
	[sflag:s29] =	ssyncadd.s32 $0xFFFFE000  }
0xde: {  	[tilespmem:s17], [sflag:$0x1] =	stream.indirect.gather [hbm4b:s2+s18], $0x40, s4, s18, $0xb8;
	[tilespmem:$0x1C000] =	vst v63  }
0xdf: {  	_ =	swait.ge [sflag:s30], $0x2000  }
0xe0: {  	[sflag:s30] =	ssyncset.done $0x0  }
0xe1: {  	s4 =	sadd.s32 $0x5180, s25;
	[sflag:s30] =	ssyncadd.s32 $0xFFFFE000  }
0xe2: {  	[spmem:s3] =	stream.indirect.scatter.add.f32 [tilespmem:s26], [sflag:$0x8], $0x40, s4, s18, $0xb8;
	[tilespmem:$0x1C000] =	vst v63  }
0xe3: {  	_ =	swait.ge [sflag:s31], $0x2000  }
0xe4: {  	[sflag:s31] =	ssyncset.done $0x0  }
0xe5: {  	s4 =	sadd.s32 $0x280, s25;
	[sflag:s31] =	ssyncadd.s32 $0xFFFFE000  }
0xe6: {  	[tilespmem:s19], [sflag:$0x2] =	stream.indirect.gather [hbm4b:s2+s18], $0x40, s4, s18, $0xb8;
	[tilespmem:$0x1C000] =	vst v63  }
0xe7: {  	_ =	swait.ge [sflag:s20], $0x2000  }
0xe8: {  	[sflag:s20] =	ssyncset.done $0x0  }
0xe9: {  	s4 =	sadd.s32 $0x5200, s25;
	[sflag:s20] =	ssyncadd.s32 $0xFFFFE000  }
0xea: {  	[spmem:s3] =	stream.indirect.scatter.add.f32 [tilespmem:s17], [sflag:$0x5], $0x40, s4, s18, $0xb8;
	[tilespmem:$0x1C000] =	vst v63  }
0xeb: {  	_ =	swait.ge [sflag:s0], $0x2000  }
0xec: {  	[sflag:s0] =	ssyncset.done $0x0  }
0xed: {  	s4 =	sadd.s32 $0x300, s25;
	[sflag:s0] =	ssyncadd.s32 $0xFFFFE000  }
0xee: {  	[tilespmem:s22], [sflag:$0x3] =	stream.indirect.gather [hbm4b:s2+s18], $0x40, s4, s18, $0xb8;
	[tilespmem:$0x1C000] =	vst v63  }
0xef: {  	_ =	swait.ge [sflag:s23], $0x2000  }
0xf0: {  	[sflag:s23] =	ssyncset.done $0x0  }
.Ltmp6:
0xf1: {  	s4 =	sadd.s32 $0x5280, s25;
	[sflag:s23] =	ssyncadd.s32 $0xFFFFE000;
	(pc) =	sbr.rel @!p1 .LBB2_5-.Ltmp6, $4  }
0xf2: {  	[spmem:s3] =	stream.indirect.scatter.add.f32 [tilespmem:s19], [sflag:$0x6], $0x40, s4, s18, $0xb8;
	[tilespmem:$0x1C000] =	vst v63  }
0xf3: {  	_ =	swait.ge [sflag:s21], $0x2000  }
0xf4: {  	[sflag:s21] =	ssyncset.done $0x0  }
0xf5: {  	s25 =	sadd.s32 $0x380, s25;
	[sflag:s21] =	ssyncadd.s32 $0xFFFFE000  }
.Ltmp7:
0xf6: {  	_ = 	snop;
	(pc) =	sbr.rel .LBB2_6-.Ltmp7, $1  }
0xf7: {  	_ =	sdelay $0x3  }
.LBB2_11:
0xf8: {  	_ =	sfence.sel $0x180000  }
0xf9: {  	[bflag:$0x0] =	sbarrier.arrive $0xFFFF  }
0xfa: {  	_ =	strace $0x9000004A  }
0xfb: {  	s0 =	stileid.u32;
	[bflag:$0x2] =	sbarrier.arrive $0xFFFF  }
0xfc: {  	p0 =	sne.s32 s0, $0x0;
	s0 =	rddreg [dreg:$0x3]  }
0xfd: {  	s0 =	sadd.s32 @!p0 $0x100000, s0  }
0xfe: {  	[sflag:s0] =	ssyncadd.tile.s32 @!p0 $0x1;
	_ =	shalt  }
.Lfunc_end2:
_tile_overlayer_lowered:
.L_overlay_start_2:
0xff: {  	(tag) =	ssettag $0x2  }
0x100: {  	s0 =	rddreg [dreg:$0x0];
	s2 =	stileid.u32  }
0x101: {  	s1 =	rddreg [dreg:$0x1];
	p0 =	sne.s32 s2, $0x0  }
0x102: {  	s3 =	rddreg [dreg:$0x2];
	[bflag:$0x3] =	sbarrier.arrive $0xFFFF;
	s2 =	simm.s32 @!p0 $0x1C09  }
0x103: {  	[timem:s3], [sflag:s2] =	dma.local @!p0 [hbm:s0], s1  }
0x104: {  	s0 =	simm.s32 @!p0 $0x9  }
0x105: {  	_ =	swait.ge @!p0 [sflag:s0], s1  }
0x106: {  	s1 =	ssub.s32 @!p0 $0x0, s1;
	[sflag:s0] =	ssyncset.done @!p0 $0x0  }
0x107: {  	[sflag:s0] =	ssyncadd.s32 @!p0 s1  }
0x108: {  	[bflag:$0x3] =	sbarrier.arrive $0xFFFF  }
0x109: {  	_ =	shalt  }

// kernel: kernel.15.cloned.1.call-start
scs
__scs_entry_jumppad:
0x0: {  	(pc) =	sbr.rel $0x88, $3  }
0x1: {  	(tag) =	ssettag $0x0;
	lr =	simm.s32 $0x1  }
0x2: {  	[smem:$0x3F9B] =	sst lr;
	_ =	strace $0xD0000000  }
0x3: {  	_ = 	snop  }
0x4: {  	_ = 	snop  }
0x5: {  	_ = 	snop  }
0x6: {  	_ = 	snop  }
0x7: {  	_ = 	snop  }
__scs_overlays_trampoline_lowered:
0x8: {  	[smem:$0x3FAA] =	sst s0  }
0x9: {  	[smem:$0x3FAB] =	sst s1  }
0xa: {  	[smem:$0x3FAC] =	sst s2  }
0xb: {  	[smem:$0x3FAD] =	sst s3  }
0xc: {  	[smem:$0x3FAE] =	sst s4  }
0xd: {  	[smem:$0x3FAF] =	sst s5  }
0xe: {  	[smem:$0x3FB0] =	sst s6  }
0xf: {  	[smem:$0x3FB1] =	sst s7  }
0x10: {  	[smem:$0x3FB2] =	sst s8  }
0x11: {  	[smem:$0x3FB3] =	sst s9;
	s0 =	simm.s32 @!p0 $0x0  }
0x12: {  	s1 =	sld [smem:$0x3F99];
	s0 =	simm.s32 @p0 $0x1  }
0x13: {  	[smem:$0x3FB4] =	sst s0;
	s0 =	simm.s32 @!p1 $0x0  }
0x14: {  	s2 =	sld [smem:$0x3F98];
	s0 =	simm.s32 @p1 $0x1  }
0x15: {  	[smem:$0x3FB5] =	sst s0;
	s0 =	simm.s32 @!p2 $0x0  }
0x16: {  	s3 =	sld [smem:$0x3FDB];
	s0 =	simm.s32 @p2 $0x1  }
0x17: {  	s4 =	simm.s32 $0x1BF5;
	[smem:$0x3FB7] =	sst s0  }
0x18: {  	s0 =	sld [smem:$0x3F9A];
	_ =	swait.ge [sflag:s4], $0x0  }
0x19: {  	s7 =	sld [smem:$0x3F9B]  }
0x1a: {  	s8 =	sadd.s32 $0xFFFFE003, lr  }
0x1b: {  	s9 =	sadd.s32 $0xFFFFFEF7, lr;
	s5 =	simm.s32 $0xFFFFFFFF;
	p2 =	slt.u32 s8, $0xFFFFF086  }
0x1c: {  	p1 =	slt.u32 s9, $0xF7A;
	s5 =	simm.s32 @!p2 $0x0  }
0x1d: {  	s5 =	simm.s32 @p1 $0x1;
	p0 =	seq.s32 s7, s2  }
0x1e: {  	s7 =	smul.u32 @!p0 $0xF7A, s2;
	p2 =	seq.s32 @!p0 s5, $0x0  }
0x1f: {  	s9 =	smul.u32 $0xF7A, s1;
	s8 =	simm.s32 @!p0 $0x1BF5;
	p2 =	por !p2, p0  }
0x20: {  	[sflag:s8] =	ssyncset.s32 @!p0 $0xFFFFF086;
	s6 =	sadd.s32 @!p0 s3, s7;
	s7 =	simm.s32 @!p0 $0x108  }
0x21: {  	s3 =	sadd.s32 s3, s9;
	s6 =	sadd.s32 @!p0 $0x88, s6;
	s7 =	simm.s32 @p2 $0x1082  }
0x22: {  	[simem:s7], [sflag:s8] =	dma.local @!p0 [hbm:s6], $0xF7A  }
0x23: {  	s9 =	sor.u32 $0xD0000000, s2;
	s6 =	simm.s32 $0x108;
	_ =	swait.ge @!p0 [sflag:s8], $0x0  }
0x24: {  	s3 =	sadd.s32 $0x88, s3;
	s6 =	simm.s32 @!p1 $0x1082;
	[sflag:s4] =	ssyncset.s32 $0xFFFFF086  }
0x25: {  	[simem:s6], [sflag:s4] =	dma.local [hbm:s3], $0xF7A  }
0x26: {  	[smem:$0x3F9B] =	sst s1;
	(tag) =	ssettag s2;
	_ =	strace s9  }
0x27: {  	s1 =	sld [smem:$0x3FAB]  }
0x28: {  	s2 =	sld [smem:$0x3FAC]  }
0x29: {  	s4 =	sld [smem:$0x3FAE]  }
0x2a: {  	p0 =	seq.s32 s5, $0x0;
	s5 =	sld [smem:$0x3FAF]  }
0x2b: {  	s6 =	sld [smem:$0x3FB0]  }
0x2c: {  	s7 =	sld [smem:$0x3FB1]  }
0x2d: {  	s3 =	simm.s32 $0x108;
	s8 =	sld [smem:$0x3FB2]  }
0x2e: {  	s3 =	simm.s32 @!p0 $0x1082;
	s9 =	sld [smem:$0x3FB3]  }
0x2f: {  	lr =	sadd.s32 s0, s3;
	s0 =	sld [smem:$0x3FAA]  }
0x30: {  	s3 =	sld [smem:$0x3FAD]  }
0x31: {  	[smem:$0x3FB6] =	sst s10  }
0x32: {  	s10 =	sld [smem:$0x3FB4];
	_ =	sdelay $0x3  }
0x33: {  	p0 =	seq.s32 s10, $0x1;
	s10 =	sld [smem:$0x3FB6];
	_ =	sdelay $0x3  }
0x34: {  	[smem:$0x3FB6] =	sst s10  }
0x35: {  	s10 =	sld [smem:$0x3FB5];
	_ =	sdelay $0x3  }
0x36: {  	p1 =	seq.s32 s10, $0x1;
	s10 =	sld [smem:$0x3FB6];
	_ =	sdelay $0x3  }
0x37: {  	[smem:$0x3FB6] =	sst s10  }
0x38: {  	s10 =	sld [smem:$0x3FB7]  }
0x39: {  	_ = 	snop;
	(pc) =	sbr.ind lr, $3  }
0x3a: {  	_ = 	snop  }
0x3b: {  	_ = 	snop  }
0x3c: {  	p2 =	seq.s32 s10, $0x1;
	s10 =	sld [smem:$0x3FB6]  }
0x3d: {  	_ =	shalt  }
0x3e: {  	_ =	shalt  }
0x3f: {  	_ =	shalt  }
0x40: {  	_ =	shalt  }
0x41: {  	_ =	shalt  }
0x42: {  	_ =	shalt  }
0x43: {  	_ =	shalt  }
0x44: {  	_ =	shalt  }
0x45: {  	_ =	shalt  }
0x46: {  	_ =	shalt  }
0x47: {  	_ =	shalt  }
0x48: {  	_ =	shalt  }
0x49: {  	_ =	shalt  }
0x4a: {  	_ =	shalt  }
0x4b: {  	_ =	shalt  }
0x4c: {  	_ =	shalt  }
0x4d: {  	_ =	shalt  }
0x4e: {  	_ =	shalt  }
0x4f: {  	_ =	shalt  }
0x50: {  	_ =	shalt  }
0x51: {  	_ =	shalt  }
0x52: {  	_ =	shalt  }
0x53: {  	_ =	shalt  }
0x54: {  	_ =	shalt  }
0x55: {  	_ =	shalt  }
0x56: {  	_ =	shalt  }
0x57: {  	_ =	shalt  }
0x58: {  	_ =	shalt  }
0x59: {  	_ =	shalt  }
0x5a: {  	_ =	shalt  }
0x5b: {  	_ =	shalt  }
0x5c: {  	_ =	shalt  }
0x5d: {  	_ =	shalt  }
0x5e: {  	_ =	shalt  }
0x5f: {  	_ =	shalt  }
0x60: {  	_ =	shalt  }
0x61: {  	_ =	shalt  }
0x62: {  	_ =	shalt  }
0x63: {  	_ =	shalt  }
0x64: {  	_ =	shalt  }
0x65: {  	_ =	shalt  }
0x66: {  	_ =	shalt  }
0x67: {  	_ =	shalt  }
0x68: {  	_ =	shalt  }
0x69: {  	_ =	shalt  }
0x6a: {  	_ =	shalt  }
0x6b: {  	_ =	shalt  }
0x6c: {  	_ =	shalt  }
0x6d: {  	_ =	shalt  }
0x6e: {  	_ =	shalt  }
0x6f: {  	_ =	shalt  }
0x70: {  	_ =	shalt  }
0x71: {  	_ =	shalt  }
0x72: {  	_ =	shalt  }
0x73: {  	_ =	shalt  }
0x74: {  	_ =	shalt  }
0x75: {  	_ =	shalt  }
0x76: {  	_ =	shalt  }
0x77: {  	_ =	shalt  }
0x78: {  	_ =	shalt  }
0x79: {  	_ =	shalt  }
0x7a: {  	_ =	shalt  }
0x7b: {  	_ =	shalt  }
0x7c: {  	_ =	shalt  }
0x7d: {  	_ =	shalt  }
0x7e: {  	_ =	shalt  }
0x7f: {  	_ =	shalt  }
0x80: {  	_ =	shalt  }
0x81: {  	_ =	shalt  }
0x82: {  	_ =	shalt  }
0x83: {  	_ =	shalt  }
0x84: {  	_ =	shalt  }
0x85: {  	_ =	shalt  }
0x86: {  	_ =	shalt  }
0x87: {  	_ =	shalt  }
.Lfunc_end0:
.L_simem_size_0:
called_computation.2_lowered:
.L_overlay_start_0:
0x88: {  	s2 =	sld [smem:$0x3FD9]  }
0x89: {  	s3 =	sld [smem:$0x3FFE];
	_ =	sdelay $0x1  }
0x8a: {  	s1 =	srdreg.scid  }
0x8b: {  	s0 =	sand.u32 $0x1, s1  }
0x8c: {  	s17 =	sshll.u32 s0, $0xA;
	s2 =	sadd.s32 s3, s2  }
0x8d: {  	s2 =	sadd.s32 s2, s17  }
0x8e: {  	[smem:$0x3FC2] =	sst s2  }
0x8f: {  	_ = 	snop  }
0x90: {  	s2 =	sld [smem:$0x3FD0];
	(tm) =	ssettm $0x1  }
0x91: {  	s18 =	sld [smem:$0x3FFB];
	_ =	sdelay $0x3  }
0x92: {  	_ =	strace s18  }
0x93: {  	s3 =	sld [smem:$0x3FFC];
	_ =	sdelay $0x3  }
0x94: {  	_ =	strace s3  }
0x95: {  	s3 =	sld [smem:$0x3FFD];
	_ =	sdelay $0x3  }
0x96: {  	_ =	strace s3  }
0x97: {  	_ =	strace $0x8FFFFFFF  }
0x98: {  	s19 =	sld [smem:$0x3FDB];
	_ =	sdelay $0x1  }
0x99: {  	s4 =	simm.s32 $_scs_section_size  }
0x9a: {  	s5 =	simm.s32 $_size__tile_overlayer_lowered;
	s6 =	simm.s32 $_tile_overlayer_lowered  }
0x9b: {  	s22 =	simm.s32 $0x1BFF;
	s21 =	sshll.u32 s6, $0x1;
	s3 =	sadd.s32 s4, s19  }
0x9c: {  	s7 =	simm.s32 $0x0;
	s20 =	sshll.u32 s5, $0x1;
	s5 =	sadd.s32 s21, s3  }
0x9d: {  	[timem:s7], [sflag:s22] =	dma.local [hbm:s5], s20  }
0x9e: {  	_ =	swait.ge [sflag:s22], s20  }
0x9f: {  	s4 =	ssub.s32 $0x0, s20;
	[sflag:s22] =	ssyncset.done $0x0  }
0xa0: {  	[sflag:s22] =	ssyncadd.s32 s4;
	_ =	sdelay $0x1  }
0xa1: {  	s23 =	simm.s32 $0x1B8B  }
0xa2: {  	_ =	swait.ge [sflag:s23], $0x1  }
0xa3: {  	[sflag:s23] =	ssyncset.done $0x0  }
0xa4: {  	s25 =	simm.s32 $0x1B8E;
	s24 =	sld [smem:$0x3FFE];
	[sflag:s23] =	ssyncadd.s32 $0xFFFFFFFF  }
0xa5: {  	s26 =	simm.s32 $execute0_lowered;
	[smem:$0x3FD2] =	sst s25  }
0xa6: {  	s5 =	sshll.u32 s26, $0x1;
	_ =	strace $0x8000004C;
	[dreg:$0x1] =	wrdreg $0xFFFFFFFF  }
0xa7: {  	s28 =	simm.s32 $_size_execute0_lowered;
	s3 =	sadd.s32 s3, s5;
	[dreg:$0x0] =	wrdreg $0x0  }
0xa8: {  	s5 =	sshll.u32 s28, $0x1;
	[dreg:$0x2] =	wrdreg s3  }
0xa9: {  	[dreg:$0x3] =	wrdreg s5  }
0xaa: {  	[dreg:$0x4] =	wrdreg $0xC0  }
0xab: {  	_ =	task [dreg:s7], $0x5FFFF  }
0xac: {  	[dreg:$0x1] =	wrdreg $0xFFFFFFFF  }
0xad: {  	[dreg:$0x0] =	wrdreg $0x60  }
0xae: {  	[dreg:$0x2] =	wrdreg s2  }
0xaf: {  	[dreg:$0x3] =	wrdreg s24  }
0xb0: {  	[dreg:$0x4] =	wrdreg $0xD0000  }
0xb1: {  	[dreg:$0x5] =	wrdreg $0x9  }
0xb2: {  	_ =	task.clear_ibuf [dreg:s7], $0x6FFFF;
	_ =	strace $0x9000004C  }
0xb3: {  	s29 =	simm.s32 $0x9;
	_ =	strace $0x8000004E  }
0xb4: {  	_ =	swait.ge [sflag:s29], $0x1  }
0xb5: {  	[sflag:s29] =	ssyncadd.s32 $0xFFFFFFFF  }
0xb6: {  	_ =	strace $0x9000004E  }
0xb7: {  	_ =	sfence  }
0xb8: {  	s30 =	sld [smem:$0x0];
	_ =	sdelay $0x2  }
0xb9: {  	s31 =	sshll.u32 s1, $0xD;
	s1 =	sshrl.u32 s1, $0x2  }
0xba: {  	s3 =	sand.u32 $0x4000, s31;
	s1 =	sadd.s32 s1, s30  }
0xbb: {  	s0 =	sor.u32 s3, s0;
	s1 =	sshll.u32 s1, $0x11  }
0xbc: {  	s0 =	sor.u32 s1, s0  }
0xbd: {  	s0 =	sadd.s32 $0x8F2B, s0  }
0xbe: {  	[sflag:s0] =	ssyncadd.remote.s32 $0x1  }
0xbf: {  	_ =	sfence.sel $0xFFFF  }
0xc0: {  	[dreg:$0x0] =	wrdreg $0xFFFFFFFF;
	(pc) =	sbr.abs _section_cstart, $3  }
0xc1: {  	[dreg:$0x1] =	wrdreg $0xFFFFFFFF  }
0xc2: {  	_ =	task.clear_ibuf [dreg:s7], $0x2FFFF;
	_ =	strace $0x9FFFFFFF  }
0xc3: {  	(tm) =	ssettm $0x7FFFFFFF  }
tec
execute0_lowered:
.L_overlay_start_1:
0x0: {  	(tag) =	ssettag $0x1  }
0x1: {  	s1 =	rddreg [dreg:$0x0]  }
0x2: {  	s0 =	srdreg.scid;
	s5 =	rddreg [dreg:$0x1]  }
0x3: {  	s8 =	stileid.u32;
	s3 =	rddreg [dreg:$0x2]  }
0x4: {  	s4 =	simm.s32 $0x0;
	s14 =	simm.s32 $0x9;
	s15 =	simm.s32 $0x2800  }
0x5: {  	s16 =	simm.s32 $0x5000;
	s17 =	simm.s32 $0x80;
	s18 =	simm.s32 $0x7000  }
0x6: {  	s19 =	simm.s32 $0x1;
	s21 =	simm.s32 $0x9000;
	s22 =	simm.s32 $0x2  }
0x7: {  	s28 =	simm.s32 $0x5;
	s29 =	simm.s32 $0x4;
	s30 =	simm.s32 $0x6  }
0x8: {  	s31 =	simm.s32 $0x7;
	s23 =	simm.s32 $0x0;
	s0 =	sand.u32 $0x1, s0  }
0x9: {  	s6 =	smul.u32 $0x1400, s8;
	[smem:$0x7FF] =	sst s4;
	s2 =	sshll.u32 s0, $0x4  }
0xa: {  	s7 =	smul.u32 $0x14000, s0;
	_ =	strace $0x8000004D;
	s0 =	ssub.s32 $0x2, s0  }
0xb: {  	s2 =	sor.u32 s8, s2;
	s8 =	smul.u32 $0x28000, s8;
	s25 =	sshrl.u32 s0, $0x1  }
0xc: {  	s2 =	smul.u32 $0x500, s2;
	s6 =	sadd.s32 s6, s7;
	s0 =	ssub.s32 s0, s25  }
0xd: {  	s25 =	simm.s32 $0xB000;
	s12 =	sadd.s32 s6, s5;
	s26 =	sshrl.u32 s8, $0x2  }
0xe: {  	s13 =	smax.u32 s0, $0x1;
	s2 =	sadd.s32 s2, s5;
	s7 =	sadd.s32 s26, s3  }
0xf: {  	s12 =	sadd.s32 $0x3D400, s12;
	s26 =	simm.s32 $0x3;
	s5 =	sadd.s32 $0xC200, s2  }
0x10: {  	s6 =	sadd.s32 $0x2200, s2;
	s8 =	sadd.s32 $0x2000, s7;
	s9 =	sadd.s32 $0x4000, s7  }
0x11: {  	v0 =	vimm.f32 $0.0e+00;
	s10 =	sadd.s32 $0x6000, s7;
	s11 =	sadd.s32 $0x8000, s7;
	s2 =	simm.s32 $0x8  }
.LBB2_1:
0x12: {  	[tilespmem:s4], [sflag:$0x9] =	stream.linear.gather [hbm4b:s5+s4], $0x2800, $0x38;
	[tilespmem:$0x17000] =	vst v63  }
0x13: {  	_ =	swait.ge [sflag:s14], $0x2800  }
0x14: {  	[sflag:s14] =	ssyncset.done $0x0  }
0x15: {  	[sflag:s14] =	ssyncadd.s32 $0xFFFFD800  }
0x16: {  	[tilespmem:s15], [sflag:$0x9] =	stream.linear.gather [hbm4b:s6+s4], $0x2800, $0x38;
	[tilespmem:$0x17000] =	vst v63  }
0x17: {  	_ =	swait.ge [sflag:s14], $0x2800  }
0x18: {  	[sflag:s14] =	ssyncset.done $0x0  }
0x19: {  	s24 =	simm.s32 $0x100;
	s0 =	simm.s32 $0x0;
	[sflag:s14] =	ssyncadd.s32 $0xFFFFD800  }
.LBB2_2:
0x1a: {  	p0 =	sne.s32 s24, $0x7F00;
	[tilespmem:s0+$0x5030] =	vst v0;
	s20 =	smov.u32 s24;
	s24 =	sadd.s32 $0x100, s24  }
.Ltmp0:
0x1b: {  	[tilespmem:s0+$0x5020] =	vst v0;
	(pc) =	sbr.rel @p0 .LBB2_2-.Ltmp0, $3  }
0x1c: {  	[tilespmem:s0+$0x5000] =	vst v0  }
0x1d: {  	[tilespmem:s0+$0x5010] =	vst v0;
	_ =	sdelay $0x1  }
0x1e: {  	s0 =	sshra.s32 s20, $0x2  }
0x1f: {  	[tilespmem:s0+$0x5030] =	vst v0  }
0x20: {  	[tilespmem:s0+$0x5020] =	vst v0  }
0x21: {  	[tilespmem:s0+$0x5000] =	vst v0  }
0x22: {  	[tilespmem:s0+$0x5010] =	vst v0  }
0x23: {  	[spmem:s7] =	stream.linear.scatter [tilespmem:s16], [sflag:$0x9], $0x2000, $0x38;
	[tilespmem:$0x17000] =	vst v63  }
0x24: {  	_ =	swait.ge [sflag:s14], $0x2000  }
0x25: {  	[sflag:s14] =	ssyncset.done $0x0  }
0x26: {  	[sflag:s14] =	ssyncadd.s32 $0xFFFFE000  }
0x27: {  	[spmem:s8] =	stream.linear.scatter [tilespmem:s16], [sflag:$0x9], $0x2000, $0x38;
	[tilespmem:$0x17000] =	vst v63  }
0x28: {  	_ =	swait.ge [sflag:s14], $0x2000  }
0x29: {  	[sflag:s14] =	ssyncset.done $0x0  }
0x2a: {  	[sflag:s14] =	ssyncadd.s32 $0xFFFFE000  }
0x2b: {  	[spmem:s9] =	stream.linear.scatter [tilespmem:s16], [sflag:$0x9], $0x2000, $0x38;
	[tilespmem:$0x17000] =	vst v63  }
0x2c: {  	_ =	swait.ge [sflag:s14], $0x2000  }
0x2d: {  	[sflag:s14] =	ssyncset.done $0x0  }
0x2e: {  	[sflag:s14] =	ssyncadd.s32 $0xFFFFE000  }
0x2f: {  	[spmem:s10] =	stream.linear.scatter [tilespmem:s16], [sflag:$0x9], $0x2000, $0x38;
	[tilespmem:$0x17000] =	vst v63  }
0x30: {  	_ =	swait.ge [sflag:s14], $0x2000  }
0x31: {  	[sflag:s14] =	ssyncset.done $0x0  }
0x32: {  	[sflag:s14] =	ssyncadd.s32 $0xFFFFE000  }
0x33: {  	[spmem:s11] =	stream.linear.scatter [tilespmem:s16], [sflag:$0x9], $0x2000, $0x38;
	[tilespmem:$0x17000] =	vst v63  }
0x34: {  	_ =	swait.ge [sflag:s14], $0x2000  }
0x35: {  	[sflag:s14] =	ssyncset.done $0x0  }
0x36: {  	[sflag:s14] =	ssyncadd.s32 $0xFFFFE000  }
0x37: {  	s24 =	simm.s32 $0x0;
	[bflag:$0x0] =	sbarrier.arrive $0xFFFF  }
0x38: {  	[tilespmem:s16], [sflag:$0x1] =	stream.indirect.gather [hbm4b:s1+s17], $0x40, s24, s17, $0xb8;
	[tilespmem:$0x17000] =	vst v63  }
0x39: {  	_ = 	snop  }
0x3a: {  	[tilespmem:s18], [sflag:$0x2] =	stream.indirect.gather [hbm4b:s1+s17], $0x40, s17, s17, $0xb8;
	[tilespmem:$0x17000] =	vst v63  }
0x3b: {  	_ =	swait.ge [sflag:s19], $0x2000  }
0x3c: {  	[sflag:s19] =	ssyncset.done $0x0  }
0x3d: {  	[sflag:s19] =	ssyncadd.s32 $0xFFFFE000  }
0x3e: {  	[spmem:s3] =	stream.indirect.scatter.add.f32 [tilespmem:s16], [sflag:$0x5], $0x40, s15, s17, $0xb8;
	[tilespmem:$0x17000] =	vst v63  }
0x3f: {  	s20 =	simm.s32 $0x100  }
0x40: {  	[tilespmem:s21], [sflag:$0x3] =	stream.indirect.gather [hbm4b:s1+s17], $0x40, s20, s17, $0xb8;
	[tilespmem:$0x17000] =	vst v63  }
0x41: {  	_ =	swait.ge [sflag:s22], $0x2000  }
0x42: {  	[sflag:s22] =	ssyncset.done $0x0  }
0x43: {  	s24 =	simm.s32 $0x2880;
	[sflag:s22] =	ssyncadd.s32 $0xFFFFE000  }
0x44: {  	[spmem:s3] =	stream.indirect.scatter.add.f32 [tilespmem:s18], [sflag:$0x6], $0x40, s24, s17, $0xb8;
	[tilespmem:$0x17000] =	vst v63  }
0x45: {  	s20 =	simm.s32 $0x180  }
0x46: {  	[tilespmem:s25], [sflag:$0x4] =	stream.indirect.gather [hbm4b:s1+s17], $0x40, s20, s17, $0xb8;
	[tilespmem:$0x17000] =	vst v63  }
0x47: {  	_ =	swait.ge [sflag:s26], $0x2000  }
0x48: {  	[sflag:s26] =	ssyncset.done $0x0  }
0x49: {  	s24 =	simm.s32 $0x2900;
	[sflag:s26] =	ssyncadd.s32 $0xFFFFE000  }
0x4a: {  	[spmem:s3] =	stream.indirect.scatter.add.f32 [tilespmem:s21], [sflag:$0x7], $0x40, s24, s17, $0xb8;
	[tilespmem:$0x17000] =	vst v63  }
0x4b: {  	_ =	swait.ge [sflag:s28], $0x2000  }
0x4c: {  	[sflag:s28] =	ssyncset.done $0x0  }
0x4d: {  	s20 =	simm.s32 $0x200;
	[sflag:s28] =	ssyncadd.s32 $0xFFFFE000  }
0x4e: {  	[tilespmem:s16], [sflag:$0x1] =	stream.indirect.gather [hbm4b:s1+s17], $0x40, s20, s17, $0xb8;
	[tilespmem:$0x17000] =	vst v63  }
0x4f: {  	_ =	swait.ge [sflag:s29], $0x2000  }
0x50: {  	[sflag:s29] =	ssyncset.done $0x0  }
0x51: {  	s24 =	simm.s32 $0x2980;
	[sflag:s29] =	ssyncadd.s32 $0xFFFFE000  }
0x52: {  	[spmem:s3] =	stream.indirect.scatter.add.f32 [tilespmem:s25], [sflag:$0x8], $0x40, s24, s17, $0xb8;
	[tilespmem:$0x17000] =	vst v63  }
0x53: {  	_ =	swait.ge [sflag:s30], $0x2000  }
0x54: {  	[sflag:s30] =	ssyncset.done $0x0  }
0x55: {  	s20 =	simm.s32 $0x280;
	[sflag:s30] =	ssyncadd.s32 $0xFFFFE000  }
0x56: {  	[tilespmem:s18], [sflag:$0x2] =	stream.indirect.gather [hbm4b:s1+s17], $0x40, s20, s17, $0xb8;
	[tilespmem:$0x17000] =	vst v63  }
0x57: {  	_ =	swait.ge [sflag:s19], $0x2000  }
0x58: {  	[sflag:s19] =	ssyncset.done $0x0  }
0x59: {  	s24 =	simm.s32 $0x2A00;
	[sflag:s19] =	ssyncadd.s32 $0xFFFFE000  }
0x5a: {  	[spmem:s3] =	stream.indirect.scatter.add.f32 [tilespmem:s16], [sflag:$0x5], $0x40, s24, s17, $0xb8;
	[tilespmem:$0x17000] =	vst v63  }
0x5b: {  	_ =	swait.ge [sflag:s31], $0x2000  }
0x5c: {  	[sflag:s31] =	ssyncset.done $0x0  }
0x5d: {  	s20 =	simm.s32 $0x300;
	[sflag:s31] =	ssyncadd.s32 $0xFFFFE000  }
0x5e: {  	[tilespmem:s21], [sflag:$0x3] =	stream.indirect.gather [hbm4b:s1+s17], $0x40, s20, s17, $0xb8;
	[tilespmem:$0x17000] =	vst v63  }
0x5f: {  	_ =	swait.ge [sflag:s22], $0x2000  }
0x60: {  	[sflag:s22] =	ssyncset.done $0x0  }
0x61: {  	s24 =	simm.s32 $0x2A80;
	[sflag:s22] =	ssyncadd.s32 $0xFFFFE000  }
0x62: {  	[spmem:s3] =	stream.indirect.scatter.add.f32 [tilespmem:s18], [sflag:$0x6], $0x40, s24, s17, $0xb8;
	[tilespmem:$0x17000] =	vst v63  }
0x63: {  	_ =	swait.ge [sflag:s2], $0x2000  }
0x64: {  	[sflag:s2] =	ssyncset.done $0x0  }
0x65: {  	s0 =	simm.s32 $0x380;
	s24 =	simm.s32 $0x800;
	[sflag:s2] =	ssyncadd.s32 $0xFFFFE000  }
.LBB2_4:
0x66: {  	[tilespmem:s25], [sflag:$0x4] =	stream.indirect.gather [hbm4b:s1+s17], $0x40, s0, s17, $0xb8;
	[tilespmem:$0x17000] =	vst v63  }
0x67: {  	s0 =	smov.u32 s24  }
0x68: {  	p0 =	sne.s32 s24, $0x9000;
	s24 =	sadd.s32 $0x800, s24;
	_ =	swait.ge [sflag:s26], $0x2000  }
0x69: {  	s0 =	sshra.s32 s0, $0x2;
	[sflag:s26] =	ssyncset.done $0x0  }
0x6a: {  	s20 =	sadd.s32 $0x2900, s0;
	[sflag:s26] =	ssyncadd.s32 $0xFFFFE000  }
0x6b: {  	[spmem:s3] =	stream.indirect.scatter.add.f32 [tilespmem:s21], [sflag:$0x7], $0x40, s20, s17, $0xb8;
	[tilespmem:$0x17000] =	vst v63  }
0x6c: {  	_ =	swait.ge [sflag:s28], $0x2000  }
0x6d: {  	[sflag:s28] =	ssyncset.done $0x0  }
0x6e: {  	s20 =	sadd.s32 $0x200, s0;
	[sflag:s28] =	ssyncadd.s32 $0xFFFFE000  }
0x6f: {  	[tilespmem:s16], [sflag:$0x1] =	stream.indirect.gather [hbm4b:s1+s17], $0x40, s20, s17, $0xb8;
	[tilespmem:$0x17000] =	vst v63  }
0x70: {  	_ =	swait.ge [sflag:s29], $0x2000  }
0x71: {  	[sflag:s29] =	ssyncset.done $0x0  }
0x72: {  	s20 =	sadd.s32 $0x2980, s0;
	[sflag:s29] =	ssyncadd.s32 $0xFFFFE000  }
0x73: {  	[spmem:s3] =	stream.indirect.scatter.add.f32 [tilespmem:s25], [sflag:$0x8], $0x40, s20, s17, $0xb8;
	[tilespmem:$0x17000] =	vst v63  }
0x74: {  	_ =	swait.ge [sflag:s30], $0x2000  }
0x75: {  	[sflag:s30] =	ssyncset.done $0x0  }
0x76: {  	s20 =	sadd.s32 $0x280, s0;
	[sflag:s30] =	ssyncadd.s32 $0xFFFFE000  }
0x77: {  	[tilespmem:s18], [sflag:$0x2] =	stream.indirect.gather [hbm4b:s1+s17], $0x40, s20, s17, $0xb8;
	[tilespmem:$0x17000] =	vst v63  }
0x78: {  	_ =	swait.ge [sflag:s19], $0x2000  }
0x79: {  	[sflag:s19] =	ssyncset.done $0x0  }
0x7a: {  	s20 =	sadd.s32 $0x2A00, s0;
	[sflag:s19] =	ssyncadd.s32 $0xFFFFE000  }
0x7b: {  	[spmem:s3] =	stream.indirect.scatter.add.f32 [tilespmem:s16], [sflag:$0x5], $0x40, s20, s17, $0xb8;
	[tilespmem:$0x17000] =	vst v63  }
0x7c: {  	_ =	swait.ge [sflag:s31], $0x2000  }
0x7d: {  	[sflag:s31] =	ssyncset.done $0x0  }
0x7e: {  	s20 =	sadd.s32 $0x300, s0;
	[sflag:s31] =	ssyncadd.s32 $0xFFFFE000  }
0x7f: {  	[tilespmem:s21], [sflag:$0x3] =	stream.indirect.gather [hbm4b:s1+s17], $0x40, s20, s17, $0xb8;
	[tilespmem:$0x17000] =	vst v63  }
0x80: {  	_ =	swait.ge [sflag:s22], $0x2000  }
0x81: {  	[sflag:s22] =	ssyncset.done $0x0  }
.Ltmp1:
0x82: {  	s20 =	sadd.s32 $0x2A80, s0;
	[sflag:s22] =	ssyncadd.s32 $0xFFFFE000;
	(pc) =	sbr.rel @p0 .LBB2_4-.Ltmp1, $4  }
0x83: {  	[spmem:s3] =	stream.indirect.scatter.add.f32 [tilespmem:s18], [sflag:$0x6], $0x40, s20, s17, $0xb8;
	[tilespmem:$0x17000] =	vst v63  }
0x84: {  	_ =	swait.ge [sflag:s2], $0x2000  }
0x85: {  	[sflag:s2] =	ssyncset.done $0x0  }
0x86: {  	s0 =	sadd.s32 $0x380, s0;
	[sflag:s2] =	ssyncadd.s32 $0xFFFFE000  }
0x87: {  	[tilespmem:s25], [sflag:$0x4] =	stream.indirect.gather [hbm4b:s1+s17], $0x40, s0, s17, $0xb8;
	[tilespmem:$0x17000] =	vst v63  }
0x88: {  	_ =	swait.ge [sflag:s26], $0x2000  }
0x89: {  	[sflag:s26] =	ssyncset.done $0x0  }
0x8a: {  	s24 =	simm.s32 $0x4F00;
	[sflag:s26] =	ssyncadd.s32 $0xFFFFE000  }
0x8b: {  	[spmem:s3] =	stream.indirect.scatter.add.f32 [tilespmem:s21], [sflag:$0x7], $0x40, s24, s17, $0xb8;
	[tilespmem:$0x17000] =	vst v63  }
0x8c: {  	_ =	swait.ge [sflag:s29], $0x2000  }
0x8d: {  	[sflag:s29] =	ssyncset.done $0x0  }
0x8e: {  	s20 =	simm.s32 $0x4F80;
	[sflag:s29] =	ssyncadd.s32 $0xFFFFE000  }
0x8f: {  	[spmem:s3] =	stream.indirect.scatter.add.f32 [tilespmem:s25], [sflag:$0x8], $0x40, s20, s17, $0xb8;
	[tilespmem:$0x17000] =	vst v63  }
0x90: {  	_ =	swait.ge [sflag:s28], $0x2000  }
0x91: {  	[sflag:s28] =	ssyncset.done $0x0  }
0x92: {  	[sflag:s28] =	ssyncadd.s32 $0xFFFFE000  }
0x93: {  	_ =	swait.ge [sflag:s30], $0x2000  }
0x94: {  	[sflag:s30] =	ssyncset.done $0x0  }
0x95: {  	[sflag:s30] =	ssyncadd.s32 $0xFFFFE000  }
0x96: {  	_ =	swait.ge [sflag:s31], $0x2000  }
0x97: {  	[sflag:s31] =	ssyncset.done $0x0  }
0x98: {  	[sflag:s31] =	ssyncadd.s32 $0xFFFFE000  }
0x99: {  	s24 =	stileid.u32;
	_ =	swait.ge [sflag:s2], $0x2000  }
0x9a: {  	s23 =	sadd.s32 $0x1, s23;
	s0 =	sshll.u32 s24, $0x6;
	[sflag:s2] =	ssyncset.done $0x0  }
0x9b: {  	p0 =	sne.s32 s23, s13;
	s0 =	sor.u32 $0x1C09, s0;
	[sflag:s2] =	ssyncadd.s32 $0xFFFFE000  }
.Ltmp2:
0x9c: {  	s20 =	sshrl.u32 s7, $0x3;
	[bflag:$0x0] =	sbarrier.arrive $0xFFFF;
	(pc) =	sbr.rel @p0 .LBB2_1-.Ltmp2, $4  }
0x9d: {  	[hbm:s12], [sflag:s0] =	dma.local [spmem:s20], $0x1400  }
0x9e: {  	_ =	swait.ge [sflag:s14], $0x1400  }
0x9f: {  	[sflag:s14] =	ssyncset.done $0x0  }
0xa0: {  	[sflag:s14] =	ssyncadd.s32 $0xFFFFEC00  }
0xa1: {  	_ =	sfence.sel $0x180000  }
0xa2: {  	[bflag:$0x0] =	sbarrier.arrive $0xFFFF  }
0xa3: {  	_ =	strace $0x9000004D  }
0xa4: {  	s0 =	stileid.u32;
	[bflag:$0x2] =	sbarrier.arrive $0xFFFF  }
0xa5: {  	p0 =	sne.s32 s0, $0x0;
	s0 =	rddreg [dreg:$0x3]  }
0xa6: {  	s0 =	sadd.s32 @!p0 $0x100000, s0  }
0xa7: {  	[sflag:s0] =	ssyncadd.tile.s32 @!p0 $0x1;
	_ =	shalt  }
.Lfunc_end2:
_tile_overlayer_lowered:
.L_overlay_start_2:
0xa8: {  	(tag) =	ssettag $0x2  }
0xa9: {  	s0 =	rddreg [dreg:$0x0];
	s2 =	stileid.u32  }
0xaa: {  	s1 =	rddreg [dreg:$0x1];
	p0 =	sne.s32 s2, $0x0  }
0xab: {  	s3 =	rddreg [dreg:$0x2];
	[bflag:$0x3] =	sbarrier.arrive $0xFFFF;
	s2 =	simm.s32 @!p0 $0x1C09  }
0xac: {  	[timem:s3], [sflag:s2] =	dma.local @!p0 [hbm:s0], s1  }
0xad: {  	s0 =	simm.s32 @!p0 $0x9  }
0xae: {  	_ =	swait.ge @!p0 [sflag:s0], s1  }
0xaf: {  	s1 =	ssub.s32 @!p0 $0x0, s1;
	[sflag:s0] =	ssyncset.done @!p0 $0x0  }
0xb0: {  	[sflag:s0] =	ssyncadd.s32 @!p0 s1  }
0xb1: {  	[bflag:$0x3] =	sbarrier.arrive $0xFFFF  }
0xb2: {  	_ =	shalt  }

// kernel: kernel.9.cloned.1.call-start
scs
__scs_entry_jumppad:
0x0: {  	(pc) =	sbr.rel $0x88, $3  }
0x1: {  	(tag) =	ssettag $0x0;
	lr =	simm.s32 $0x1  }
0x2: {  	[smem:$0x3F9B] =	sst lr;
	_ =	strace $0xD0000000  }
0x3: {  	_ = 	snop  }
0x4: {  	_ = 	snop  }
0x5: {  	_ = 	snop  }
0x6: {  	_ = 	snop  }
0x7: {  	_ = 	snop  }
__scs_overlays_trampoline_lowered:
0x8: {  	[smem:$0x3FAA] =	sst s0  }
0x9: {  	[smem:$0x3FAB] =	sst s1  }
0xa: {  	[smem:$0x3FAC] =	sst s2  }
0xb: {  	[smem:$0x3FAD] =	sst s3  }
0xc: {  	[smem:$0x3FAE] =	sst s4  }
0xd: {  	[smem:$0x3FAF] =	sst s5  }
0xe: {  	[smem:$0x3FB0] =	sst s6  }
0xf: {  	[smem:$0x3FB1] =	sst s7  }
0x10: {  	[smem:$0x3FB2] =	sst s8  }
0x11: {  	[smem:$0x3FB3] =	sst s9;
	s0 =	simm.s32 @!p0 $0x0  }
0x12: {  	s1 =	sld [smem:$0x3F99];
	s0 =	simm.s32 @p0 $0x1  }
0x13: {  	[smem:$0x3FB4] =	sst s0;
	s0 =	simm.s32 @!p1 $0x0  }
0x14: {  	s2 =	sld [smem:$0x3F98];
	s0 =	simm.s32 @p1 $0x1  }
0x15: {  	[smem:$0x3FB5] =	sst s0;
	s0 =	simm.s32 @!p2 $0x0  }
0x16: {  	s3 =	sld [smem:$0x3FDB];
	s0 =	simm.s32 @p2 $0x1  }
0x17: {  	s4 =	simm.s32 $0x1BF5;
	[smem:$0x3FB7] =	sst s0  }
0x18: {  	s0 =	sld [smem:$0x3F9A];
	_ =	swait.ge [sflag:s4], $0x0  }
0x19: {  	s7 =	sld [smem:$0x3F9B]  }
0x1a: {  	s8 =	sadd.s32 $0xFFFFE003, lr  }
0x1b: {  	s9 =	sadd.s32 $0xFFFFFEF7, lr;
	s5 =	simm.s32 $0xFFFFFFFF;
	p2 =	slt.u32 s8, $0xFFFFF086  }
0x1c: {  	p1 =	slt.u32 s9, $0xF7A;
	s5 =	simm.s32 @!p2 $0x0  }
0x1d: {  	s5 =	simm.s32 @p1 $0x1;
	p0 =	seq.s32 s7, s2  }
0x1e: {  	s7 =	smul.u32 @!p0 $0xF7A, s2;
	p2 =	seq.s32 @!p0 s5, $0x0  }
0x1f: {  	s9 =	smul.u32 $0xF7A, s1;
	s8 =	simm.s32 @!p0 $0x1BF5;
	p2 =	por !p2, p0  }
0x20: {  	[sflag:s8] =	ssyncset.s32 @!p0 $0xFFFFF086;
	s6 =	sadd.s32 @!p0 s3, s7;
	s7 =	simm.s32 @!p0 $0x108  }
0x21: {  	s3 =	sadd.s32 s3, s9;
	s6 =	sadd.s32 @!p0 $0x88, s6;
	s7 =	simm.s32 @p2 $0x1082  }
0x22: {  	[simem:s7], [sflag:s8] =	dma.local @!p0 [hbm:s6], $0xF7A  }
0x23: {  	s9 =	sor.u32 $0xD0000000, s2;
	s6 =	simm.s32 $0x108;
	_ =	swait.ge @!p0 [sflag:s8], $0x0  }
0x24: {  	s3 =	sadd.s32 $0x88, s3;
	s6 =	simm.s32 @!p1 $0x1082;
	[sflag:s4] =	ssyncset.s32 $0xFFFFF086  }
0x25: {  	[simem:s6], [sflag:s4] =	dma.local [hbm:s3], $0xF7A  }
0x26: {  	[smem:$0x3F9B] =	sst s1;
	(tag) =	ssettag s2;
	_ =	strace s9  }
0x27: {  	s1 =	sld [smem:$0x3FAB]  }
0x28: {  	s2 =	sld [smem:$0x3FAC]  }
0x29: {  	s4 =	sld [smem:$0x3FAE]  }
0x2a: {  	p0 =	seq.s32 s5, $0x0;
	s5 =	sld [smem:$0x3FAF]  }
0x2b: {  	s6 =	sld [smem:$0x3FB0]  }
0x2c: {  	s7 =	sld [smem:$0x3FB1]  }
0x2d: {  	s3 =	simm.s32 $0x108;
	s8 =	sld [smem:$0x3FB2]  }
0x2e: {  	s3 =	simm.s32 @!p0 $0x1082;
	s9 =	sld [smem:$0x3FB3]  }
0x2f: {  	lr =	sadd.s32 s0, s3;
	s0 =	sld [smem:$0x3FAA]  }
0x30: {  	s3 =	sld [smem:$0x3FAD]  }
0x31: {  	[smem:$0x3FB6] =	sst s10  }
0x32: {  	s10 =	sld [smem:$0x3FB4];
	_ =	sdelay $0x3  }
0x33: {  	p0 =	seq.s32 s10, $0x1;
	s10 =	sld [smem:$0x3FB6];
	_ =	sdelay $0x3  }
0x34: {  	[smem:$0x3FB6] =	sst s10  }
0x35: {  	s10 =	sld [smem:$0x3FB5];
	_ =	sdelay $0x3  }
0x36: {  	p1 =	seq.s32 s10, $0x1;
	s10 =	sld [smem:$0x3FB6];
	_ =	sdelay $0x3  }
0x37: {  	[smem:$0x3FB6] =	sst s10  }
0x38: {  	s10 =	sld [smem:$0x3FB7]  }
0x39: {  	_ = 	snop;
	(pc) =	sbr.ind lr, $3  }
0x3a: {  	_ = 	snop  }
0x3b: {  	_ = 	snop  }
0x3c: {  	p2 =	seq.s32 s10, $0x1;
	s10 =	sld [smem:$0x3FB6]  }
0x3d: {  	_ =	shalt  }
0x3e: {  	_ =	shalt  }
0x3f: {  	_ =	shalt  }
0x40: {  	_ =	shalt  }
0x41: {  	_ =	shalt  }
0x42: {  	_ =	shalt  }
0x43: {  	_ =	shalt  }
0x44: {  	_ =	shalt  }
0x45: {  	_ =	shalt  }
0x46: {  	_ =	shalt  }
0x47: {  	_ =	shalt  }
0x48: {  	_ =	shalt  }
0x49: {  	_ =	shalt  }
0x4a: {  	_ =	shalt  }
0x4b: {  	_ =	shalt  }
0x4c: {  	_ =	shalt  }
0x4d: {  	_ =	shalt  }
0x4e: {  	_ =	shalt  }
0x4f: {  	_ =	shalt  }
0x50: {  	_ =	shalt  }
0x51: {  	_ =	shalt  }
0x52: {  	_ =	shalt  }
0x53: {  	_ =	shalt  }
0x54: {  	_ =	shalt  }
0x55: {  	_ =	shalt  }
0x56: {  	_ =	shalt  }
0x57: {  	_ =	shalt  }
0x58: {  	_ =	shalt  }
0x59: {  	_ =	shalt  }
0x5a: {  	_ =	shalt  }
0x5b: {  	_ =	shalt  }
0x5c: {  	_ =	shalt  }
0x5d: {  	_ =	shalt  }
0x5e: {  	_ =	shalt  }
0x5f: {  	_ =	shalt  }
0x60: {  	_ =	shalt  }
0x61: {  	_ =	shalt  }
0x62: {  	_ =	shalt  }
0x63: {  	_ =	shalt  }
0x64: {  	_ =	shalt  }
0x65: {  	_ =	shalt  }
0x66: {  	_ =	shalt  }
0x67: {  	_ =	shalt  }
0x68: {  	_ =	shalt  }
0x69: {  	_ =	shalt  }
0x6a: {  	_ =	shalt  }
0x6b: {  	_ =	shalt  }
0x6c: {  	_ =	shalt  }
0x6d: {  	_ =	shalt  }
0x6e: {  	_ =	shalt  }
0x6f: {  	_ =	shalt  }
0x70: {  	_ =	shalt  }
0x71: {  	_ =	shalt  }
0x72: {  	_ =	shalt  }
0x73: {  	_ =	shalt  }
0x74: {  	_ =	shalt  }
0x75: {  	_ =	shalt  }
0x76: {  	_ =	shalt  }
0x77: {  	_ =	shalt  }
0x78: {  	_ =	shalt  }
0x79: {  	_ =	shalt  }
0x7a: {  	_ =	shalt  }
0x7b: {  	_ =	shalt  }
0x7c: {  	_ =	shalt  }
0x7d: {  	_ =	shalt  }
0x7e: {  	_ =	shalt  }
0x7f: {  	_ =	shalt  }
0x80: {  	_ =	shalt  }
0x81: {  	_ =	shalt  }
0x82: {  	_ =	shalt  }
0x83: {  	_ =	shalt  }
0x84: {  	_ =	shalt  }
0x85: {  	_ =	shalt  }
0x86: {  	_ =	shalt  }
0x87: {  	_ =	shalt  }
.Lfunc_end0:
.L_simem_size_0:
called_computation_lowered:
.L_overlay_start_0:
0x88: {  	s2 =	sld [smem:$0x3FD9]  }
0x89: {  	s3 =	sld [smem:$0x3FFE];
	_ =	sdelay $0x1  }
0x8a: {  	s1 =	srdreg.scid  }
0x8b: {  	s0 =	sand.u32 $0x1, s1  }
0x8c: {  	s17 =	sshll.u32 s0, $0xA;
	s2 =	sadd.s32 s3, s2  }
0x8d: {  	s2 =	sadd.s32 s2, s17  }
0x8e: {  	[smem:$0x3FC2] =	sst s2  }
0x8f: {  	_ = 	snop  }
0x90: {  	s2 =	sld [smem:$0x3FD0];
	(tm) =	ssettm $0x1  }
0x91: {  	s18 =	sld [smem:$0x3FFB];
	_ =	sdelay $0x3  }
0x92: {  	_ =	strace s18  }
0x93: {  	s3 =	sld [smem:$0x3FFC];
	_ =	sdelay $0x3  }
0x94: {  	_ =	strace s3  }
0x95: {  	s3 =	sld [smem:$0x3FFD];
	_ =	sdelay $0x3  }
0x96: {  	_ =	strace s3  }
0x97: {  	_ =	strace $0x8FFFFFFF  }
0x98: {  	s19 =	sld [smem:$0x3FDB];
	_ =	sdelay $0x1  }
0x99: {  	s4 =	simm.s32 $_scs_section_size  }
0x9a: {  	s5 =	simm.s32 $_size__tile_overlayer_lowered;
	s6 =	simm.s32 $_tile_overlayer_lowered  }
0x9b: {  	s22 =	simm.s32 $0x1BFF;
	s21 =	sshll.u32 s6, $0x1;
	s3 =	sadd.s32 s4, s19  }
0x9c: {  	s7 =	simm.s32 $0x0;
	s20 =	sshll.u32 s5, $0x1;
	s5 =	sadd.s32 s21, s3  }
0x9d: {  	[timem:s7], [sflag:s22] =	dma.local [hbm:s5], s20  }
0x9e: {  	_ =	swait.ge [sflag:s22], s20  }
0x9f: {  	s4 =	ssub.s32 $0x0, s20;
	[sflag:s22] =	ssyncset.done $0x0  }
0xa0: {  	[sflag:s22] =	ssyncadd.s32 s4;
	_ =	sdelay $0x1  }
0xa1: {  	s23 =	simm.s32 $0x1B8B  }
0xa2: {  	_ =	swait.ge [sflag:s23], $0x1  }
0xa3: {  	[sflag:s23] =	ssyncset.done $0x0  }
0xa4: {  	s25 =	simm.s32 $0x1B8E;
	s24 =	sld [smem:$0x3FFE];
	[sflag:s23] =	ssyncadd.s32 $0xFFFFFFFF  }
0xa5: {  	s26 =	simm.s32 $execute0_lowered;
	[smem:$0x3FD2] =	sst s25  }
0xa6: {  	s5 =	sshll.u32 s26, $0x1;
	_ =	strace $0x80000046;
	[dreg:$0x1] =	wrdreg $0xFFFFFFFF  }
0xa7: {  	s28 =	simm.s32 $_size_execute0_lowered;
	s3 =	sadd.s32 s3, s5;
	[dreg:$0x0] =	wrdreg $0x0  }
0xa8: {  	s5 =	sshll.u32 s28, $0x1;
	[dreg:$0x2] =	wrdreg s3  }
0xa9: {  	[dreg:$0x3] =	wrdreg s5  }
0xaa: {  	[dreg:$0x4] =	wrdreg $0xC0  }
0xab: {  	_ =	task [dreg:s7], $0x5FFFF  }
0xac: {  	[dreg:$0x1] =	wrdreg $0xFFFFFFFF  }
0xad: {  	[dreg:$0x0] =	wrdreg $0x60  }
0xae: {  	[dreg:$0x2] =	wrdreg s24  }
0xaf: {  	[dreg:$0x3] =	wrdreg s2  }
0xb0: {  	[dreg:$0x4] =	wrdreg $0x9  }
0xb1: {  	_ =	task.clear_ibuf [dreg:s7], $0x5FFFF;
	_ =	strace $0x90000046  }
0xb2: {  	s29 =	simm.s32 $0x9;
	_ =	strace $0x80000048  }
0xb3: {  	_ =	swait.ge [sflag:s29], $0x1  }
0xb4: {  	[sflag:s29] =	ssyncadd.s32 $0xFFFFFFFF  }
0xb5: {  	_ =	strace $0x90000048  }
0xb6: {  	_ =	sfence  }
0xb7: {  	s30 =	sld [smem:$0x0];
	_ =	sdelay $0x2  }
0xb8: {  	s31 =	sshll.u32 s1, $0xD;
	s1 =	sshrl.u32 s1, $0x2  }
0xb9: {  	s3 =	sand.u32 $0x4000, s31;
	s1 =	sadd.s32 s1, s30  }
0xba: {  	s0 =	sor.u32 s3, s0;
	s1 =	sshll.u32 s1, $0x11  }
0xbb: {  	s0 =	sor.u32 s1, s0  }
0xbc: {  	s0 =	sadd.s32 $0x8F2B, s0  }
0xbd: {  	[sflag:s0] =	ssyncadd.remote.s32 $0x1  }
0xbe: {  	_ =	sfence.sel $0xFFFF  }
0xbf: {  	[dreg:$0x0] =	wrdreg $0xFFFFFFFF;
	(pc) =	sbr.abs _section_cstart, $3  }
0xc0: {  	[dreg:$0x1] =	wrdreg $0xFFFFFFFF  }
0xc1: {  	_ =	task.clear_ibuf [dreg:s7], $0x2FFFF;
	_ =	strace $0x9FFFFFFF  }
0xc2: {  	(tm) =	ssettm $0x7FFFFFFF  }
0xc3: {  	_ =	shalt  }
tec
execute0_lowered:
.L_overlay_start_1:
0x0: {  	(tag) =	ssettag $0x1  }
0x1: {  	s0 =	srdreg.scid  }
0x2: {  	s3 =	rddreg [dreg:$0x0];
	s4 =	sand.u32 $0x1, s0  }
0x3: {  	s5 =	rddreg [dreg:$0x1];
	s1 =	stileid.u32;
	s2 =	sshll.u32 s4, $0x4  }
0x4: {  	s0 =	rddreg [dreg:$0x2];
	s6 =	sor.u32 s1, s2  }
0x5: {  	s4 =	ssub.s32 $0x2, s4;
	s2 =	simm.s32 $0x0;
	s7 =	smul.u32 $0x500, s6  }
0x6: {  	s8 =	sshrl.u32 s4, $0x1;
	[smem:$0x7FF] =	sst s2;
	s6 =	smul.u32 $0x4E2, s6  }
0x7: {  	s31 =	ssub.s32 s4, s8;
	s8 =	simm.s32 $0x0;
	_ =	strace $0x80000047  }
0x8: {  	s3 =	sadd.s32 s7, s3;
	s4 =	sadd.s32 s5, s6;
	s5 =	smax.u32 s31, $0x1  }
0x9: {  	v0 =	vimm.f32 $0.0e+00;
	v1 =	vimm.f32 $1.000000000e+00;
	s6 =	simm.s32 $0x1;
	s7 =	simm.s32 $0x2800;
	s3 =	sadd.s32 $0x2200, s3  }
.LBB2_1:
0xa: {  	[tilespmem:s2], [sflag:$0x1] =	stream.linear.gather [hbm4b:s3+s2], $0x2800, $0x38;
	[tilespmem:$0x5000] =	vst v63  }
0xb: {  	_ =	swait.ge [sflag:s6], $0x2800  }
0xc: {  	[sflag:s6] =	ssyncset.done $0x0  }
0xd: {  	s9 =	simm.s32 $0x0;
	[sflag:s6] =	ssyncadd.s32 $0xFFFFD800  }
.LBB2_2:
0xe: {  	p0 =	sne.s32 s9, $0x9FC0  }
.Ltmp0:
0xf: {  	_ = 	snop;
	(pc) =	sbr.rel @p0 .LBB2_2-.Ltmp0, $3  }
0x10: {  	_ =	sdelay $0x1  }
0x11: {  	s10 =	sshra.s32 s9, $0x2  }
0x12: {  	s9 =	sadd.s32 $0x40, s9;
	[tilespmem:s10+$0x2800] =	vst v0  }
0x13: {  	s9 =	simm.s32 $0x0  }
.LBB2_4:
0x14: {  	s10 =	sshra.s32 s9, $0x2  }
0x15: {  	v2 =	vld [tilespmem:s10+$0x0];
	_ =	sdelay $0x7  }
0x16: {  	[tilespmem:v2+s7+$0x0] =	vst.idx.add.f32.msk $0xffff, v1  }
0x17: {  	v2 =	vld [tilespmem:s10+$0x10];
	_ =	sdelay $0x7  }
0x18: {  	[tilespmem:v2+s7+$0x0] =	vst.idx.add.f32.msk $0xffff, v1  }
0x19: {  	v2 =	vld [tilespmem:s10+$0x20];
	_ =	sdelay $0x7  }
0x1a: {  	[tilespmem:v2+s7+$0x0] =	vst.idx.add.f32.msk $0xffff, v1  }
0x1b: {  	v2 =	vld [tilespmem:s10+$0x30];
	_ =	sdelay $0x7  }
0x1c: {  	[tilespmem:v2+s7+$0x0] =	vst.idx.add.f32.msk $0xffff, v1  }
0x1d: {  	v2 =	vld [tilespmem:s10+$0x40];
	_ =	sdelay $0x7  }
0x1e: {  	[tilespmem:v2+s7+$0x0] =	vst.idx.add.f32.msk $0xffff, v1  }
0x1f: {  	v2 =	vld [tilespmem:s10+$0x50];
	_ =	sdelay $0x7  }
0x20: {  	[tilespmem:v2+s7+$0x0] =	vst.idx.add.f32.msk $0xffff, v1  }
0x21: {  	v2 =	vld [tilespmem:s10+$0x60];
	_ =	sdelay $0x7  }
0x22: {  	[tilespmem:v2+s7+$0x0] =	vst.idx.add.f32.msk $0xffff, v1  }
0x23: {  	v2 =	vld [tilespmem:s10+$0x70];
	_ =	sdelay $0x2  }
0x24: {  	p0 =	sne.s32 s9, $0x9E00  }
.Ltmp1:
0x25: {  	_ = 	snop;
	(pc) =	sbr.rel @p0 .LBB2_4-.Ltmp1, $2  }
0x26: {  	_ =	sdelay $0x2  }
0x27: {  	s9 =	sadd.s32 $0x200, s9;
	[tilespmem:v2+s7+$0x0] =	vst.idx.add.f32.msk $0xffff, v1  }
0x28: {  	s8 =	sadd.s32 $0x1, s8  }
0x29: {  	p0 =	sne.s32 s8, s5  }
.Ltmp2:
0x2a: {  	_ = 	snop;
	(pc) =	sbr.rel @p0 .LBB2_1-.Ltmp2, $4  }
0x2b: {  	[hbm4b:s4+s2] =	stream.linear.scatter [tilespmem:s7], [sflag:$0x1], $0x2710, $0x38;
	[tilespmem:$0x5000] =	vst v63  }
0x2c: {  	_ =	swait.ge [sflag:s6], $0x2710  }
0x2d: {  	[sflag:s6] =	ssyncset.done $0x0  }
0x2e: {  	[sflag:s6] =	ssyncadd.s32 $0xFFFFD8F0  }
0x2f: {  	_ =	sfence.sel $0x180000  }
0x30: {  	[bflag:$0x0] =	sbarrier.arrive $0xFFFF  }
0x31: {  	p0 =	sne.s32 s1, $0x0;
	_ =	strace $0x90000047  }
0x32: {  	s0 =	sadd.s32 @!p0 $0x100000, s0;
	[bflag:$0x2] =	sbarrier.arrive $0xFFFF  }
0x33: {  	[sflag:s0] =	ssyncadd.tile.s32 @!p0 $0x1;
	_ =	shalt  }
.Lfunc_end2:
_tile_overlayer_lowered:
.L_overlay_start_2:
0x34: {  	(tag) =	ssettag $0x2  }
0x35: {  	s0 =	rddreg [dreg:$0x0];
	s2 =	stileid.u32  }
0x36: {  	s1 =	rddreg [dreg:$0x1];
	p0 =	sne.s32 s2, $0x0  }
0x37: {  	s3 =	rddreg [dreg:$0x2];
	[bflag:$0x3] =	sbarrier.arrive $0xFFFF;
	s2 =	simm.s32 @!p0 $0x1C01  }
0x38: {  	[timem:s3], [sflag:s2] =	dma.local @!p0 [hbm:s0], s1  }
0x39: {  	s0 =	simm.s32 @!p0 $0x1  }
0x3a: {  	_ =	swait.ge @!p0 [sflag:s0], s1  }
0x3b: {  	s1 =	ssub.s32 @!p0 $0x0, s1;
	[sflag:s0] =	ssyncset.done @!p0 $0x0  }
0x3c: {  	[sflag:s0] =	ssyncadd.s32 @!p0 s1  }
0x3d: {  	[bflag:$0x3] =	sbarrier.arrive $0xFFFF  }
0x3e: {  	_ =	shalt  }

</sc_bundles>
